<compile_context>
chip_gen: v7x
topology: tpu7x:2x2x1
jax: 0.10.2.dev20260603
libtpu: 0.0.44.dev20260713+nightly
codegen_flags: <defaults>
</compile_context>

<pallas_src>
import functools
import jax
import jax.numpy as jnp
from jax import lax
from jax.experimental import pallas as pl
from jax.experimental.pallas import tpu as pltpu
from jax.experimental.pallas import tpu_sc as plsc

N = 10000
E = 320000
OUT = 64
EXT = 80
NW = 32
E_PER_W = E // NW
CHUNK = 400
NCHUNK = E_PER_W // CHUNK
IW = 80
NPAD = 10240
ROWS_PER_TILE = NPAD // 16


def _mm_nodes(h_ref, wl_ref, wr_ref, xl_ref, xr_ref):
    h = h_ref[...]
    xl_ref[...] = jnp.dot(h, wl_ref[...], preferred_element_type=jnp.float32)
    xr_ref[...] = jnp.dot(h, wr_ref[...], preferred_element_type=jnp.float32)


def _gather_pass(xl_hbm, xr_hbm, src_hbm, dst_hbm, gl_hbm, gr_hbm,
                 src_v, dst_v, xl_b, xr_b, sem,
                 src_v2, dst_v2, xl_b2, xr_b2, sem2):
    c = lax.axis_index("c")
    s = lax.axis_index("s")
    wid = c * 16 + s
    ebase = wid * E_PER_W

    def issue(base, xl_buf, xr_buf, si, di, s):
        rbase = base // IW
        pltpu.sync_copy(src_hbm.at[pl.ds(rbase, CHUNK // IW)], si)
        pltpu.sync_copy(dst_hbm.at[pl.ds(rbase, CHUNK // IW)], di)
        cps = []
        for j in range(CHUNK // IW):
            rows = pl.ds(j * IW, IW)
            cps.append(pltpu.async_copy(xl_hbm.at[si.at[j]], xl_buf.at[rows], s))
            cps.append(pltpu.async_copy(xr_hbm.at[di.at[j]], xr_buf.at[rows], s))
        return cps

    def chunk_body(i, _):
        base = ebase + i * 2 * CHUNK
        cps0 = issue(base, xl_b, xr_b, src_v, dst_v, sem)
        cps1 = issue(base + CHUNK, xl_b2, xr_b2, src_v2, dst_v2, sem2)
        for cp in cps0:
            cp.wait()
        pltpu.sync_copy(xl_b, gl_hbm.at[pl.ds(base, CHUNK)])
        pltpu.sync_copy(xr_b, gr_hbm.at[pl.ds(base, CHUNK)])
        for cp in cps1:
            cp.wait()
        pltpu.sync_copy(xl_b2, gl_hbm.at[pl.ds(base + CHUNK, CHUNK)])
        pltpu.sync_copy(xr_b2, gr_hbm.at[pl.ds(base + CHUNK, CHUNK)])
        return _
    lax.fori_loop(0, NCHUNK // 2, chunk_body, None)
    if NCHUNK % 2:
        tbase = ebase + (NCHUNK - 1) * CHUNK
        for cp in issue(tbase, xl_b, xr_b, src_v, dst_v, sem):
            cp.wait()
        pltpu.sync_copy(xl_b, gl_hbm.at[pl.ds(tbase, CHUNK)])
        pltpu.sync_copy(xr_b, gr_hbm.at[pl.ds(tbase, CHUNK)])


def _edge_dense(gl_ref, gr_ref, ea_ref, we_ref, att_ref, out_ref):
    gl = gl_ref[...]
    ee = jnp.dot(ea_ref[...], we_ref[...], preferred_element_type=jnp.float32)
    t = gl + gr_ref[...] + ee
    t = jnp.maximum(t, 0.2 * t)
    w = jnp.exp(jnp.dot(t, att_ref[0], preferred_element_type=jnp.float32))
    out_ref[:, :OUT] = w[:, None] * gl
    out_ref[:, OUT:OUT + 1] = w[:, None]
    out_ref[:, OUT + 1:] = jnp.zeros_like(out_ref[:, OUT + 1:])


def _scatter_pass(msg_hbm, dst_hbm, out_hbm, msg_b, dst_v, acc_s, sem,
                  msg_b2, dst_v2, sem2):
    c = lax.axis_index("c")
    s = lax.axis_index("s")
    wid = c * 16 + s
    ebase = wid * E_PER_W
    zeros16 = jnp.zeros((16,), jnp.float32)

    def zrow(r, _):
        for q in range(EXT // 16):
            msg_b[r, pl.ds(q * 16, 16)] = zeros16
        return _
    lax.fori_loop(0, CHUNK, zrow, None)
    pltpu.sync_copy(msg_b.at[pl.ds(0, 400)],
                    acc_s.at[pl.ds(s * ROWS_PER_TILE, 400)])
    pltpu.sync_copy(msg_b.at[pl.ds(0, 240)],
                    acc_s.at[pl.ds(s * ROWS_PER_TILE + 400, 240)])
    plsc.subcore_barrier()

    def load(base, mb, di):
        rbase = base // IW
        pltpu.sync_copy(dst_hbm.at[pl.ds(rbase, CHUNK // IW)], di)
        pltpu.sync_copy(msg_hbm.at[pl.ds(base, CHUNK)], mb)

    def adds(mb, di, s):
        return [pltpu.async_copy(mb.at[pl.ds(j * IW, IW)],
                                 acc_s.at[di.at[j]], s, add=True)
                for j in range(CHUNK // IW)]

    def chunk_body(i, _):
        base = ebase + i * 2 * CHUNK
        load(base, msg_b, dst_v)
        cps0 = adds(msg_b, dst_v, sem)
        load(base + CHUNK, msg_b2, dst_v2)
        cps1 = adds(msg_b2, dst_v2, sem2)
        for cp in cps0 + cps1:
            cp.wait()
        return _
    lax.fori_loop(0, NCHUNK // 2, chunk_body, None)
    if NCHUNK % 2:
        tbase = ebase + (NCHUNK - 1) * CHUNK
        load(tbase, msg_b, dst_v)
        for cp in adds(msg_b, dst_v, sem):
            cp.wait()

    plsc.subcore_barrier()
    rs = pl.ds(s * ROWS_PER_TILE, ROWS_PER_TILE)
    pltpu.sync_copy(acc_s.at[rs], out_hbm.at[c, rs])


def _finalize(p0_ref, p1_ref, b_ref, out_ref):
    num = p0_ref[:, :OUT] + p1_ref[:, :OUT]
    den = p0_ref[:, OUT:OUT + 1] + p1_ref[:, OUT:OUT + 1] + 1e-16
    out_ref[...] = num / den + b_ref[...]


def kernel(x, edge_index, edge_attr, rand_signal, W_l, W_r, W_e, att, bias):
    h = jnp.concatenate([x, rand_signal], axis=1)
    src = edge_index[0]
    dst = edge_index[1]

    xl, xr = pl.pallas_call(
        _mm_nodes,
        out_shape=[jax.ShapeDtypeStruct((N, OUT), jnp.float32),
                   jax.ShapeDtypeStruct((N, OUT), jnp.float32)],
    )(h, W_l, W_r)

    mesh = plsc.VectorSubcoreMesh(core_axis_name="c", subcore_axis_name="s")
    gather_k = functools.partial(
        pl.kernel,
        out_type=[jax.ShapeDtypeStruct((E, OUT), jnp.float32),
                  jax.ShapeDtypeStruct((E, OUT), jnp.float32)],
        mesh=mesh,
        scratch_types=[
            pltpu.VMEM((CHUNK // IW, IW), jnp.int32),
            pltpu.VMEM((CHUNK // IW, IW), jnp.int32),
            pltpu.VMEM((CHUNK, OUT), jnp.float32),
            pltpu.VMEM((CHUNK, OUT), jnp.float32),
            pltpu.SemaphoreType.DMA,
            pltpu.VMEM((CHUNK // IW, IW), jnp.int32),
            pltpu.VMEM((CHUNK // IW, IW), jnp.int32),
            pltpu.VMEM((CHUNK, OUT), jnp.float32),
            pltpu.VMEM((CHUNK, OUT), jnp.float32),
            pltpu.SemaphoreType.DMA,
        ],
        compiler_params=pltpu.CompilerParams(use_tc_tiling_on_sc=False),
    )(_gather_pass)
    gl, gr = gather_k(xl, xr, src.reshape(E // IW, IW), dst.reshape(E // IW, IW))

    EB = 4000
    msg = pl.pallas_call(
        _edge_dense,
        grid=(E // EB,),
        in_specs=[pl.BlockSpec((EB, OUT), lambda i: (i, 0)),
                  pl.BlockSpec((EB, OUT), lambda i: (i, 0)),
                  pl.BlockSpec((EB, 16), lambda i: (i, 0)),
                  pl.BlockSpec((16, OUT), lambda i: (0, 0)),
                  pl.BlockSpec((1, OUT), lambda i: (0, 0))],
        out_specs=pl.BlockSpec((EB, EXT), lambda i: (i, 0)),
        out_shape=jax.ShapeDtypeStruct((E, EXT), jnp.float32),
    )(gl, gr, edge_attr, W_e, att.reshape(1, OUT))

    scatter_k = functools.partial(
        pl.kernel,
        out_type=jax.ShapeDtypeStruct((2, NPAD, EXT), jnp.float32),
        mesh=mesh,
        scratch_types=[
            pltpu.VMEM((CHUNK, EXT), jnp.float32),
            pltpu.VMEM((CHUNK // IW, IW), jnp.int32),
            pltpu.VMEM_SHARED((NPAD, EXT), jnp.float32),
            pltpu.SemaphoreType.DMA,
            pltpu.VMEM((CHUNK, EXT), jnp.float32),
            pltpu.VMEM((CHUNK // IW, IW), jnp.int32),
            pltpu.SemaphoreType.DMA,
        ],
        compiler_params=pltpu.CompilerParams(use_tc_tiling_on_sc=False),
    )(_scatter_pass)
    partials = scatter_k(msg, dst.reshape(E // IW, IW))

    NB = 2000
    out = pl.pallas_call(
        _finalize,
        grid=(N // NB,),
        in_specs=[pl.BlockSpec((NB, EXT), lambda i: (i, 0)),
                  pl.BlockSpec((NB, EXT), lambda i: (i, 0)),
                  pl.BlockSpec((1, OUT), lambda i: (0, 0))],
        out_specs=pl.BlockSpec((NB, OUT), lambda i: (i, 0)),
        out_shape=jax.ShapeDtypeStruct((N, OUT), jnp.float32),
    )(partials[0, :N], partials[1, :N], bias.reshape(1, OUT))
    return out

# --- scband reference (transcript-rebuilt; emitter-appended) ---
"""Pipeline reference for scband-model2-d-34273839022223 (READ-ONLY COPY).

The authoritative reference and input builder live on the scoring server;
editing this copy changes nothing except your own understanding.
"""

import jax, jax.numpy as jnp
import numpy as np

N = 10000
E = 320000
D = 128
RS = 1
OUT = 64
ED = 16


def setup_inputs(seed: int = 0) -> dict:
    key = jax.random.key(seed)
    ks = jax.random.split(key, 9)
    x = jax.random.normal(ks[0], (N, D), dtype=jnp.float32)
    edge_index = jax.random.randint(ks[1], (2, E), 0, N, dtype=jnp.int32)
    edge_attr = jax.random.normal(ks[2], (E, ED), dtype=jnp.float32)
    # RandomSignal: np.random.randn concatenated column(s); materialized as an input
    rand_signal = jax.random.normal(ks[3], (N, RS), dtype=jnp.float32)
    # GATv2Conv parameters (single head): lin_l, lin_r, lin_edge, att, bias
    s = 1.0 / np.sqrt(D + RS)
    W_l = jax.random.uniform(ks[4], (D + RS, OUT), jnp.float32, -s, s)
    W_r = jax.random.uniform(ks[5], (D + RS, OUT), jnp.float32, -s, s)
    se = 1.0 / np.sqrt(ED)
    W_e = jax.random.uniform(ks[6], (ED, OUT), jnp.float32, -se, se)
    so = 1.0 / np.sqrt(OUT)
    att = jax.random.uniform(ks[7], (OUT,), jnp.float32, -so, so)
    bias = jnp.zeros((OUT,), jnp.float32)
    return {"x": x, "edge_index": edge_index, "edge_attr": edge_attr,
            "rand_signal": rand_signal, "W_l": W_l, "W_r": W_r, "W_e": W_e,
            "att": att, "bias": bias}


def reference(x, edge_index, edge_attr, rand_signal, W_l, W_r, W_e, att, bias):
    # RandomSignal: concat random columns
    h = jnp.concatenate([x, rand_signal], axis=1)  # [N, D+RS]
    # GATv2Conv (heads=1):
    x_l = h @ W_l  # source transform [N, OUT]
    x_r = h @ W_r  # target transform [N, OUT]
    src = edge_index[0]
    dst = edge_index[1]
    e_edge = edge_attr @ W_e  # [E, OUT]
    e = x_l[src] + x_r[dst] + e_edge  # gather per edge
    e = jax.nn.leaky_relu(e, negative_slope=0.2)
    logits = e @ att  # [E]
    # segment softmax over incoming edges of each dst node
    m = jax.ops.segment_max(logits, dst, num_segments=N)
    m = jnp.where(jnp.isfinite(m), m, 0.0)
    ex = jnp.exp(logits - m[dst])
    denom = jax.ops.segment_sum(ex, dst, num_segments=N)
    alpha = ex / (denom[dst] + 1e-16)
    msg = alpha[:, None] * x_l[src]  # [E, OUT]
    out = jax.ops.segment_sum(msg, dst, num_segments=N) + bias  # scatter-add
    return out

if __name__ == "__main__":
    import jax
    _d = setup_inputs()
    print(jax.jit(kernel)(*tuple(_d.values())))

</pallas_src>

<mosaic_0001>
#map = affine_map<(d0, d1) -> (0, 0)>
module attributes {stable_mosaic.version = 14 : i64} {
  func.func @_gather_pass(%arg0: i32, %arg1: i32, %arg2: memref<10000x64xf32, #tpu.memory_space<hbm>>, %arg3: memref<10000x64xf32, #tpu.memory_space<hbm>>, %arg4: memref<4000x80xi32, #tpu.memory_space<hbm>>, %arg5: memref<4000x80xi32, #tpu.memory_space<hbm>>, %arg6: memref<320000x64xf32, #tpu.memory_space<hbm>>, %arg7: memref<320000x64xf32, #tpu.memory_space<hbm>>, %arg8: memref<5x80xi32, #tpu.memory_space<vmem>>, %arg9: memref<5x80xi32, #tpu.memory_space<vmem>>, %arg10: memref<400x64xf32, #tpu.memory_space<vmem>>, %arg11: memref<400x64xf32, #tpu.memory_space<vmem>>, %arg12: memref<!tpu.dma_semaphore, #tpu.memory_space<semaphore_mem>>, %arg13: memref<5x80xi32, #tpu.memory_space<vmem>>, %arg14: memref<5x80xi32, #tpu.memory_space<vmem>>, %arg15: memref<400x64xf32, #tpu.memory_space<vmem>>, %arg16: memref<400x64xf32, #tpu.memory_space<vmem>>, %arg17: memref<!tpu.dma_semaphore, #tpu.memory_space<semaphore_mem>>) attributes {dimension_semantics = [#tpu.dimension_semantics<core_parallel>, #tpu.dimension_semantics<subcore_parallel>], iteration_bounds = array<i64: 2, 16>, scalar_prefetch = 0 : i64, scratch_operands = 10 : i64, tpu.core_type = #tpu.core_type<sc_vector_subcore>, window_params = [{transform_indices = #map}, {transform_indices = #map}, {transform_indices = #map}, {transform_indices = #map}, {transform_indices = #map}, {transform_indices = #map}]} {
    %mul3A = arith.constant 16 : i32
    %mul3A_0 = arith.muli %arg0, %mul3A : i32
    %add3A = arith.addi %mul3A_0, %arg1 : i32
    %mul3A_1 = arith.constant 10000 : i32
    %mul3A_2 = arith.muli %add3A, %mul3A_1 : i32
    %scan3A = arith.constant 0 : i32
    %scan3A_3 = arith.constant 12 : i32
    %scan3A_4 = arith.addi %scan3A, %scan3A_3 : i32
    %scan3A_5 = arith.constant 1 : i32
    scf.for %scan3A_223 = %scan3A to %scan3A_4 step %scan3A_5  : i32 {
      %mul3A_224 = arith.constant 2 : i32
      %mul3A_225 = arith.muli %scan3A_223, %mul3A_224 : i32
      %mul3A_226 = arith.constant 400 : i32
      %mul3A_227 = arith.muli %mul3A_225, %mul3A_226 : i32
      %add3A_228 = arith.addi %mul3A_2, %mul3A_227 : i32
      %jit3A_229 = arith.constant 80 : i32
      %div3A_230 = arith.divsi %add3A_228, %jit3A_229 : i32
      %sign3A_231 = arith.constant 0 : i32
      %sign3A_232 = arith.cmpi sgt, %add3A_228, %sign3A_231 : i32
      %sign3A_233 = arith.extui %sign3A_232 : i1 to i32
      %sign3A_234 = arith.constant 0 : i32
      %sign3A_235 = arith.cmpi slt, %add3A_228, %sign3A_234 : i32
      %sign3A_236 = arith.extui %sign3A_235 : i1 to i32
      %sign3A_237 = arith.subi %sign3A_233, %sign3A_236 : i32
      %sign3A_238 = arith.constant 0 : i32
      %sign3A_239 = arith.cmpi sgt, %jit3A_229, %sign3A_238 : i32
      %sign3A_240 = arith.extui %sign3A_239 : i1 to i32
      %sign3A_241 = arith.constant 0 : i32
      %sign3A_242 = arith.cmpi slt, %jit3A_229, %sign3A_241 : i32
      %sign3A_243 = arith.extui %sign3A_242 : i1 to i32
      %sign3A_244 = arith.subi %sign3A_240, %sign3A_243 : i32
      %ne3A_245 = arith.cmpi ne, %sign3A_237, %sign3A_244 : i32
      %rem3A_246 = arith.remsi %add3A_228, %jit3A_229 : i32
      %ne3A_247 = arith.constant 0 : i32
      %ne3A_248 = arith.cmpi ne, %rem3A_246, %ne3A_247 : i32
      %and3A_249 = arith.andi %ne3A_245, %ne3A_248 : i1
      %sub3A_250 = arith.constant 1 : i32
      %sub3A_251 = arith.subi %div3A_230, %sub3A_250 : i32
      %select_n3A_252 = arith.select %and3A_249, %sub3A_251, %div3A_230 : i32
      "tpu.region"() ({
        %run_scoped3A = tpu.sem_alloc : memref<!tpu.dma_semaphore, #tpu.memory_space<semaphore_mem>>
        %dma_start3A_683 = arith.constant 0 : i32
        %dma_start3A_684 = tpu.memref_slice %arg4[%select_n3A_252, %dma_start3A_683] : memref<4000x80xi32, #tpu.memory_space<hbm>> -> memref<5x80xi32, #tpu.memory_space<hbm>>
        %dma_start3A_685 = arith.constant 0 : i32
        %dma_start3A_686 = tpu.memref_slice %arg4[%select_n3A_252, %dma_start3A_685] : memref<4000x80xi32, #tpu.memory_space<hbm>> -> memref<5x80xi32, #tpu.memory_space<hbm>>
        tpu.enqueue_dma source(%dma_start3A_686 : memref<5x80xi32, #tpu.memory_space<hbm>>) target(%arg8 : memref<5x80xi32, #tpu.memory_space<vmem>>) target_semaphore(%run_scoped3A : memref<!tpu.dma_semaphore, #tpu.memory_space<semaphore_mem>>)
        %dma_wait3A_687 = arith.constant 0 : i32
        %dma_wait3A_688 = tpu.memref_slice %arg4[%select_n3A_252, %dma_wait3A_687] : memref<4000x80xi32, #tpu.memory_space<hbm>> -> memref<5x80xi32, #tpu.memory_space<hbm>>
        %dma_wait3A_689 = arith.constant 0 : i32
        %dma_wait3A_690 = tpu.memref_slice %arg4[%select_n3A_252, %dma_wait3A_689] : memref<4000x80xi32, #tpu.memory_space<hbm>> -> memref<5x80xi32, #tpu.memory_space<hbm>>
        tpu.wait_dma2 semaphore(%run_scoped3A : memref<!tpu.dma_semaphore, #tpu.memory_space<semaphore_mem>>) src(%dma_wait3A_690 : memref<5x80xi32, #tpu.memory_space<hbm>>) dst(%arg8 : memref<5x80xi32, #tpu.memory_space<vmem>>)
        tpu.yield
      }) : () -> ()
      "tpu.region"() ({
        %run_scoped3A = tpu.sem_alloc : memref<!tpu.dma_semaphore, #tpu.memory_space<semaphore_mem>>
        %dma_start3A_683 = arith.constant 0 : i32
        %dma_start3A_684 = tpu.memref_slice %arg5[%select_n3A_252, %dma_start3A_683] : memref<4000x80xi32, #tpu.memory_space<hbm>> -> memref<5x80xi32, #tpu.memory_space<hbm>>
        %dma_start3A_685 = arith.constant 0 : i32
        %dma_start3A_686 = tpu.memref_slice %arg5[%select_n3A_252, %dma_start3A_685] : memref<4000x80xi32, #tpu.memory_space<hbm>> -> memref<5x80xi32, #tpu.memory_space<hbm>>
        tpu.enqueue_dma source(%dma_start3A_686 : memref<5x80xi32, #tpu.memory_space<hbm>>) target(%arg9 : memref<5x80xi32, #tpu.memory_space<vmem>>) target_semaphore(%run_scoped3A : memref<!tpu.dma_semaphore, #tpu.memory_space<semaphore_mem>>)
        %dma_wait3A_687 = arith.constant 0 : i32
        %dma_wait3A_688 = tpu.memref_slice %arg5[%select_n3A_252, %dma_wait3A_687] : memref<4000x80xi32, #tpu.memory_space<hbm>> -> memref<5x80xi32, #tpu.memory_space<hbm>>
        %dma_wait3A_689 = arith.constant 0 : i32
        %dma_wait3A_690 = tpu.memref_slice %arg5[%select_n3A_252, %dma_wait3A_689] : memref<4000x80xi32, #tpu.memory_space<hbm>> -> memref<5x80xi32, #tpu.memory_space<hbm>>
        tpu.wait_dma2 semaphore(%run_scoped3A : memref<!tpu.dma_semaphore, #tpu.memory_space<semaphore_mem>>) src(%dma_wait3A_690 : memref<5x80xi32, #tpu.memory_space<hbm>>) dst(%arg9 : memref<5x80xi32, #tpu.memory_space<vmem>>)
        tpu.yield
      }) : () -> ()
      %dma_start3A_253 = arith.constant 0 : i32
      %dma_start3A_254 = arith.constant 0 : i32
      %dma_start3A_255 = arith.constant 0 : i32
      %dma_start3A_256 = tpu.memref_slice %arg10[%dma_start3A_254, %dma_start3A_255] : memref<400x64xf32, #tpu.memory_space<vmem>> -> memref<80x64xf32, #tpu.memory_space<vmem>>
      %dma_start3A_257 = arith.constant 0 : i32
      %dma_start3A_258 = tpu.memref_slice %arg8[%dma_start3A_253, %dma_start3A_257] : memref<5x80xi32, #tpu.memory_space<vmem>> -> memref<1x80xi32, #tpu.memory_space<vmem>>
      %dma_start3A_259 = tpu.memref_squeeze %dma_start3A_258 : memref<1x80xi32, #tpu.memory_space<vmem>> -> memref<80xi32, #tpu.memory_space<vmem>>
      %dma_start3A_260 = arith.constant 0 : i32
      %dma_start3A_261 = arith.constant 0 : i32
      %dma_start3A_262 = tpu.memref_slice %arg2[%dma_start3A_260, %dma_start3A_261] : memref<10000x64xf32, #tpu.memory_space<hbm>> -> memref<10000x64xf32, #tpu.memory_space<hbm>>
      tpu.enqueue_indirect_dma source(%dma_start3A_262 : memref<10000x64xf32, #tpu.memory_space<hbm>>) target(%dma_start3A_256 : memref<80x64xf32, #tpu.memory_space<vmem>>) offsets(%dma_start3A_259 : memref<80xi32, #tpu.memory_space<vmem>>) semaphore(%arg12 : memref<!tpu.dma_semaphore, #tpu.memory_space<semaphore_mem>>)
      %dma_start3A_263 = arith.constant 0 : i32
      %dma_start3A_264 = arith.constant 0 : i32
      %dma_start3A_265 = arith.constant 0 : i32
      %dma_start3A_266 = tpu.memref_slice %arg11[%dma_start3A_264, %dma_start3A_265] : memref<400x64xf32, #tpu.memory_space<vmem>> -> memref<80x64xf32, #tpu.memory_space<vmem>>
      %dma_start3A_267 = arith.constant 0 : i32
      %dma_start3A_268 = tpu.memref_slice %arg9[%dma_start3A_263, %dma_start3A_267] : memref<5x80xi32, #tpu.memory_space<vmem>> -> memref<1x80xi32, #tpu.memory_space<vmem>>
      %dma_start3A_269 = tpu.memref_squeeze %dma_start3A_268 : memref<1x80xi32, #tpu.memory_space<vmem>> -> memref<80xi32, #tpu.memory_space<vmem>>
      %dma_start3A_270 = arith.constant 0 : i32
      %dma_start3A_271 = arith.constant 0 : i32
      %dma_start3A_272 = tpu.memref_slice %arg3[%dma_start3A_270, %dma_start3A_271] : memref<10000x64xf32, #tpu.memory_space<hbm>> -> memref<10000x64xf32, #tpu.memory_space<hbm>>
      tpu.enqueue_indirect_dma source(%dma_start3A_272 : memref<10000x64xf32, #tpu.memory_space<hbm>>) target(%dma_start3A_266 : memref<80x64xf32, #tpu.memory_space<vmem>>) offsets(%dma_start3A_269 : memref<80xi32, #tpu.memory_space<vmem>>) semaphore(%arg12 : memref<!tpu.dma_semaphore, #tpu.memory_space<semaphore_mem>>)
      %dma_start3A_273 = arith.constant 1 : i32
      %dma_start3A_274 = arith.constant 80 : i32
      %dma_start3A_275 = arith.constant 0 : i32
      %dma_start3A_276 = tpu.memref_slice %arg10[%dma_start3A_274, %dma_start3A_275] : memref<400x64xf32, #tpu.memory_space<vmem>> -> memref<80x64xf32, #tpu.memory_space<vmem>>
      %dma_start3A_277 = arith.constant 0 : i32
      %dma_start3A_278 = tpu.memref_slice %arg8[%dma_start3A_273, %dma_start3A_277] : memref<5x80xi32, #tpu.memory_space<vmem>> -> memref<1x80xi32, #tpu.memory_space<vmem>>
      %dma_start3A_279 = tpu.memref_squeeze %dma_start3A_278 : memref<1x80xi32, #tpu.memory_space<vmem>> -> memref<80xi32, #tpu.memory_space<vmem>>
      %dma_start3A_280 = arith.constant 0 : i32
      %dma_start3A_281 = arith.constant 0 : i32
      %dma_start3A_282 = tpu.memref_slice %arg2[%dma_start3A_280, %dma_start3A_281] : memref<10000x64xf32, #tpu.memory_space<hbm>> -> memref<10000x64xf32, #tpu.memory_space<hbm>>
      tpu.enqueue_indirect_dma source(%dma_start3A_282 : memref<10000x64xf32, #tpu.memory_space<hbm>>) target(%dma_start3A_276 : memref<80x64xf32, #tpu.memory_space<vmem>>) offsets(%dma_start3A_279 : memref<80xi32, #tpu.memory_space<vmem>>) semaphore(%arg12 : memref<!tpu.dma_semaphore, #tpu.memory_space<semaphore_mem>>)
      %dma_start3A_283 = arith.constant 1 : i32
      %dma_start3A_284 = arith.constant 80 : i32
      %dma_start3A_285 = arith.constant 0 : i32
      %dma_start3A_286 = tpu.memref_slice %arg11[%dma_start3A_284, %dma_start3A_285] : memref<400x64xf32, #tpu.memory_space<vmem>> -> memref<80x64xf32, #tpu.memory_space<vmem>>
      %dma_start3A_287 = arith.constant 0 : i32
      %dma_start3A_288 = tpu.memref_slice %arg9[%dma_start3A_283, %dma_start3A_287] : memref<5x80xi32, #tpu.memory_space<vmem>> -> memref<1x80xi32, #tpu.memory_space<vmem>>
      %dma_start3A_289 = tpu.memref_squeeze %dma_start3A_288 : memref<1x80xi32, #tpu.memory_space<vmem>> -> memref<80xi32, #tpu.memory_space<vmem>>
      %dma_start3A_290 = arith.constant 0 : i32
      %dma_start3A_291 = arith.constant 0 : i32
      %dma_start3A_292 = tpu.memref_slice %arg3[%dma_start3A_290, %dma_start3A_291] : memref<10000x64xf32, #tpu.memory_space<hbm>> -> memref<10000x64xf32, #tpu.memory_space<hbm>>
      tpu.enqueue_indirect_dma source(%dma_start3A_292 : memref<10000x64xf32, #tpu.memory_space<hbm>>) target(%dma_start3A_286 : memref<80x64xf32, #tpu.memory_space<vmem>>) offsets(%dma_start3A_289 : memref<80xi32, #tpu.memory_space<vmem>>) semaphore(%arg12 : memref<!tpu.dma_semaphore, #tpu.memory_space<semaphore_mem>>)
      %dma_start3A_293 = arith.constant 2 : i32
      %dma_start3A_294 = arith.constant 160 : i32
      %dma_start3A_295 = arith.constant 0 : i32
      %dma_start3A_296 = tpu.memref_slice %arg10[%dma_start3A_294, %dma_start3A_295] : memref<400x64xf32, #tpu.memory_space<vmem>> -> memref<80x64xf32, #tpu.memory_space<vmem>>
      %dma_start3A_297 = arith.constant 0 : i32
      %dma_start3A_298 = tpu.memref_slice %arg8[%dma_start3A_293, %dma_start3A_297] : memref<5x80xi32, #tpu.memory_space<vmem>> -> memref<1x80xi32, #tpu.memory_space<vmem>>
      %dma_start3A_299 = tpu.memref_squeeze %dma_start3A_298 : memref<1x80xi32, #tpu.memory_space<vmem>> -> memref<80xi32, #tpu.memory_space<vmem>>
      %dma_start3A_300 = arith.constant 0 : i32
      %dma_start3A_301 = arith.constant 0 : i32
      %dma_start3A_302 = tpu.memref_slice %arg2[%dma_start3A_300, %dma_start3A_301] : memref<10000x64xf32, #tpu.memory_space<hbm>> -> memref<10000x64xf32, #tpu.memory_space<hbm>>
      tpu.enqueue_indirect_dma source(%dma_start3A_302 : memref<10000x64xf32, #tpu.memory_space<hbm>>) target(%dma_start3A_296 : memref<80x64xf32, #tpu.memory_space<vmem>>) offsets(%dma_start3A_299 : memref<80xi32, #tpu.memory_space<vmem>>) semaphore(%arg12 : memref<!tpu.dma_semaphore, #tpu.memory_space<semaphore_mem>>)
      %dma_start3A_303 = arith.constant 2 : i32
      %dma_start3A_304 = arith.constant 160 : i32
      %dma_start3A_305 = arith.constant 0 : i32
      %dma_start3A_306 = tpu.memref_slice %arg11[%dma_start3A_304, %dma_start3A_305] : memref<400x64xf32, #tpu.memory_space<vmem>> -> memref<80x64xf32, #tpu.memory_space<vmem>>
      %dma_start3A_307 = arith.constant 0 : i32
      %dma_start3A_308 = tpu.memref_slice %arg9[%dma_start3A_303, %dma_start3A_307] : memref<5x80xi32, #tpu.memory_space<vmem>> -> memref<1x80xi32, #tpu.memory_space<vmem>>
      %dma_start3A_309 = tpu.memref_squeeze %dma_start3A_308 : memref<1x80xi32, #tpu.memory_space<vmem>> -> memref<80xi32, #tpu.memory_space<vmem>>
      %dma_start3A_310 = arith.constant 0 : i32
      %dma_start3A_311 = arith.constant 0 : i32
      %dma_start3A_312 = tpu.memref_slice %arg3[%dma_start3A_310, %dma_start3A_311] : memref<10000x64xf32, #tpu.memory_space<hbm>> -> memref<10000x64xf32, #tpu.memory_space<hbm>>
      tpu.enqueue_indirect_dma source(%dma_start3A_312 : memref<10000x64xf32, #tpu.memory_space<hbm>>) target(%dma_start3A_306 : memref<80x64xf32, #tpu.memory_space<vmem>>) offsets(%dma_start3A_309 : memref<80xi32, #tpu.memory_space<vmem>>) semaphore(%arg12 : memref<!tpu.dma_semaphore, #tpu.memory_space<semaphore_mem>>)
      %dma_start3A_313 = arith.constant 3 : i32
      %dma_start3A_314 = arith.constant 240 : i32
      %dma_start3A_315 = arith.constant 0 : i32
      %dma_start3A_316 = tpu.memref_slice %arg10[%dma_start3A_314, %dma_start3A_315] : memref<400x64xf32, #tpu.memory_space<vmem>> -> memref<80x64xf32, #tpu.memory_space<vmem>>
      %dma_start3A_317 = arith.constant 0 : i32
      %dma_start3A_318 = tpu.memref_slice %arg8[%dma_start3A_313, %dma_start3A_317] : memref<5x80xi32, #tpu.memory_space<vmem>> -> memref<1x80xi32, #tpu.memory_space<vmem>>
      %dma_start3A_319 = tpu.memref_squeeze %dma_start3A_318 : memref<1x80xi32, #tpu.memory_space<vmem>> -> memref<80xi32, #tpu.memory_space<vmem>>
      %dma_start3A_320 = arith.constant 0 : i32
      %dma_start3A_321 = arith.constant 0 : i32
      %dma_start3A_322 = tpu.memref_slice %arg2[%dma_start3A_320, %dma_start3A_321] : memref<10000x64xf32, #tpu.memory_space<hbm>> -> memref<10000x64xf32, #tpu.memory_space<hbm>>
      tpu.enqueue_indirect_dma source(%dma_start3A_322 : memref<10000x64xf32, #tpu.memory_space<hbm>>) target(%dma_start3A_316 : memref<80x64xf32, #tpu.memory_space<vmem>>) offsets(%dma_start3A_319 : memref<80xi32, #tpu.memory_space<vmem>>) semaphore(%arg12 : memref<!tpu.dma_semaphore, #tpu.memory_space<semaphore_mem>>)
      %dma_start3A_323 = arith.constant 3 : i32
      %dma_start3A_324 = arith.constant 240 : i32
      %dma_start3A_325 = arith.constant 0 : i32
      %dma_start3A_326 = tpu.memref_slice %arg11[%dma_start3A_324, %dma_start3A_325] : memref<400x64xf32, #tpu.memory_space<vmem>> -> memref<80x64xf32, #tpu.memory_space<vmem>>
      %dma_start3A_327 = arith.constant 0 : i32
      %dma_start3A_328 = tpu.memref_slice %arg9[%dma_start3A_323, %dma_start3A_327] : memref<5x80xi32, #tpu.memory_space<vmem>> -> memref<1x80xi32, #tpu.memory_space<vmem>>
      %dma_start3A_329 = tpu.memref_squeeze %dma_start3A_328 : memref<1x80xi32, #tpu.memory_space<vmem>> -> memref<80xi32, #tpu.memory_space<vmem>>
      %dma_start3A_330 = arith.constant 0 : i32
      %dma_start3A_331 = arith.constant 0 : i32
      %dma_start3A_332 = tpu.memref_slice %arg3[%dma_start3A_330, %dma_start3A_331] : memref<10000x64xf32, #tpu.memory_space<hbm>> -> memref<10000x64xf32, #tpu.memory_space<hbm>>
      tpu.enqueue_indirect_dma source(%dma_start3A_332 : memref<10000x64xf32, #tpu.memory_space<hbm>>) target(%dma_start3A_326 : memref<80x64xf32, #tpu.memory_space<vmem>>) offsets(%dma_start3A_329 : memref<80xi32, #tpu.memory_space<vmem>>) semaphore(%arg12 : memref<!tpu.dma_semaphore, #tpu.memory_space<semaphore_mem>>)
      %dma_start3A_333 = arith.constant 4 : i32
      %dma_start3A_334 = arith.constant 320 : i32
      %dma_start3A_335 = arith.constant 0 : i32
      %dma_start3A_336 = tpu.memref_slice %arg10[%dma_start3A_334, %dma_start3A_335] : memref<400x64xf32, #tpu.memory_space<vmem>> -> memref<80x64xf32, #tpu.memory_space<vmem>>
      %dma_start3A_337 = arith.constant 0 : i32
      %dma_start3A_338 = tpu.memref_slice %arg8[%dma_start3A_333, %dma_start3A_337] : memref<5x80xi32, #tpu.memory_space<vmem>> -> memref<1x80xi32, #tpu.memory_space<vmem>>
      %dma_start3A_339 = tpu.memref_squeeze %dma_start3A_338 : memref<1x80xi32, #tpu.memory_space<vmem>> -> memref<80xi32, #tpu.memory_space<vmem>>
      %dma_start3A_340 = arith.constant 0 : i32
      %dma_start3A_341 = arith.constant 0 : i32
      %dma_start3A_342 = tpu.memref_slice %arg2[%dma_start3A_340, %dma_start3A_341] : memref<10000x64xf32, #tpu.memory_space<hbm>> -> memref<10000x64xf32, #tpu.memory_space<hbm>>
      tpu.enqueue_indirect_dma source(%dma_start3A_342 : memref<10000x64xf32, #tpu.memory_space<hbm>>) target(%dma_start3A_336 : memref<80x64xf32, #tpu.memory_space<vmem>>) offsets(%dma_start3A_339 : memref<80xi32, #tpu.memory_space<vmem>>) semaphore(%arg12 : memref<!tpu.dma_semaphore, #tpu.memory_space<semaphore_mem>>)
      %dma_start3A_343 = arith.constant 4 : i32
      %dma_start3A_344 = arith.constant 320 : i32
      %dma_start3A_345 = arith.constant 0 : i32
      %dma_start3A_346 = tpu.memref_slice %arg11[%dma_start3A_344, %dma_start3A_345] : memref<400x64xf32, #tpu.memory_space<vmem>> -> memref<80x64xf32, #tpu.memory_space<vmem>>
      %dma_start3A_347 = arith.constant 0 : i32
      %dma_start3A_348 = tpu.memref_slice %arg9[%dma_start3A_343, %dma_start3A_347] : memref<5x80xi32, #tpu.memory_space<vmem>> -> memref<1x80xi32, #tpu.memory_space<vmem>>
      %dma_start3A_349 = tpu.memref_squeeze %dma_start3A_348 : memref<1x80xi32, #tpu.memory_space<vmem>> -> memref<80xi32, #tpu.memory_space<vmem>>
      %dma_start3A_350 = arith.constant 0 : i32
      %dma_start3A_351 = arith.constant 0 : i32
      %dma_start3A_352 = tpu.memref_slice %arg3[%dma_start3A_350, %dma_start3A_351] : memref<10000x64xf32, #tpu.memory_space<hbm>> -> memref<10000x64xf32, #tpu.memory_space<hbm>>
      tpu.enqueue_indirect_dma source(%dma_start3A_352 : memref<10000x64xf32, #tpu.memory_space<hbm>>) target(%dma_start3A_346 : memref<80x64xf32, #tpu.memory_space<vmem>>) offsets(%dma_start3A_349 : memref<80xi32, #tpu.memory_space<vmem>>) semaphore(%arg12 : memref<!tpu.dma_semaphore, #tpu.memory_space<semaphore_mem>>)
      %add3A_353 = arith.constant 400 : i32
      %add3A_354 = arith.addi %add3A_228, %add3A_353 : i32
      %jit3A_355 = arith.constant 80 : i32
      %div3A_356 = arith.divsi %add3A_354, %jit3A_355 : i32
      %sign3A_357 = arith.constant 0 : i32
      %sign3A_358 = arith.cmpi sgt, %add3A_354, %sign3A_357 : i32
      %sign3A_359 = arith.extui %sign3A_358 : i1 to i32
      %sign3A_360 = arith.constant 0 : i32
      %sign3A_361 = arith.cmpi slt, %add3A_354, %sign3A_360 : i32
      %sign3A_362 = arith.extui %sign3A_361 : i1 to i32
      %sign3A_363 = arith.subi %sign3A_359, %sign3A_362 : i32
      %sign3A_364 = arith.constant 0 : i32
      %sign3A_365 = arith.cmpi sgt, %jit3A_355, %sign3A_364 : i32
      %sign3A_366 = arith.extui %sign3A_365 : i1 to i32
      %sign3A_367 = arith.constant 0 : i32
      %sign3A_368 = arith.cmpi slt, %jit3A_355, %sign3A_367 : i32
      %sign3A_369 = arith.extui %sign3A_368 : i1 to i32
      %sign3A_370 = arith.subi %sign3A_366, %sign3A_369 : i32
      %ne3A_371 = arith.cmpi ne, %sign3A_363, %sign3A_370 : i32
      %rem3A_372 = arith.remsi %add3A_354, %jit3A_355 : i32
      %ne3A_373 = arith.constant 0 : i32
      %ne3A_374 = arith.cmpi ne, %rem3A_372, %ne3A_373 : i32
      %and3A_375 = arith.andi %ne3A_371, %ne3A_374 : i1
      %sub3A_376 = arith.constant 1 : i32
      %sub3A_377 = arith.subi %div3A_356, %sub3A_376 : i32
      %select_n3A_378 = arith.select %and3A_375, %sub3A_377, %div3A_356 : i32
      "tpu.region"() ({
        %run_scoped3A = tpu.sem_alloc : memref<!tpu.dma_semaphore, #tpu.memory_space<semaphore_mem>>
        %dma_start3A_683 = arith.constant 0 : i32
        %dma_start3A_684 = tpu.memref_slice %arg4[%select_n3A_378, %dma_start3A_683] : memref<4000x80xi32, #tpu.memory_space<hbm>> -> memref<5x80xi32, #tpu.memory_space<hbm>>
        %dma_start3A_685 = arith.constant 0 : i32
        %dma_start3A_686 = tpu.memref_slice %arg4[%select_n3A_378, %dma_start3A_685] : memref<4000x80xi32, #tpu.memory_space<hbm>> -> memref<5x80xi32, #tpu.memory_space<hbm>>
        tpu.enqueue_dma source(%dma_start3A_686 : memref<5x80xi32, #tpu.memory_space<hbm>>) target(%arg13 : memref<5x80xi32, #tpu.memory_space<vmem>>) target_semaphore(%run_scoped3A : memref<!tpu.dma_semaphore, #tpu.memory_space<semaphore_mem>>)
        %dma_wait3A_687 = arith.constant 0 : i32
        %dma_wait3A_688 = tpu.memref_slice %arg4[%select_n3A_378, %dma_wait3A_687] : memref<4000x80xi32, #tpu.memory_space<hbm>> -> memref<5x80xi32, #tpu.memory_space<hbm>>
        %dma_wait3A_689 = arith.constant 0 : i32
        %dma_wait3A_690 = tpu.memref_slice %arg4[%select_n3A_378, %dma_wait3A_689] : memref<4000x80xi32, #tpu.memory_space<hbm>> -> memref<5x80xi32, #tpu.memory_space<hbm>>
        tpu.wait_dma2 semaphore(%run_scoped3A : memref<!tpu.dma_semaphore, #tpu.memory_space<semaphore_mem>>) src(%dma_wait3A_690 : memref<5x80xi32, #tpu.memory_space<hbm>>) dst(%arg13 : memref<5x80xi32, #tpu.memory_space<vmem>>)
        tpu.yield
      }) : () -> ()
      "tpu.region"() ({
        %run_scoped3A = tpu.sem_alloc : memref<!tpu.dma_semaphore, #tpu.memory_space<semaphore_mem>>
        %dma_start3A_683 = arith.constant 0 : i32
        %dma_start3A_684 = tpu.memref_slice %arg5[%select_n3A_378, %dma_start3A_683] : memref<4000x80xi32, #tpu.memory_space<hbm>> -> memref<5x80xi32, #tpu.memory_space<hbm>>
        %dma_start3A_685 = arith.constant 0 : i32
        %dma_start3A_686 = tpu.memref_slice %arg5[%select_n3A_378, %dma_start3A_685] : memref<4000x80xi32, #tpu.memory_space<hbm>> -> memref<5x80xi32, #tpu.memory_space<hbm>>
        tpu.enqueue_dma source(%dma_start3A_686 : memref<5x80xi32, #tpu.memory_space<hbm>>) target(%arg14 : memref<5x80xi32, #tpu.memory_space<vmem>>) target_semaphore(%run_scoped3A : memref<!tpu.dma_semaphore, #tpu.memory_space<semaphore_mem>>)
        %dma_wait3A_687 = arith.constant 0 : i32
        %dma_wait3A_688 = tpu.memref_slice %arg5[%select_n3A_378, %dma_wait3A_687] : memref<4000x80xi32, #tpu.memory_space<hbm>> -> memref<5x80xi32, #tpu.memory_space<hbm>>
        %dma_wait3A_689 = arith.constant 0 : i32
        %dma_wait3A_690 = tpu.memref_slice %arg5[%select_n3A_378, %dma_wait3A_689] : memref<4000x80xi32, #tpu.memory_space<hbm>> -> memref<5x80xi32, #tpu.memory_space<hbm>>
        tpu.wait_dma2 semaphore(%run_scoped3A : memref<!tpu.dma_semaphore, #tpu.memory_space<semaphore_mem>>) src(%dma_wait3A_690 : memref<5x80xi32, #tpu.memory_space<hbm>>) dst(%arg14 : memref<5x80xi32, #tpu.memory_space<vmem>>)
        tpu.yield
      }) : () -> ()
      %dma_start3A_379 = arith.constant 0 : i32
      %dma_start3A_380 = arith.constant 0 : i32
      %dma_start3A_381 = arith.constant 0 : i32
      %dma_start3A_382 = tpu.memref_slice %arg15[%dma_start3A_380, %dma_start3A_381] : memref<400x64xf32, #tpu.memory_space<vmem>> -> memref<80x64xf32, #tpu.memory_space<vmem>>
      %dma_start3A_383 = arith.constant 0 : i32
      %dma_start3A_384 = tpu.memref_slice %arg13[%dma_start3A_379, %dma_start3A_383] : memref<5x80xi32, #tpu.memory_space<vmem>> -> memref<1x80xi32, #tpu.memory_space<vmem>>
      %dma_start3A_385 = tpu.memref_squeeze %dma_start3A_384 : memref<1x80xi32, #tpu.memory_space<vmem>> -> memref<80xi32, #tpu.memory_space<vmem>>
      %dma_start3A_386 = arith.constant 0 : i32
      %dma_start3A_387 = arith.constant 0 : i32
      %dma_start3A_388 = tpu.memref_slice %arg2[%dma_start3A_386, %dma_start3A_387] : memref<10000x64xf32, #tpu.memory_space<hbm>> -> memref<10000x64xf32, #tpu.memory_space<hbm>>
      tpu.enqueue_indirect_dma source(%dma_start3A_388 : memref<10000x64xf32, #tpu.memory_space<hbm>>) target(%dma_start3A_382 : memref<80x64xf32, #tpu.memory_space<vmem>>) offsets(%dma_start3A_385 : memref<80xi32, #tpu.memory_space<vmem>>) semaphore(%arg17 : memref<!tpu.dma_semaphore, #tpu.memory_space<semaphore_mem>>)
      %dma_start3A_389 = arith.constant 0 : i32
      %dma_start3A_390 = arith.constant 0 : i32
      %dma_start3A_391 = arith.constant 0 : i32
      %dma_start3A_392 = tpu.memref_slice %arg16[%dma_start3A_390, %dma_start3A_391] : memref<400x64xf32, #tpu.memory_space<vmem>> -> memref<80x64xf32, #tpu.memory_space<vmem>>
      %dma_start3A_393 = arith.constant 0 : i32
      %dma_start3A_394 = tpu.memref_slice %arg14[%dma_start3A_389, %dma_start3A_393] : memref<5x80xi32, #tpu.memory_space<vmem>> -> memref<1x80xi32, #tpu.memory_space<vmem>>
      %dma_start3A_395 = tpu.memref_squeeze %dma_start3A_394 : memref<1x80xi32, #tpu.memory_space<vmem>> -> memref<80xi32, #tpu.memory_space<vmem>>
      %dma_start3A_396 = arith.constant 0 : i32
      %dma_start3A_397 = arith.constant 0 : i32
      %dma_start3A_398 = tpu.memref_slice %arg3[%dma_start3A_396, %dma_start3A_397] : memref<10000x64xf32, #tpu.memory_space<hbm>> -> memref<10000x64xf32, #tpu.memory_space<hbm>>
      tpu.enqueue_indirect_dma source(%dma_start3A_398 : memref<10000x64xf32, #tpu.memory_space<hbm>>) target(%dma_start3A_392 : memref<80x64xf32, #tpu.memory_space<vmem>>) offsets(%dma_start3A_395 : memref<80xi32, #tpu.memory_space<vmem>>) semaphore(%arg17 : memref<!tpu.dma_semaphore, #tpu.memory_space<semaphore_mem>>)
      %dma_start3A_399 = arith.constant 1 : i32
      %dma_start3A_400 = arith.constant 80 : i32
      %dma_start3A_401 = arith.constant 0 : i32
      %dma_start3A_402 = tpu.memref_slice %arg15[%dma_start3A_400, %dma_start3A_401] : memref<400x64xf32, #tpu.memory_space<vmem>> -> memref<80x64xf32, #tpu.memory_space<vmem>>
      %dma_start3A_403 = arith.constant 0 : i32
      %dma_start3A_404 = tpu.memref_slice %arg13[%dma_start3A_399, %dma_start3A_403] : memref<5x80xi32, #tpu.memory_space<vmem>> -> memref<1x80xi32, #tpu.memory_space<vmem>>
      %dma_start3A_405 = tpu.memref_squeeze %dma_start3A_404 : memref<1x80xi32, #tpu.memory_space<vmem>> -> memref<80xi32, #tpu.memory_space<vmem>>
      %dma_start3A_406 = arith.constant 0 : i32
      %dma_start3A_407 = arith.constant 0 : i32
      %dma_start3A_408 = tpu.memref_slice %arg2[%dma_start3A_406, %dma_start3A_407] : memref<10000x64xf32, #tpu.memory_space<hbm>> -> memref<10000x64xf32, #tpu.memory_space<hbm>>
      tpu.enqueue_indirect_dma source(%dma_start3A_408 : memref<10000x64xf32, #tpu.memory_space<hbm>>) target(%dma_start3A_402 : memref<80x64xf32, #tpu.memory_space<vmem>>) offsets(%dma_start3A_405 : memref<80xi32, #tpu.memory_space<vmem>>) semaphore(%arg17 : memref<!tpu.dma_semaphore, #tpu.memory_space<semaphore_mem>>)
      %dma_start3A_409 = arith.constant 1 : i32
      %dma_start3A_410 = arith.constant 80 : i32
      %dma_start3A_411 = arith.constant 0 : i32
      %dma_start3A_412 = tpu.memref_slice %arg16[%dma_start3A_410, %dma_start3A_411] : memref<400x64xf32, #tpu.memory_space<vmem>> -> memref<80x64xf32, #tpu.memory_space<vmem>>
      %dma_start3A_413 = arith.constant 0 : i32
      %dma_start3A_414 = tpu.memref_slice %arg14[%dma_start3A_409, %dma_start3A_413] : memref<5x80xi32, #tpu.memory_space<vmem>> -> memref<1x80xi32, #tpu.memory_space<vmem>>
      %dma_start3A_415 = tpu.memref_squeeze %dma_start3A_414 : memref<1x80xi32, #tpu.memory_space<vmem>> -> memref<80xi32, #tpu.memory_space<vmem>>
      %dma_start3A_416 = arith.constant 0 : i32
      %dma_start3A_417 = arith.constant 0 : i32
      %dma_start3A_418 = tpu.memref_slice %arg3[%dma_start3A_416, %dma_start3A_417] : memref<10000x64xf32, #tpu.memory_space<hbm>> -> memref<10000x64xf32, #tpu.memory_space<hbm>>
      tpu.enqueue_indirect_dma source(%dma_start3A_418 : memref<10000x64xf32, #tpu.memory_space<hbm>>) target(%dma_start3A_412 : memref<80x64xf32, #tpu.memory_space<vmem>>) offsets(%dma_start3A_415 : memref<80xi32, #tpu.memory_space<vmem>>) semaphore(%arg17 : memref<!tpu.dma_semaphore, #tpu.memory_space<semaphore_mem>>)
      %dma_start3A_419 = arith.constant 2 : i32
      %dma_start3A_420 = arith.constant 160 : i32
      %dma_start3A_421 = arith.constant 0 : i32
      %dma_start3A_422 = tpu.memref_slice %arg15[%dma_start3A_420, %dma_start3A_421] : memref<400x64xf32, #tpu.memory_space<vmem>> -> memref<80x64xf32, #tpu.memory_space<vmem>>
      %dma_start3A_423 = arith.constant 0 : i32
      %dma_start3A_424 = tpu.memref_slice %arg13[%dma_start3A_419, %dma_start3A_423] : memref<5x80xi32, #tpu.memory_space<vmem>> -> memref<1x80xi32, #tpu.memory_space<vmem>>
      %dma_start3A_425 = tpu.memref_squeeze %dma_start3A_424 : memref<1x80xi32, #tpu.memory_space<vmem>> -> memref<80xi32, #tpu.memory_space<vmem>>
      %dma_start3A_426 = arith.constant 0 : i32
      %dma_start3A_427 = arith.constant 0 : i32
      %dma_start3A_428 = tpu.memref_slice %arg2[%dma_start3A_426, %dma_start3A_427] : memref<10000x64xf32, #tpu.memory_space<hbm>> -> memref<10000x64xf32, #tpu.memory_space<hbm>>
      tpu.enqueue_indirect_dma source(%dma_start3A_428 : memref<10000x64xf32, #tpu.memory_space<hbm>>) target(%dma_start3A_422 : memref<80x64xf32, #tpu.memory_space<vmem>>) offsets(%dma_start3A_425 : memref<80xi32, #tpu.memory_space<vmem>>) semaphore(%arg17 : memref<!tpu.dma_semaphore, #tpu.memory_space<semaphore_mem>>)
      %dma_start3A_429 = arith.constant 2 : i32
      %dma_start3A_430 = arith.constant 160 : i32
      %dma_start3A_431 = arith.constant 0 : i32
      %dma_start3A_432 = tpu.memref_slice %arg16[%dma_start3A_430, %dma_start3A_431] : memref<400x64xf32, #tpu.memory_space<vmem>> -> memref<80x64xf32, #tpu.memory_space<vmem>>
      %dma_start3A_433 = arith.constant 0 : i32
      %dma_start3A_434 = tpu.memref_slice %arg14[%dma_start3A_429, %dma_start3A_433] : memref<5x80xi32, #tpu.memory_space<vmem>> -> memref<1x80xi32, #tpu.memory_space<vmem>>
      %dma_start3A_435 = tpu.memref_squeeze %dma_start3A_434 : memref<1x80xi32, #tpu.memory_space<vmem>> -> memref<80xi32, #tpu.memory_space<vmem>>
      %dma_start3A_436 = arith.constant 0 : i32
      %dma_start3A_437 = arith.constant 0 : i32
      %dma_start3A_438 = tpu.memref_slice %arg3[%dma_start3A_436, %dma_start3A_437] : memref<10000x64xf32, #tpu.memory_space<hbm>> -> memref<10000x64xf32, #tpu.memory_space<hbm>>
      tpu.enqueue_indirect_dma source(%dma_start3A_438 : memref<10000x64xf32, #tpu.memory_space<hbm>>) target(%dma_start3A_432 : memref<80x64xf32, #tpu.memory_space<vmem>>) offsets(%dma_start3A_435 : memref<80xi32, #tpu.memory_space<vmem>>) semaphore(%arg17 : memref<!tpu.dma_semaphore, #tpu.memory_space<semaphore_mem>>)
      %dma_start3A_439 = arith.constant 3 : i32
      %dma_start3A_440 = arith.constant 240 : i32
      %dma_start3A_441 = arith.constant 0 : i32
      %dma_start3A_442 = tpu.memref_slice %arg15[%dma_start3A_440, %dma_start3A_441] : memref<400x64xf32, #tpu.memory_space<vmem>> -> memref<80x64xf32, #tpu.memory_space<vmem>>
      %dma_start3A_443 = arith.constant 0 : i32
      %dma_start3A_444 = tpu.memref_slice %arg13[%dma_start3A_439, %dma_start3A_443] : memref<5x80xi32, #tpu.memory_space<vmem>> -> memref<1x80xi32, #tpu.memory_space<vmem>>
      %dma_start3A_445 = tpu.memref_squeeze %dma_start3A_444 : memref<1x80xi32, #tpu.memory_space<vmem>> -> memref<80xi32, #tpu.memory_space<vmem>>
      %dma_start3A_446 = arith.constant 0 : i32
      %dma_start3A_447 = arith.constant 0 : i32
      %dma_start3A_448 = tpu.memref_slice %arg2[%dma_start3A_446, %dma_start3A_447] : memref<10000x64xf32, #tpu.memory_space<hbm>> -> memref<10000x64xf32, #tpu.memory_space<hbm>>
      tpu.enqueue_indirect_dma source(%dma_start3A_448 : memref<10000x64xf32, #tpu.memory_space<hbm>>) target(%dma_start3A_442 : memref<80x64xf32, #tpu.memory_space<vmem>>) offsets(%dma_start3A_445 : memref<80xi32, #tpu.memory_space<vmem>>) semaphore(%arg17 : memref<!tpu.dma_semaphore, #tpu.memory_space<semaphore_mem>>)
      %dma_start3A_449 = arith.constant 3 : i32
      %dma_start3A_450 = arith.constant 240 : i32
      %dma_start3A_451 = arith.constant 0 : i32
      %dma_start3A_452 = tpu.memref_slice %arg16[%dma_start3A_450, %dma_start3A_451] : memref<400x64xf32, #tpu.memory_space<vmem>> -> memref<80x64xf32, #tpu.memory_space<vmem>>
      %dma_start3A_453 = arith.constant 0 : i32
      %dma_start3A_454 = tpu.memref_slice %arg14[%dma_start3A_449, %dma_start3A_453] : memref<5x80xi32, #tpu.memory_space<vmem>> -> memref<1x80xi32, #tpu.memory_space<vmem>>
      %dma_start3A_455 = tpu.memref_squeeze %dma_start3A_454 : memref<1x80xi32, #tpu.memory_space<vmem>> -> memref<80xi32, #tpu.memory_space<vmem>>
      %dma_start3A_456 = arith.constant 0 : i32
      %dma_start3A_457 = arith.constant 0 : i32
      %dma_start3A_458 = tpu.memref_slice %arg3[%dma_start3A_456, %dma_start3A_457] : memref<10000x64xf32, #tpu.memory_space<hbm>> -> memref<10000x64xf32, #tpu.memory_space<hbm>>
      tpu.enqueue_indirect_dma source(%dma_start3A_458 : memref<10000x64xf32, #tpu.memory_space<hbm>>) target(%dma_start3A_452 : memref<80x64xf32, #tpu.memory_space<vmem>>) offsets(%dma_start3A_455 : memref<80xi32, #tpu.memory_space<vmem>>) semaphore(%arg17 : memref<!tpu.dma_semaphore, #tpu.memory_space<semaphore_mem>>)
      %dma_start3A_459 = arith.constant 4 : i32
      %dma_start3A_460 = arith.constant 320 : i32
      %dma_start3A_461 = arith.constant 0 : i32
      %dma_start3A_462 = tpu.memref_slice %arg15[%dma_start3A_460, %dma_start3A_461] : memref<400x64xf32, #tpu.memory_space<vmem>> -> memref<80x64xf32, #tpu.memory_space<vmem>>
      %dma_start3A_463 = arith.constant 0 : i32
      %dma_start3A_464 = tpu.memref_slice %arg13[%dma_start3A_459, %dma_start3A_463] : memref<5x80xi32, #tpu.memory_space<vmem>> -> memref<1x80xi32, #tpu.memory_space<vmem>>
      %dma_start3A_465 = tpu.memref_squeeze %dma_start3A_464 : memref<1x80xi32, #tpu.memory_space<vmem>> -> memref<80xi32, #tpu.memory_space<vmem>>
      %dma_start3A_466 = arith.constant 0 : i32
      %dma_start3A_467 = arith.constant 0 : i32
      %dma_start3A_468 = tpu.memref_slice %arg2[%dma_start3A_466, %dma_start3A_467] : memref<10000x64xf32, #tpu.memory_space<hbm>> -> memref<10000x64xf32, #tpu.memory_space<hbm>>
      tpu.enqueue_indirect_dma source(%dma_start3A_468 : memref<10000x64xf32, #tpu.memory_space<hbm>>) target(%dma_start3A_462 : memref<80x64xf32, #tpu.memory_space<vmem>>) offsets(%dma_start3A_465 : memref<80xi32, #tpu.memory_space<vmem>>) semaphore(%arg17 : memref<!tpu.dma_semaphore, #tpu.memory_space<semaphore_mem>>)
      %dma_start3A_469 = arith.constant 4 : i32
      %dma_start3A_470 = arith.constant 320 : i32
      %dma_start3A_471 = arith.constant 0 : i32
      %dma_start3A_472 = tpu.memref_slice %arg16[%dma_start3A_470, %dma_start3A_471] : memref<400x64xf32, #tpu.memory_space<vmem>> -> memref<80x64xf32, #tpu.memory_space<vmem>>
      %dma_start3A_473 = arith.constant 0 : i32
      %dma_start3A_474 = tpu.memref_slice %arg14[%dma_start3A_469, %dma_start3A_473] : memref<5x80xi32, #tpu.memory_space<vmem>> -> memref<1x80xi32, #tpu.memory_space<vmem>>
      %dma_start3A_475 = tpu.memref_squeeze %dma_start3A_474 : memref<1x80xi32, #tpu.memory_space<vmem>> -> memref<80xi32, #tpu.memory_space<vmem>>
      %dma_start3A_476 = arith.constant 0 : i32
      %dma_start3A_477 = arith.constant 0 : i32
      %dma_start3A_478 = tpu.memref_slice %arg3[%dma_start3A_476, %dma_start3A_477] : memref<10000x64xf32, #tpu.memory_space<hbm>> -> memref<10000x64xf32, #tpu.memory_space<hbm>>
      tpu.enqueue_indirect_dma source(%dma_start3A_478 : memref<10000x64xf32, #tpu.memory_space<hbm>>) target(%dma_start3A_472 : memref<80x64xf32, #tpu.memory_space<vmem>>) offsets(%dma_start3A_475 : memref<80xi32, #tpu.memory_space<vmem>>) semaphore(%arg17 : memref<!tpu.dma_semaphore, #tpu.memory_space<semaphore_mem>>)
      %dma_wait3A_479 = arith.constant 0 : i32
      %dma_wait3A_480 = arith.constant 0 : i32
      %dma_wait3A_481 = arith.constant 0 : i32
      %dma_wait3A_482 = tpu.memref_slice %arg10[%dma_wait3A_480, %dma_wait3A_481] : memref<400x64xf32, #tpu.memory_space<vmem>> -> memref<80x64xf32, #tpu.memory_space<vmem>>
      %dma_wait3A_483 = arith.constant 0 : i32
      %dma_wait3A_484 = tpu.memref_slice %arg8[%dma_wait3A_479, %dma_wait3A_483] : memref<5x80xi32, #tpu.memory_space<vmem>> -> memref<1x80xi32, #tpu.memory_space<vmem>>
      %dma_wait3A_485 = tpu.memref_squeeze %dma_wait3A_484 : memref<1x80xi32, #tpu.memory_space<vmem>> -> memref<80xi32, #tpu.memory_space<vmem>>
      %dma_wait3A_486 = arith.constant 0 : i32
      %dma_wait3A_487 = arith.constant 0 : i32
      %dma_wait3A_488 = tpu.memref_slice %arg2[%dma_wait3A_486, %dma_wait3A_487] : memref<10000x64xf32, #tpu.memory_space<hbm>> -> memref<10000x64xf32, #tpu.memory_space<hbm>>
      tpu.wait_indirect_dma semaphore(%arg12 : memref<!tpu.dma_semaphore, #tpu.memory_space<semaphore_mem>>) src(%dma_wait3A_488 : memref<10000x64xf32, #tpu.memory_space<hbm>>) dst(%dma_wait3A_482 : memref<80x64xf32, #tpu.memory_space<vmem>>)
      %dma_wait3A_489 = arith.constant 0 : i32
      %dma_wait3A_490 = arith.constant 0 : i32
      %dma_wait3A_491 = arith.constant 0 : i32
      %dma_wait3A_492 = tpu.memref_slice %arg11[%dma_wait3A_490, %dma_wait3A_491] : memref<400x64xf32, #tpu.memory_space<vmem>> -> memref<80x64xf32, #tpu.memory_space<vmem>>
      %dma_wait3A_493 = arith.constant 0 : i32
      %dma_wait3A_494 = tpu.memref_slice %arg9[%dma_wait3A_489, %dma_wait3A_493] : memref<5x80xi32, #tpu.memory_space<vmem>> -> memref<1x80xi32, #tpu.memory_space<vmem>>
      %dma_wait3A_495 = tpu.memref_squeeze %dma_wait3A_494 : memref<1x80xi32, #tpu.memory_space<vmem>> -> memref<80xi32, #tpu.memory_space<vmem>>
      %dma_wait3A_496 = arith.constant 0 : i32
      %dma_wait3A_497 = arith.constant 0 : i32
      %dma_wait3A_498 = tpu.memref_slice %arg3[%dma_wait3A_496, %dma_wait3A_497] : memref<10000x64xf32, #tpu.memory_space<hbm>> -> memref<10000x64xf32, #tpu.memory_space<hbm>>
      tpu.wait_indirect_dma semaphore(%arg12 : memref<!tpu.dma_semaphore, #tpu.memory_space<semaphore_mem>>) src(%dma_wait3A_498 : memref<10000x64xf32, #tpu.memory_space<hbm>>) dst(%dma_wait3A_492 : memref<80x64xf32, #tpu.memory_space<vmem>>)
      %dma_wait3A_499 = arith.constant 1 : i32
      %dma_wait3A_500 = arith.constant 80 : i32
      %dma_wait3A_501 = arith.constant 0 : i32
      %dma_wait3A_502 = tpu.memref_slice %arg10[%dma_wait3A_500, %dma_wait3A_501] : memref<400x64xf32, #tpu.memory_space<vmem>> -> memref<80x64xf32, #tpu.memory_space<vmem>>
      %dma_wait3A_503 = arith.constant 0 : i32
      %dma_wait3A_504 = tpu.memref_slice %arg8[%dma_wait3A_499, %dma_wait3A_503] : memref<5x80xi32, #tpu.memory_space<vmem>> -> memref<1x80xi32, #tpu.memory_space<vmem>>
      %dma_wait3A_505 = tpu.memref_squeeze %dma_wait3A_504 : memref<1x80xi32, #tpu.memory_space<vmem>> -> memref<80xi32, #tpu.memory_space<vmem>>
      %dma_wait3A_506 = arith.constant 0 : i32
      %dma_wait3A_507 = arith.constant 0 : i32
      %dma_wait3A_508 = tpu.memref_slice %arg2[%dma_wait3A_506, %dma_wait3A_507] : memref<10000x64xf32, #tpu.memory_space<hbm>> -> memref<10000x64xf32, #tpu.memory_space<hbm>>
      tpu.wait_indirect_dma semaphore(%arg12 : memref<!tpu.dma_semaphore, #tpu.memory_space<semaphore_mem>>) src(%dma_wait3A_508 : memref<10000x64xf32, #tpu.memory_space<hbm>>) dst(%dma_wait3A_502 : memref<80x64xf32, #tpu.memory_space<vmem>>)
      %dma_wait3A_509 = arith.constant 1 : i32
      %dma_wait3A_510 = arith.constant 80 : i32
      %dma_wait3A_511 = arith.constant 0 : i32
      %dma_wait3A_512 = tpu.memref_slice %arg11[%dma_wait3A_510, %dma_wait3A_511] : memref<400x64xf32, #tpu.memory_space<vmem>> -> memref<80x64xf32, #tpu.memory_space<vmem>>
      %dma_wait3A_513 = arith.constant 0 : i32
      %dma_wait3A_514 = tpu.memref_slice %arg9[%dma_wait3A_509, %dma_wait3A_513] : memref<5x80xi32, #tpu.memory_space<vmem>> -> memref<1x80xi32, #tpu.memory_space<vmem>>
      %dma_wait3A_515 = tpu.memref_squeeze %dma_wait3A_514 : memref<1x80xi32, #tpu.memory_space<vmem>> -> memref<80xi32, #tpu.memory_space<vmem>>
      %dma_wait3A_516 = arith.constant 0 : i32
      %dma_wait3A_517 = arith.constant 0 : i32
      %dma_wait3A_518 = tpu.memref_slice %arg3[%dma_wait3A_516, %dma_wait3A_517] : memref<10000x64xf32, #tpu.memory_space<hbm>> -> memref<10000x64xf32, #tpu.memory_space<hbm>>
      tpu.wait_indirect_dma semaphore(%arg12 : memref<!tpu.dma_semaphore, #tpu.memory_space<semaphore_mem>>) src(%dma_wait3A_518 : memref<10000x64xf32, #tpu.memory_space<hbm>>) dst(%dma_wait3A_512 : memref<80x64xf32, #tpu.memory_space<vmem>>)
      %dma_wait3A_519 = arith.constant 2 : i32
      %dma_wait3A_520 = arith.constant 160 : i32
      %dma_wait3A_521 = arith.constant 0 : i32
      %dma_wait3A_522 = tpu.memref_slice %arg10[%dma_wait3A_520, %dma_wait3A_521] : memref<400x64xf32, #tpu.memory_space<vmem>> -> memref<80x64xf32, #tpu.memory_space<vmem>>
      %dma_wait3A_523 = arith.constant 0 : i32
      %dma_wait3A_524 = tpu.memref_slice %arg8[%dma_wait3A_519, %dma_wait3A_523] : memref<5x80xi32, #tpu.memory_space<vmem>> -> memref<1x80xi32, #tpu.memory_space<vmem>>
      %dma_wait3A_525 = tpu.memref_squeeze %dma_wait3A_524 : memref<1x80xi32, #tpu.memory_space<vmem>> -> memref<80xi32, #tpu.memory_space<vmem>>
      %dma_wait3A_526 = arith.constant 0 : i32
      %dma_wait3A_527 = arith.constant 0 : i32
      %dma_wait3A_528 = tpu.memref_slice %arg2[%dma_wait3A_526, %dma_wait3A_527] : memref<10000x64xf32, #tpu.memory_space<hbm>> -> memref<10000x64xf32, #tpu.memory_space<hbm>>
      tpu.wait_indirect_dma semaphore(%arg12 : memref<!tpu.dma_semaphore, #tpu.memory_space<semaphore_mem>>) src(%dma_wait3A_528 : memref<10000x64xf32, #tpu.memory_space<hbm>>) dst(%dma_wait3A_522 : memref<80x64xf32, #tpu.memory_space<vmem>>)
      %dma_wait3A_529 = arith.constant 2 : i32
      %dma_wait3A_530 = arith.constant 160 : i32
      %dma_wait3A_531 = arith.constant 0 : i32
      %dma_wait3A_532 = tpu.memref_slice %arg11[%dma_wait3A_530, %dma_wait3A_531] : memref<400x64xf32, #tpu.memory_space<vmem>> -> memref<80x64xf32, #tpu.memory_space<vmem>>
      %dma_wait3A_533 = arith.constant 0 : i32
      %dma_wait3A_534 = tpu.memref_slice %arg9[%dma_wait3A_529, %dma_wait3A_533] : memref<5x80xi32, #tpu.memory_space<vmem>> -> memref<1x80xi32, #tpu.memory_space<vmem>>
      %dma_wait3A_535 = tpu.memref_squeeze %dma_wait3A_534 : memref<1x80xi32, #tpu.memory_space<vmem>> -> memref<80xi32, #tpu.memory_space<vmem>>
      %dma_wait3A_536 = arith.constant 0 : i32
      %dma_wait3A_537 = arith.constant 0 : i32
      %dma_wait3A_538 = tpu.memref_slice %arg3[%dma_wait3A_536, %dma_wait3A_537] : memref<10000x64xf32, #tpu.memory_space<hbm>> -> memref<10000x64xf32, #tpu.memory_space<hbm>>
      tpu.wait_indirect_dma semaphore(%arg12 : memref<!tpu.dma_semaphore, #tpu.memory_space<semaphore_mem>>) src(%dma_wait3A_538 : memref<10000x64xf32, #tpu.memory_space<hbm>>) dst(%dma_wait3A_532 : memref<80x64xf32, #tpu.memory_space<vmem>>)
      %dma_wait3A_539 = arith.constant 3 : i32
      %dma_wait3A_540 = arith.constant 240 : i32
      %dma_wait3A_541 = arith.constant 0 : i32
      %dma_wait3A_542 = tpu.memref_slice %arg10[%dma_wait3A_540, %dma_wait3A_541] : memref<400x64xf32, #tpu.memory_space<vmem>> -> memref<80x64xf32, #tpu.memory_space<vmem>>
      %dma_wait3A_543 = arith.constant 0 : i32
      %dma_wait3A_544 = tpu.memref_slice %arg8[%dma_wait3A_539, %dma_wait3A_543] : memref<5x80xi32, #tpu.memory_space<vmem>> -> memref<1x80xi32, #tpu.memory_space<vmem>>
      %dma_wait3A_545 = tpu.memref_squeeze %dma_wait3A_544 : memref<1x80xi32, #tpu.memory_space<vmem>> -> memref<80xi32, #tpu.memory_space<vmem>>
      %dma_wait3A_546 = arith.constant 0 : i32
      %dma_wait3A_547 = arith.constant 0 : i32
      %dma_wait3A_548 = tpu.memref_slice %arg2[%dma_wait3A_546, %dma_wait3A_547] : memref<10000x64xf32, #tpu.memory_space<hbm>> -> memref<10000x64xf32, #tpu.memory_space<hbm>>
      tpu.wait_indirect_dma semaphore(%arg12 : memref<!tpu.dma_semaphore, #tpu.memory_space<semaphore_mem>>) src(%dma_wait3A_548 : memref<10000x64xf32, #tpu.memory_space<hbm>>) dst(%dma_wait3A_542 : memref<80x64xf32, #tpu.memory_space<vmem>>)
      %dma_wait3A_549 = arith.constant 3 : i32
      %dma_wait3A_550 = arith.constant 240 : i32
      %dma_wait3A_551 = arith.constant 0 : i32
      %dma_wait3A_552 = tpu.memref_slice %arg11[%dma_wait3A_550, %dma_wait3A_551] : memref<400x64xf32, #tpu.memory_space<vmem>> -> memref<80x64xf32, #tpu.memory_space<vmem>>
      %dma_wait3A_553 = arith.constant 0 : i32
      %dma_wait3A_554 = tpu.memref_slice %arg9[%dma_wait3A_549, %dma_wait3A_553] : memref<5x80xi32, #tpu.memory_space<vmem>> -> memref<1x80xi32, #tpu.memory_space<vmem>>
      %dma_wait3A_555 = tpu.memref_squeeze %dma_wait3A_554 : memref<1x80xi32, #tpu.memory_space<vmem>> -> memref<80xi32, #tpu.memory_space<vmem>>
      %dma_wait3A_556 = arith.constant 0 : i32
      %dma_wait3A_557 = arith.constant 0 : i32
      %dma_wait3A_558 = tpu.memref_slice %arg3[%dma_wait3A_556, %dma_wait3A_557] : memref<10000x64xf32, #tpu.memory_space<hbm>> -> memref<10000x64xf32, #tpu.memory_space<hbm>>
      tpu.wait_indirect_dma semaphore(%arg12 : memref<!tpu.dma_semaphore, #tpu.memory_space<semaphore_mem>>) src(%dma_wait3A_558 : memref<10000x64xf32, #tpu.memory_space<hbm>>) dst(%dma_wait3A_552 : memref<80x64xf32, #tpu.memory_space<vmem>>)
      %dma_wait3A_559 = arith.constant 4 : i32
      %dma_wait3A_560 = arith.constant 320 : i32
      %dma_wait3A_561 = arith.constant 0 : i32
      %dma_wait3A_562 = tpu.memref_slice %arg10[%dma_wait3A_560, %dma_wait3A_561] : memref<400x64xf32, #tpu.memory_space<vmem>> -> memref<80x64xf32, #tpu.memory_space<vmem>>
      %dma_wait3A_563 = arith.constant 0 : i32
      %dma_wait3A_564 = tpu.memref_slice %arg8[%dma_wait3A_559, %dma_wait3A_563] : memref<5x80xi32, #tpu.memory_space<vmem>> -> memref<1x80xi32, #tpu.memory_space<vmem>>
      %dma_wait3A_565 = tpu.memref_squeeze %dma_wait3A_564 : memref<1x80xi32, #tpu.memory_space<vmem>> -> memref<80xi32, #tpu.memory_space<vmem>>
      %dma_wait3A_566 = arith.constant 0 : i32
      %dma_wait3A_567 = arith.constant 0 : i32
      %dma_wait3A_568 = tpu.memref_slice %arg2[%dma_wait3A_566, %dma_wait3A_567] : memref<10000x64xf32, #tpu.memory_space<hbm>> -> memref<10000x64xf32, #tpu.memory_space<hbm>>
      tpu.wait_indirect_dma semaphore(%arg12 : memref<!tpu.dma_semaphore, #tpu.memory_space<semaphore_mem>>) src(%dma_wait3A_568 : memref<10000x64xf32, #tpu.memory_space<hbm>>) dst(%dma_wait3A_562 : memref<80x64xf32, #tpu.memory_space<vmem>>)
      %dma_wait3A_569 = arith.constant 4 : i32
      %dma_wait3A_570 = arith.constant 320 : i32
      %dma_wait3A_571 = arith.constant 0 : i32
      %dma_wait3A_572 = tpu.memref_slice %arg11[%dma_wait3A_570, %dma_wait3A_571] : memref<400x64xf32, #tpu.memory_space<vmem>> -> memref<80x64xf32, #tpu.memory_space<vmem>>
      %dma_wait3A_573 = arith.constant 0 : i32
      %dma_wait3A_574 = tpu.memref_slice %arg9[%dma_wait3A_569, %dma_wait3A_573] : memref<5x80xi32, #tpu.memory_space<vmem>> -> memref<1x80xi32, #tpu.memory_space<vmem>>
      %dma_wait3A_575 = tpu.memref_squeeze %dma_wait3A_574 : memref<1x80xi32, #tpu.memory_space<vmem>> -> memref<80xi32, #tpu.memory_space<vmem>>
      %dma_wait3A_576 = arith.constant 0 : i32
      %dma_wait3A_577 = arith.constant 0 : i32
      %dma_wait3A_578 = tpu.memref_slice %arg3[%dma_wait3A_576, %dma_wait3A_577] : memref<10000x64xf32, #tpu.memory_space<hbm>> -> memref<10000x64xf32, #tpu.memory_space<hbm>>
      tpu.wait_indirect_dma semaphore(%arg12 : memref<!tpu.dma_semaphore, #tpu.memory_space<semaphore_mem>>) src(%dma_wait3A_578 : memref<10000x64xf32, #tpu.memory_space<hbm>>) dst(%dma_wait3A_572 : memref<80x64xf32, #tpu.memory_space<vmem>>)
      "tpu.region"() ({
        %run_scoped3A = tpu.sem_alloc : memref<!tpu.dma_semaphore, #tpu.memory_space<semaphore_mem>>
        %dma_start3A_683 = arith.constant 0 : i32
        %dma_start3A_684 = tpu.memref_slice %arg6[%add3A_228, %dma_start3A_683] : memref<320000x64xf32, #tpu.memory_space<hbm>> -> memref<400x64xf32, #tpu.memory_space<hbm>>
        %dma_start3A_685 = arith.constant 0 : i32
        %dma_start3A_686 = tpu.memref_slice %arg6[%add3A_228, %dma_start3A_685] : memref<320000x64xf32, #tpu.memory_space<hbm>> -> memref<400x64xf32, #tpu.memory_space<hbm>>
        tpu.enqueue_dma source(%arg10 : memref<400x64xf32, #tpu.memory_space<vmem>>) target(%dma_start3A_686 : memref<400x64xf32, #tpu.memory_space<hbm>>) target_semaphore(%run_scoped3A : memref<!tpu.dma_semaphore, #tpu.memory_space<semaphore_mem>>)
        %dma_wait3A_687 = arith.constant 0 : i32
        %dma_wait3A_688 = tpu.memref_slice %arg6[%add3A_228, %dma_wait3A_687] : memref<320000x64xf32, #tpu.memory_space<hbm>> -> memref<400x64xf32, #tpu.memory_space<hbm>>
        %dma_wait3A_689 = arith.constant 0 : i32
        %dma_wait3A_690 = tpu.memref_slice %arg6[%add3A_228, %dma_wait3A_689] : memref<320000x64xf32, #tpu.memory_space<hbm>> -> memref<400x64xf32, #tpu.memory_space<hbm>>
        tpu.wait_dma2 semaphore(%run_scoped3A : memref<!tpu.dma_semaphore, #tpu.memory_space<semaphore_mem>>) src(%arg10 : memref<400x64xf32, #tpu.memory_space<vmem>>) dst(%dma_wait3A_690 : memref<400x64xf32, #tpu.memory_space<hbm>>)
        tpu.yield
      }) : () -> ()
      "tpu.region"() ({
        %run_scoped3A = tpu.sem_alloc : memref<!tpu.dma_semaphore, #tpu.memory_space<semaphore_mem>>
        %dma_start3A_683 = arith.constant 0 : i32
        %dma_start3A_684 = tpu.memref_slice %arg7[%add3A_228, %dma_start3A_683] : memref<320000x64xf32, #tpu.memory_space<hbm>> -> memref<400x64xf32, #tpu.memory_space<hbm>>
        %dma_start3A_685 = arith.constant 0 : i32
        %dma_start3A_686 = tpu.memref_slice %arg7[%add3A_228, %dma_start3A_685] : memref<320000x64xf32, #tpu.memory_space<hbm>> -> memref<400x64xf32, #tpu.memory_space<hbm>>
        tpu.enqueue_dma source(%arg11 : memref<400x64xf32, #tpu.memory_space<vmem>>) target(%dma_start3A_686 : memref<400x64xf32, #tpu.memory_space<hbm>>) target_semaphore(%run_scoped3A : memref<!tpu.dma_semaphore, #tpu.memory_space<semaphore_mem>>)
        %dma_wait3A_687 = arith.constant 0 : i32
        %dma_wait3A_688 = tpu.memref_slice %arg7[%add3A_228, %dma_wait3A_687] : memref<320000x64xf32, #tpu.memory_space<hbm>> -> memref<400x64xf32, #tpu.memory_space<hbm>>
        %dma_wait3A_689 = arith.constant 0 : i32
        %dma_wait3A_690 = tpu.memref_slice %arg7[%add3A_228, %dma_wait3A_689] : memref<320000x64xf32, #tpu.memory_space<hbm>> -> memref<400x64xf32, #tpu.memory_space<hbm>>
        tpu.wait_dma2 semaphore(%run_scoped3A : memref<!tpu.dma_semaphore, #tpu.memory_space<semaphore_mem>>) src(%arg11 : memref<400x64xf32, #tpu.memory_space<vmem>>) dst(%dma_wait3A_690 : memref<400x64xf32, #tpu.memory_space<hbm>>)
        tpu.yield
      }) : () -> ()
      %dma_wait3A_579 = arith.constant 0 : i32
      %dma_wait3A_580 = arith.constant 0 : i32
      %dma_wait3A_581 = arith.constant 0 : i32
      %dma_wait3A_582 = tpu.memref_slice %arg15[%dma_wait3A_580, %dma_wait3A_581] : memref<400x64xf32, #tpu.memory_space<vmem>> -> memref<80x64xf32, #tpu.memory_space<vmem>>
      %dma_wait3A_583 = arith.constant 0 : i32
      %dma_wait3A_584 = tpu.memref_slice %arg13[%dma_wait3A_579, %dma_wait3A_583] : memref<5x80xi32, #tpu.memory_space<vmem>> -> memref<1x80xi32, #tpu.memory_space<vmem>>
      %dma_wait3A_585 = tpu.memref_squeeze %dma_wait3A_584 : memref<1x80xi32, #tpu.memory_space<vmem>> -> memref<80xi32, #tpu.memory_space<vmem>>
      %dma_wait3A_586 = arith.constant 0 : i32
      %dma_wait3A_587 = arith.constant 0 : i32
      %dma_wait3A_588 = tpu.memref_slice %arg2[%dma_wait3A_586, %dma_wait3A_587] : memref<10000x64xf32, #tpu.memory_space<hbm>> -> memref<10000x64xf32, #tpu.memory_space<hbm>>
      tpu.wait_indirect_dma semaphore(%arg17 : memref<!tpu.dma_semaphore, #tpu.memory_space<semaphore_mem>>) src(%dma_wait3A_588 : memref<10000x64xf32, #tpu.memory_space<hbm>>) dst(%dma_wait3A_582 : memref<80x64xf32, #tpu.memory_space<vmem>>)
      %dma_wait3A_589 = arith.constant 0 : i32
      %dma_wait3A_590 = arith.constant 0 : i32
      %dma_wait3A_591 = arith.constant 0 : i32
      %dma_wait3A_592 = tpu.memref_slice %arg16[%dma_wait3A_590, %dma_wait3A_591] : memref<400x64xf32, #tpu.memory_space<vmem>> -> memref<80x64xf32, #tpu.memory_space<vmem>>
      %dma_wait3A_593 = arith.constant 0 : i32
      %dma_wait3A_594 = tpu.memref_slice %arg14[%dma_wait3A_589, %dma_wait3A_593] : memref<5x80xi32, #tpu.memory_space<vmem>> -> memref<1x80xi32, #tpu.memory_space<vmem>>
      %dma_wait3A_595 = tpu.memref_squeeze %dma_wait3A_594 : memref<1x80xi32, #tpu.memory_space<vmem>> -> memref<80xi32, #tpu.memory_space<vmem>>
      %dma_wait3A_596 = arith.constant 0 : i32
      %dma_wait3A_597 = arith.constant 0 : i32
      %dma_wait3A_598 = tpu.memref_slice %arg3[%dma_wait3A_596, %dma_wait3A_597] : memref<10000x64xf32, #tpu.memory_space<hbm>> -> memref<10000x64xf32, #tpu.memory_space<hbm>>
      tpu.wait_indirect_dma semaphore(%arg17 : memref<!tpu.dma_semaphore, #tpu.memory_space<semaphore_mem>>) src(%dma_wait3A_598 : memref<10000x64xf32, #tpu.memory_space<hbm>>) dst(%dma_wait3A_592 : memref<80x64xf32, #tpu.memory_space<vmem>>)
      %dma_wait3A_599 = arith.constant 1 : i32
      %dma_wait3A_600 = arith.constant 80 : i32
      %dma_wait3A_601 = arith.constant 0 : i32
      %dma_wait3A_602 = tpu.memref_slice %arg15[%dma_wait3A_600, %dma_wait3A_601] : memref<400x64xf32, #tpu.memory_space<vmem>> -> memref<80x64xf32, #tpu.memory_space<vmem>>
      %dma_wait3A_603 = arith.constant 0 : i32
      %dma_wait3A_604 = tpu.memref_slice %arg13[%dma_wait3A_599, %dma_wait3A_603] : memref<5x80xi32, #tpu.memory_space<vmem>> -> memref<1x80xi32, #tpu.memory_space<vmem>>
      %dma_wait3A_605 = tpu.memref_squeeze %dma_wait3A_604 : memref<1x80xi32, #tpu.memory_space<vmem>> -> memref<80xi32, #tpu.memory_space<vmem>>
      %dma_wait3A_606 = arith.constant 0 : i32
      %dma_wait3A_607 = arith.constant 0 : i32
      %dma_wait3A_608 = tpu.memref_slice %arg2[%dma_wait3A_606, %dma_wait3A_607] : memref<10000x64xf32, #tpu.memory_space<hbm>> -> memref<10000x64xf32, #tpu.memory_space<hbm>>
      tpu.wait_indirect_dma semaphore(%arg17 : memref<!tpu.dma_semaphore, #tpu.memory_space<semaphore_mem>>) src(%dma_wait3A_608 : memref<10000x64xf32, #tpu.memory_space<hbm>>) dst(%dma_wait3A_602 : memref<80x64xf32, #tpu.memory_space<vmem>>)
      %dma_wait3A_609 = arith.constant 1 : i32
      %dma_wait3A_610 = arith.constant 80 : i32
      %dma_wait3A_611 = arith.constant 0 : i32
      %dma_wait3A_612 = tpu.memref_slice %arg16[%dma_wait3A_610, %dma_wait3A_611] : memref<400x64xf32, #tpu.memory_space<vmem>> -> memref<80x64xf32, #tpu.memory_space<vmem>>
      %dma_wait3A_613 = arith.constant 0 : i32
      %dma_wait3A_614 = tpu.memref_slice %arg14[%dma_wait3A_609, %dma_wait3A_613] : memref<5x80xi32, #tpu.memory_space<vmem>> -> memref<1x80xi32, #tpu.memory_space<vmem>>
      %dma_wait3A_615 = tpu.memref_squeeze %dma_wait3A_614 : memref<1x80xi32, #tpu.memory_space<vmem>> -> memref<80xi32, #tpu.memory_space<vmem>>
      %dma_wait3A_616 = arith.constant 0 : i32
      %dma_wait3A_617 = arith.constant 0 : i32
      %dma_wait3A_618 = tpu.memref_slice %arg3[%dma_wait3A_616, %dma_wait3A_617] : memref<10000x64xf32, #tpu.memory_space<hbm>> -> memref<10000x64xf32, #tpu.memory_space<hbm>>
      tpu.wait_indirect_dma semaphore(%arg17 : memref<!tpu.dma_semaphore, #tpu.memory_space<semaphore_mem>>) src(%dma_wait3A_618 : memref<10000x64xf32, #tpu.memory_space<hbm>>) dst(%dma_wait3A_612 : memref<80x64xf32, #tpu.memory_space<vmem>>)
      %dma_wait3A_619 = arith.constant 2 : i32
      %dma_wait3A_620 = arith.constant 160 : i32
      %dma_wait3A_621 = arith.constant 0 : i32
      %dma_wait3A_622 = tpu.memref_slice %arg15[%dma_wait3A_620, %dma_wait3A_621] : memref<400x64xf32, #tpu.memory_space<vmem>> -> memref<80x64xf32, #tpu.memory_space<vmem>>
      %dma_wait3A_623 = arith.constant 0 : i32
      %dma_wait3A_624 = tpu.memref_slice %arg13[%dma_wait3A_619, %dma_wait3A_623] : memref<5x80xi32, #tpu.memory_space<vmem>> -> memref<1x80xi32, #tpu.memory_space<vmem>>
      %dma_wait3A_625 = tpu.memref_squeeze %dma_wait3A_624 : memref<1x80xi32, #tpu.memory_space<vmem>> -> memref<80xi32, #tpu.memory_space<vmem>>
      %dma_wait3A_626 = arith.constant 0 : i32
      %dma_wait3A_627 = arith.constant 0 : i32
      %dma_wait3A_628 = tpu.memref_slice %arg2[%dma_wait3A_626, %dma_wait3A_627] : memref<10000x64xf32, #tpu.memory_space<hbm>> -> memref<10000x64xf32, #tpu.memory_space<hbm>>
      tpu.wait_indirect_dma semaphore(%arg17 : memref<!tpu.dma_semaphore, #tpu.memory_space<semaphore_mem>>) src(%dma_wait3A_628 : memref<10000x64xf32, #tpu.memory_space<hbm>>) dst(%dma_wait3A_622 : memref<80x64xf32, #tpu.memory_space<vmem>>)
      %dma_wait3A_629 = arith.constant 2 : i32
      %dma_wait3A_630 = arith.constant 160 : i32
      %dma_wait3A_631 = arith.constant 0 : i32
      %dma_wait3A_632 = tpu.memref_slice %arg16[%dma_wait3A_630, %dma_wait3A_631] : memref<400x64xf32, #tpu.memory_space<vmem>> -> memref<80x64xf32, #tpu.memory_space<vmem>>
      %dma_wait3A_633 = arith.constant 0 : i32
      %dma_wait3A_634 = tpu.memref_slice %arg14[%dma_wait3A_629, %dma_wait3A_633] : memref<5x80xi32, #tpu.memory_space<vmem>> -> memref<1x80xi32, #tpu.memory_space<vmem>>
      %dma_wait3A_635 = tpu.memref_squeeze %dma_wait3A_634 : memref<1x80xi32, #tpu.memory_space<vmem>> -> memref<80xi32, #tpu.memory_space<vmem>>
      %dma_wait3A_636 = arith.constant 0 : i32
      %dma_wait3A_637 = arith.constant 0 : i32
      %dma_wait3A_638 = tpu.memref_slice %arg3[%dma_wait3A_636, %dma_wait3A_637] : memref<10000x64xf32, #tpu.memory_space<hbm>> -> memref<10000x64xf32, #tpu.memory_space<hbm>>
      tpu.wait_indirect_dma semaphore(%arg17 : memref<!tpu.dma_semaphore, #tpu.memory_space<semaphore_mem>>) src(%dma_wait3A_638 : memref<10000x64xf32, #tpu.memory_space<hbm>>) dst(%dma_wait3A_632 : memref<80x64xf32, #tpu.memory_space<vmem>>)
      %dma_wait3A_639 = arith.constant 3 : i32
      %dma_wait3A_640 = arith.constant 240 : i32
      %dma_wait3A_641 = arith.constant 0 : i32
      %dma_wait3A_642 = tpu.memref_slice %arg15[%dma_wait3A_640, %dma_wait3A_641] : memref<400x64xf32, #tpu.memory_space<vmem>> -> memref<80x64xf32, #tpu.memory_space<vmem>>
      %dma_wait3A_643 = arith.constant 0 : i32
      %dma_wait3A_644 = tpu.memref_slice %arg13[%dma_wait3A_639, %dma_wait3A_643] : memref<5x80xi32, #tpu.memory_space<vmem>> -> memref<1x80xi32, #tpu.memory_space<vmem>>
      %dma_wait3A_645 = tpu.memref_squeeze %dma_wait3A_644 : memref<1x80xi32, #tpu.memory_space<vmem>> -> memref<80xi32, #tpu.memory_space<vmem>>
      %dma_wait3A_646 = arith.constant 0 : i32
      %dma_wait3A_647 = arith.constant 0 : i32
      %dma_wait3A_648 = tpu.memref_slice %arg2[%dma_wait3A_646, %dma_wait3A_647] : memref<10000x64xf32, #tpu.memory_space<hbm>> -> memref<10000x64xf32, #tpu.memory_space<hbm>>
      tpu.wait_indirect_dma semaphore(%arg17 : memref<!tpu.dma_semaphore, #tpu.memory_space<semaphore_mem>>) src(%dma_wait3A_648 : memref<10000x64xf32, #tpu.memory_space<hbm>>) dst(%dma_wait3A_642 : memref<80x64xf32, #tpu.memory_space<vmem>>)
      %dma_wait3A_649 = arith.constant 3 : i32
      %dma_wait3A_650 = arith.constant 240 : i32
      %dma_wait3A_651 = arith.constant 0 : i32
      %dma_wait3A_652 = tpu.memref_slice %arg16[%dma_wait3A_650, %dma_wait3A_651] : memref<400x64xf32, #tpu.memory_space<vmem>> -> memref<80x64xf32, #tpu.memory_space<vmem>>
      %dma_wait3A_653 = arith.constant 0 : i32
      %dma_wait3A_654 = tpu.memref_slice %arg14[%dma_wait3A_649, %dma_wait3A_653] : memref<5x80xi32, #tpu.memory_space<vmem>> -> memref<1x80xi32, #tpu.memory_space<vmem>>
      %dma_wait3A_655 = tpu.memref_squeeze %dma_wait3A_654 : memref<1x80xi32, #tpu.memory_space<vmem>> -> memref<80xi32, #tpu.memory_space<vmem>>
      %dma_wait3A_656 = arith.constant 0 : i32
      %dma_wait3A_657 = arith.constant 0 : i32
      %dma_wait3A_658 = tpu.memref_slice %arg3[%dma_wait3A_656, %dma_wait3A_657] : memref<10000x64xf32, #tpu.memory_space<hbm>> -> memref<10000x64xf32, #tpu.memory_space<hbm>>
      tpu.wait_indirect_dma semaphore(%arg17 : memref<!tpu.dma_semaphore, #tpu.memory_space<semaphore_mem>>) src(%dma_wait3A_658 : memref<10000x64xf32, #tpu.memory_space<hbm>>) dst(%dma_wait3A_652 : memref<80x64xf32, #tpu.memory_space<vmem>>)
      %dma_wait3A_659 = arith.constant 4 : i32
      %dma_wait3A_660 = arith.constant 320 : i32
      %dma_wait3A_661 = arith.constant 0 : i32
      %dma_wait3A_662 = tpu.memref_slice %arg15[%dma_wait3A_660, %dma_wait3A_661] : memref<400x64xf32, #tpu.memory_space<vmem>> -> memref<80x64xf32, #tpu.memory_space<vmem>>
      %dma_wait3A_663 = arith.constant 0 : i32
      %dma_wait3A_664 = tpu.memref_slice %arg13[%dma_wait3A_659, %dma_wait3A_663] : memref<5x80xi32, #tpu.memory_space<vmem>> -> memref<1x80xi32, #tpu.memory_space<vmem>>
      %dma_wait3A_665 = tpu.memref_squeeze %dma_wait3A_664 : memref<1x80xi32, #tpu.memory_space<vmem>> -> memref<80xi32, #tpu.memory_space<vmem>>
      %dma_wait3A_666 = arith.constant 0 : i32
      %dma_wait3A_667 = arith.constant 0 : i32
      %dma_wait3A_668 = tpu.memref_slice %arg2[%dma_wait3A_666, %dma_wait3A_667] : memref<10000x64xf32, #tpu.memory_space<hbm>> -> memref<10000x64xf32, #tpu.memory_space<hbm>>
      tpu.wait_indirect_dma semaphore(%arg17 : memref<!tpu.dma_semaphore, #tpu.memory_space<semaphore_mem>>) src(%dma_wait3A_668 : memref<10000x64xf32, #tpu.memory_space<hbm>>) dst(%dma_wait3A_662 : memref<80x64xf32, #tpu.memory_space<vmem>>)
      %dma_wait3A_669 = arith.constant 4 : i32
      %dma_wait3A_670 = arith.constant 320 : i32
      %dma_wait3A_671 = arith.constant 0 : i32
      %dma_wait3A_672 = tpu.memref_slice %arg16[%dma_wait3A_670, %dma_wait3A_671] : memref<400x64xf32, #tpu.memory_space<vmem>> -> memref<80x64xf32, #tpu.memory_space<vmem>>
      %dma_wait3A_673 = arith.constant 0 : i32
      %dma_wait3A_674 = tpu.memref_slice %arg14[%dma_wait3A_669, %dma_wait3A_673] : memref<5x80xi32, #tpu.memory_space<vmem>> -> memref<1x80xi32, #tpu.memory_space<vmem>>
      %dma_wait3A_675 = tpu.memref_squeeze %dma_wait3A_674 : memref<1x80xi32, #tpu.memory_space<vmem>> -> memref<80xi32, #tpu.memory_space<vmem>>
      %dma_wait3A_676 = arith.constant 0 : i32
      %dma_wait3A_677 = arith.constant 0 : i32
      %dma_wait3A_678 = tpu.memref_slice %arg3[%dma_wait3A_676, %dma_wait3A_677] : memref<10000x64xf32, #tpu.memory_space<hbm>> -> memref<10000x64xf32, #tpu.memory_space<hbm>>
      tpu.wait_indirect_dma semaphore(%arg17 : memref<!tpu.dma_semaphore, #tpu.memory_space<semaphore_mem>>) src(%dma_wait3A_678 : memref<10000x64xf32, #tpu.memory_space<hbm>>) dst(%dma_wait3A_672 : memref<80x64xf32, #tpu.memory_space<vmem>>)
      %add3A_679 = arith.constant 400 : i32
      %add3A_680 = arith.addi %add3A_228, %add3A_679 : i32
      "tpu.region"() ({
        %run_scoped3A = tpu.sem_alloc : memref<!tpu.dma_semaphore, #tpu.memory_space<semaphore_mem>>
        %dma_start3A_683 = arith.constant 0 : i32
        %dma_start3A_684 = tpu.memref_slice %arg6[%add3A_680, %dma_start3A_683] : memref<320000x64xf32, #tpu.memory_space<hbm>> -> memref<400x64xf32, #tpu.memory_space<hbm>>
        %dma_start3A_685 = arith.constant 0 : i32
        %dma_start3A_686 = tpu.memref_slice %arg6[%add3A_680, %dma_start3A_685] : memref<320000x64xf32, #tpu.memory_space<hbm>> -> memref<400x64xf32, #tpu.memory_space<hbm>>
        tpu.enqueue_dma source(%arg15 : memref<400x64xf32, #tpu.memory_space<vmem>>) target(%dma_start3A_686 : memref<400x64xf32, #tpu.memory_space<hbm>>) target_semaphore(%run_scoped3A : memref<!tpu.dma_semaphore, #tpu.memory_space<semaphore_mem>>)
        %dma_wait3A_687 = arith.constant 0 : i32
        %dma_wait3A_688 = tpu.memref_slice %arg6[%add3A_680, %dma_wait3A_687] : memref<320000x64xf32, #tpu.memory_space<hbm>> -> memref<400x64xf32, #tpu.memory_space<hbm>>
        %dma_wait3A_689 = arith.constant 0 : i32
        %dma_wait3A_690 = tpu.memref_slice %arg6[%add3A_680, %dma_wait3A_689] : memref<320000x64xf32, #tpu.memory_space<hbm>> -> memref<400x64xf32, #tpu.memory_space<hbm>>
        tpu.wait_dma2 semaphore(%run_scoped3A : memref<!tpu.dma_semaphore, #tpu.memory_space<semaphore_mem>>) src(%arg15 : memref<400x64xf32, #tpu.memory_space<vmem>>) dst(%dma_wait3A_690 : memref<400x64xf32, #tpu.memory_space<hbm>>)
        tpu.yield
      }) : () -> ()
      %add3A_681 = arith.constant 400 : i32
      %add3A_682 = arith.addi %add3A_228, %add3A_681 : i32
      "tpu.region"() ({
        %run_scoped3A = tpu.sem_alloc : memref<!tpu.dma_semaphore, #tpu.memory_space<semaphore_mem>>
        %dma_start3A_683 = arith.constant 0 : i32
        %dma_start3A_684 = tpu.memref_slice %arg7[%add3A_682, %dma_start3A_683] : memref<320000x64xf32, #tpu.memory_space<hbm>> -> memref<400x64xf32, #tpu.memory_space<hbm>>
        %dma_start3A_685 = arith.constant 0 : i32
        %dma_start3A_686 = tpu.memref_slice %arg7[%add3A_682, %dma_start3A_685] : memref<320000x64xf32, #tpu.memory_space<hbm>> -> memref<400x64xf32, #tpu.memory_space<hbm>>
        tpu.enqueue_dma source(%arg16 : memref<400x64xf32, #tpu.memory_space<vmem>>) target(%dma_start3A_686 : memref<400x64xf32, #tpu.memory_space<hbm>>) target_semaphore(%run_scoped3A : memref<!tpu.dma_semaphore, #tpu.memory_space<semaphore_mem>>)
        %dma_wait3A_687 = arith.constant 0 : i32
        %dma_wait3A_688 = tpu.memref_slice %arg7[%add3A_682, %dma_wait3A_687] : memref<320000x64xf32, #tpu.memory_space<hbm>> -> memref<400x64xf32, #tpu.memory_space<hbm>>
        %dma_wait3A_689 = arith.constant 0 : i32
        %dma_wait3A_690 = tpu.memref_slice %arg7[%add3A_682, %dma_wait3A_689] : memref<320000x64xf32, #tpu.memory_space<hbm>> -> memref<400x64xf32, #tpu.memory_space<hbm>>
        tpu.wait_dma2 semaphore(%run_scoped3A : memref<!tpu.dma_semaphore, #tpu.memory_space<semaphore_mem>>) src(%arg16 : memref<400x64xf32, #tpu.memory_space<vmem>>) dst(%dma_wait3A_690 : memref<400x64xf32, #tpu.memory_space<hbm>>)
        tpu.yield
      }) : () -> ()
    }
    %scan3A_6 = arith.constant 12 : i32
    %add3A_7 = arith.constant 9600 : i32
    %add3A_8 = arith.addi %mul3A_2, %add3A_7 : i32
    %jit3A = arith.constant 80 : i32
    %div3A = arith.divsi %add3A_8, %jit3A : i32
    %sign3A = arith.constant 0 : i32
    %sign3A_9 = arith.cmpi sgt, %add3A_8, %sign3A : i32
    %sign3A_10 = arith.extui %sign3A_9 : i1 to i32
    %sign3A_11 = arith.constant 0 : i32
    %sign3A_12 = arith.cmpi slt, %add3A_8, %sign3A_11 : i32
    %sign3A_13 = arith.extui %sign3A_12 : i1 to i32
    %sign3A_14 = arith.subi %sign3A_10, %sign3A_13 : i32
    %sign3A_15 = arith.constant 0 : i32
    %sign3A_16 = arith.cmpi sgt, %jit3A, %sign3A_15 : i32
    %sign3A_17 = arith.extui %sign3A_16 : i1 to i32
    %sign3A_18 = arith.constant 0 : i32
    %sign3A_19 = arith.cmpi slt, %jit3A, %sign3A_18 : i32
    %sign3A_20 = arith.extui %sign3A_19 : i1 to i32
    %sign3A_21 = arith.subi %sign3A_17, %sign3A_20 : i32
    %ne3A = arith.cmpi ne, %sign3A_14, %sign3A_21 : i32
    %rem3A = arith.remsi %add3A_8, %jit3A : i32
    %ne3A_22 = arith.constant 0 : i32
    %ne3A_23 = arith.cmpi ne, %rem3A, %ne3A_22 : i32
    %and3A = arith.andi %ne3A, %ne3A_23 : i1
    %sub3A = arith.constant 1 : i32
    %sub3A_24 = arith.subi %div3A, %sub3A : i32
    %select_n3A = arith.select %and3A, %sub3A_24, %div3A : i32
    "tpu.region"() ({
      %run_scoped3A = tpu.sem_alloc : memref<!tpu.dma_semaphore, #tpu.memory_space<semaphore_mem>>
      %dma_start3A_223 = arith.constant 0 : i32
      %dma_start3A_224 = tpu.memref_slice %arg4[%select_n3A, %dma_start3A_223] : memref<4000x80xi32, #tpu.memory_space<hbm>> -> memref<5x80xi32, #tpu.memory_space<hbm>>
      %dma_start3A_225 = arith.constant 0 : i32
      %dma_start3A_226 = tpu.memref_slice %arg4[%select_n3A, %dma_start3A_225] : memref<4000x80xi32, #tpu.memory_space<hbm>> -> memref<5x80xi32, #tpu.memory_space<hbm>>
      tpu.enqueue_dma source(%dma_start3A_226 : memref<5x80xi32, #tpu.memory_space<hbm>>) target(%arg8 : memref<5x80xi32, #tpu.memory_space<vmem>>) target_semaphore(%run_scoped3A : memref<!tpu.dma_semaphore, #tpu.memory_space<semaphore_mem>>)
      %dma_wait3A_227 = arith.constant 0 : i32
      %dma_wait3A_228 = tpu.memref_slice %arg4[%select_n3A, %dma_wait3A_227] : memref<4000x80xi32, #tpu.memory_space<hbm>> -> memref<5x80xi32, #tpu.memory_space<hbm>>
      %dma_wait3A_229 = arith.constant 0 : i32
      %dma_wait3A_230 = tpu.memref_slice %arg4[%select_n3A, %dma_wait3A_229] : memref<4000x80xi32, #tpu.memory_space<hbm>> -> memref<5x80xi32, #tpu.memory_space<hbm>>
      tpu.wait_dma2 semaphore(%run_scoped3A : memref<!tpu.dma_semaphore, #tpu.memory_space<semaphore_mem>>) src(%dma_wait3A_230 : memref<5x80xi32, #tpu.memory_space<hbm>>) dst(%arg8 : memref<5x80xi32, #tpu.memory_space<vmem>>)
      tpu.yield
    }) : () -> ()
    "tpu.region"() ({
      %run_scoped3A = tpu.sem_alloc : memref<!tpu.dma_semaphore, #tpu.memory_space<semaphore_mem>>
      %dma_start3A_223 = arith.constant 0 : i32
      %dma_start3A_224 = tpu.memref_slice %arg5[%select_n3A, %dma_start3A_223] : memref<4000x80xi32, #tpu.memory_space<hbm>> -> memref<5x80xi32, #tpu.memory_space<hbm>>
      %dma_start3A_225 = arith.constant 0 : i32
      %dma_start3A_226 = tpu.memref_slice %arg5[%select_n3A, %dma_start3A_225] : memref<4000x80xi32, #tpu.memory_space<hbm>> -> memref<5x80xi32, #tpu.memory_space<hbm>>
      tpu.enqueue_dma source(%dma_start3A_226 : memref<5x80xi32, #tpu.memory_space<hbm>>) target(%arg9 : memref<5x80xi32, #tpu.memory_space<vmem>>) target_semaphore(%run_scoped3A : memref<!tpu.dma_semaphore, #tpu.memory_space<semaphore_mem>>)
      %dma_wait3A_227 = arith.constant 0 : i32
      %dma_wait3A_228 = tpu.memref_slice %arg5[%select_n3A, %dma_wait3A_227] : memref<4000x80xi32, #tpu.memory_space<hbm>> -> memref<5x80xi32, #tpu.memory_space<hbm>>
      %dma_wait3A_229 = arith.constant 0 : i32
      %dma_wait3A_230 = tpu.memref_slice %arg5[%select_n3A, %dma_wait3A_229] : memref<4000x80xi32, #tpu.memory_space<hbm>> -> memref<5x80xi32, #tpu.memory_space<hbm>>
      tpu.wait_dma2 semaphore(%run_scoped3A : memref<!tpu.dma_semaphore, #tpu.memory_space<semaphore_mem>>) src(%dma_wait3A_230 : memref<5x80xi32, #tpu.memory_space<hbm>>) dst(%arg9 : memref<5x80xi32, #tpu.memory_space<vmem>>)
      tpu.yield
    }) : () -> ()
    %dma_start3A = arith.constant 0 : i32
    %dma_start3A_25 = arith.constant 0 : i32
    %dma_start3A_26 = arith.constant 0 : i32
    %dma_start3A_27 = tpu.memref_slice %arg10[%dma_start3A_25, %dma_start3A_26] : memref<400x64xf32, #tpu.memory_space<vmem>> -> memref<80x64xf32, #tpu.memory_space<vmem>>
    %dma_start3A_28 = arith.constant 0 : i32
    %dma_start3A_29 = tpu.memref_slice %arg8[%dma_start3A, %dma_start3A_28] : memref<5x80xi32, #tpu.memory_space<vmem>> -> memref<1x80xi32, #tpu.memory_space<vmem>>
    %dma_start3A_30 = tpu.memref_squeeze %dma_start3A_29 : memref<1x80xi32, #tpu.memory_space<vmem>> -> memref<80xi32, #tpu.memory_space<vmem>>
    %dma_start3A_31 = arith.constant 0 : i32
    %dma_start3A_32 = arith.constant 0 : i32
    %dma_start3A_33 = tpu.memref_slice %arg2[%dma_start3A_31, %dma_start3A_32] : memref<10000x64xf32, #tpu.memory_space<hbm>> -> memref<10000x64xf32, #tpu.memory_space<hbm>>
    tpu.enqueue_indirect_dma source(%dma_start3A_33 : memref<10000x64xf32, #tpu.memory_space<hbm>>) target(%dma_start3A_27 : memref<80x64xf32, #tpu.memory_space<vmem>>) offsets(%dma_start3A_30 : memref<80xi32, #tpu.memory_space<vmem>>) semaphore(%arg12 : memref<!tpu.dma_semaphore, #tpu.memory_space<semaphore_mem>>)
    %dma_start3A_34 = arith.constant 0 : i32
    %dma_start3A_35 = arith.constant 0 : i32
    %dma_start3A_36 = arith.constant 0 : i32
    %dma_start3A_37 = tpu.memref_slice %arg11[%dma_start3A_35, %dma_start3A_36] : memref<400x64xf32, #tpu.memory_space<vmem>> -> memref<80x64xf32, #tpu.memory_space<vmem>>
    %dma_start3A_38 = arith.constant 0 : i32
    %dma_start3A_39 = tpu.memref_slice %arg9[%dma_start3A_34, %dma_start3A_38] : memref<5x80xi32, #tpu.memory_space<vmem>> -> memref<1x80xi32, #tpu.memory_space<vmem>>
    %dma_start3A_40 = tpu.memref_squeeze %dma_start3A_39 : memref<1x80xi32, #tpu.memory_space<vmem>> -> memref<80xi32, #tpu.memory_space<vmem>>
    %dma_start3A_41 = arith.constant 0 : i32
    %dma_start3A_42 = arith.constant 0 : i32
    %dma_start3A_43 = tpu.memref_slice %arg3[%dma_start3A_41, %dma_start3A_42] : memref<10000x64xf32, #tpu.memory_space<hbm>> -> memref<10000x64xf32, #tpu.memory_space<hbm>>
    tpu.enqueue_indirect_dma source(%dma_start3A_43 : memref<10000x64xf32, #tpu.memory_space<hbm>>) target(%dma_start3A_37 : memref<80x64xf32, #tpu.memory_space<vmem>>) offsets(%dma_start3A_40 : memref<80xi32, #tpu.memory_space<vmem>>) semaphore(%arg12 : memref<!tpu.dma_semaphore, #tpu.memory_space<semaphore_mem>>)
    %dma_start3A_44 = arith.constant 1 : i32
    %dma_start3A_45 = arith.constant 80 : i32
    %dma_start3A_46 = arith.constant 0 : i32
    %dma_start3A_47 = tpu.memref_slice %arg10[%dma_start3A_45, %dma_start3A_46] : memref<400x64xf32, #tpu.memory_space<vmem>> -> memref<80x64xf32, #tpu.memory_space<vmem>>
    %dma_start3A_48 = arith.constant 0 : i32
    %dma_start3A_49 = tpu.memref_slice %arg8[%dma_start3A_44, %dma_start3A_48] : memref<5x80xi32, #tpu.memory_space<vmem>> -> memref<1x80xi32, #tpu.memory_space<vmem>>
    %dma_start3A_50 = tpu.memref_squeeze %dma_start3A_49 : memref<1x80xi32, #tpu.memory_space<vmem>> -> memref<80xi32, #tpu.memory_space<vmem>>
    %dma_start3A_51 = arith.constant 0 : i32
    %dma_start3A_52 = arith.constant 0 : i32
    %dma_start3A_53 = tpu.memref_slice %arg2[%dma_start3A_51, %dma_start3A_52] : memref<10000x64xf32, #tpu.memory_space<hbm>> -> memref<10000x64xf32, #tpu.memory_space<hbm>>
    tpu.enqueue_indirect_dma source(%dma_start3A_53 : memref<10000x64xf32, #tpu.memory_space<hbm>>) target(%dma_start3A_47 : memref<80x64xf32, #tpu.memory_space<vmem>>) offsets(%dma_start3A_50 : memref<80xi32, #tpu.memory_space<vmem>>) semaphore(%arg12 : memref<!tpu.dma_semaphore, #tpu.memory_space<semaphore_mem>>)
    %dma_start3A_54 = arith.constant 1 : i32
    %dma_start3A_55 = arith.constant 80 : i32
    %dma_start3A_56 = arith.constant 0 : i32
    %dma_start3A_57 = tpu.memref_slice %arg11[%dma_start3A_55, %dma_start3A_56] : memref<400x64xf32, #tpu.memory_space<vmem>> -> memref<80x64xf32, #tpu.memory_space<vmem>>
    %dma_start3A_58 = arith.constant 0 : i32
    %dma_start3A_59 = tpu.memref_slice %arg9[%dma_start3A_54, %dma_start3A_58] : memref<5x80xi32, #tpu.memory_space<vmem>> -> memref<1x80xi32, #tpu.memory_space<vmem>>
    %dma_start3A_60 = tpu.memref_squeeze %dma_start3A_59 : memref<1x80xi32, #tpu.memory_space<vmem>> -> memref<80xi32, #tpu.memory_space<vmem>>
    %dma_start3A_61 = arith.constant 0 : i32
    %dma_start3A_62 = arith.constant 0 : i32
    %dma_start3A_63 = tpu.memref_slice %arg3[%dma_start3A_61, %dma_start3A_62] : memref<10000x64xf32, #tpu.memory_space<hbm>> -> memref<10000x64xf32, #tpu.memory_space<hbm>>
    tpu.enqueue_indirect_dma source(%dma_start3A_63 : memref<10000x64xf32, #tpu.memory_space<hbm>>) target(%dma_start3A_57 : memref<80x64xf32, #tpu.memory_space<vmem>>) offsets(%dma_start3A_60 : memref<80xi32, #tpu.memory_space<vmem>>) semaphore(%arg12 : memref<!tpu.dma_semaphore, #tpu.memory_space<semaphore_mem>>)
    %dma_start3A_64 = arith.constant 2 : i32
    %dma_start3A_65 = arith.constant 160 : i32
    %dma_start3A_66 = arith.constant 0 : i32
    %dma_start3A_67 = tpu.memref_slice %arg10[%dma_start3A_65, %dma_start3A_66] : memref<400x64xf32, #tpu.memory_space<vmem>> -> memref<80x64xf32, #tpu.memory_space<vmem>>
    %dma_start3A_68 = arith.constant 0 : i32
    %dma_start3A_69 = tpu.memref_slice %arg8[%dma_start3A_64, %dma_start3A_68] : memref<5x80xi32, #tpu.memory_space<vmem>> -> memref<1x80xi32, #tpu.memory_space<vmem>>
    %dma_start3A_70 = tpu.memref_squeeze %dma_start3A_69 : memref<1x80xi32, #tpu.memory_space<vmem>> -> memref<80xi32, #tpu.memory_space<vmem>>
    %dma_start3A_71 = arith.constant 0 : i32
    %dma_start3A_72 = arith.constant 0 : i32
    %dma_start3A_73 = tpu.memref_slice %arg2[%dma_start3A_71, %dma_start3A_72] : memref<10000x64xf32, #tpu.memory_space<hbm>> -> memref<10000x64xf32, #tpu.memory_space<hbm>>
    tpu.enqueue_indirect_dma source(%dma_start3A_73 : memref<10000x64xf32, #tpu.memory_space<hbm>>) target(%dma_start3A_67 : memref<80x64xf32, #tpu.memory_space<vmem>>) offsets(%dma_start3A_70 : memref<80xi32, #tpu.memory_space<vmem>>) semaphore(%arg12 : memref<!tpu.dma_semaphore, #tpu.memory_space<semaphore_mem>>)
    %dma_start3A_74 = arith.constant 2 : i32
    %dma_start3A_75 = arith.constant 160 : i32
    %dma_start3A_76 = arith.constant 0 : i32
    %dma_start3A_77 = tpu.memref_slice %arg11[%dma_start3A_75, %dma_start3A_76] : memref<400x64xf32, #tpu.memory_space<vmem>> -> memref<80x64xf32, #tpu.memory_space<vmem>>
    %dma_start3A_78 = arith.constant 0 : i32
    %dma_start3A_79 = tpu.memref_slice %arg9[%dma_start3A_74, %dma_start3A_78] : memref<5x80xi32, #tpu.memory_space<vmem>> -> memref<1x80xi32, #tpu.memory_space<vmem>>
    %dma_start3A_80 = tpu.memref_squeeze %dma_start3A_79 : memref<1x80xi32, #tpu.memory_space<vmem>> -> memref<80xi32, #tpu.memory_space<vmem>>
    %dma_start3A_81 = arith.constant 0 : i32
    %dma_start3A_82 = arith.constant 0 : i32
    %dma_start3A_83 = tpu.memref_slice %arg3[%dma_start3A_81, %dma_start3A_82] : memref<10000x64xf32, #tpu.memory_space<hbm>> -> memref<10000x64xf32, #tpu.memory_space<hbm>>
    tpu.enqueue_indirect_dma source(%dma_start3A_83 : memref<10000x64xf32, #tpu.memory_space<hbm>>) target(%dma_start3A_77 : memref<80x64xf32, #tpu.memory_space<vmem>>) offsets(%dma_start3A_80 : memref<80xi32, #tpu.memory_space<vmem>>) semaphore(%arg12 : memref<!tpu.dma_semaphore, #tpu.memory_space<semaphore_mem>>)
    %dma_start3A_84 = arith.constant 3 : i32
    %dma_start3A_85 = arith.constant 240 : i32
    %dma_start3A_86 = arith.constant 0 : i32
    %dma_start3A_87 = tpu.memref_slice %arg10[%dma_start3A_85, %dma_start3A_86] : memref<400x64xf32, #tpu.memory_space<vmem>> -> memref<80x64xf32, #tpu.memory_space<vmem>>
    %dma_start3A_88 = arith.constant 0 : i32
    %dma_start3A_89 = tpu.memref_slice %arg8[%dma_start3A_84, %dma_start3A_88] : memref<5x80xi32, #tpu.memory_space<vmem>> -> memref<1x80xi32, #tpu.memory_space<vmem>>
    %dma_start3A_90 = tpu.memref_squeeze %dma_start3A_89 : memref<1x80xi32, #tpu.memory_space<vmem>> -> memref<80xi32, #tpu.memory_space<vmem>>
    %dma_start3A_91 = arith.constant 0 : i32
    %dma_start3A_92 = arith.constant 0 : i32
    %dma_start3A_93 = tpu.memref_slice %arg2[%dma_start3A_91, %dma_start3A_92] : memref<10000x64xf32, #tpu.memory_space<hbm>> -> memref<10000x64xf32, #tpu.memory_space<hbm>>
    tpu.enqueue_indirect_dma source(%dma_start3A_93 : memref<10000x64xf32, #tpu.memory_space<hbm>>) target(%dma_start3A_87 : memref<80x64xf32, #tpu.memory_space<vmem>>) offsets(%dma_start3A_90 : memref<80xi32, #tpu.memory_space<vmem>>) semaphore(%arg12 : memref<!tpu.dma_semaphore, #tpu.memory_space<semaphore_mem>>)
    %dma_start3A_94 = arith.constant 3 : i32
    %dma_start3A_95 = arith.constant 240 : i32
    %dma_start3A_96 = arith.constant 0 : i32
    %dma_start3A_97 = tpu.memref_slice %arg11[%dma_start3A_95, %dma_start3A_96] : memref<400x64xf32, #tpu.memory_space<vmem>> -> memref<80x64xf32, #tpu.memory_space<vmem>>
    %dma_start3A_98 = arith.constant 0 : i32
    %dma_start3A_99 = tpu.memref_slice %arg9[%dma_start3A_94, %dma_start3A_98] : memref<5x80xi32, #tpu.memory_space<vmem>> -> memref<1x80xi32, #tpu.memory_space<vmem>>
    %dma_start3A_100 = tpu.memref_squeeze %dma_start3A_99 : memref<1x80xi32, #tpu.memory_space<vmem>> -> memref<80xi32, #tpu.memory_space<vmem>>
    %dma_start3A_101 = arith.constant 0 : i32
    %dma_start3A_102 = arith.constant 0 : i32
    %dma_start3A_103 = tpu.memref_slice %arg3[%dma_start3A_101, %dma_start3A_102] : memref<10000x64xf32, #tpu.memory_space<hbm>> -> memref<10000x64xf32, #tpu.memory_space<hbm>>
    tpu.enqueue_indirect_dma source(%dma_start3A_103 : memref<10000x64xf32, #tpu.memory_space<hbm>>) target(%dma_start3A_97 : memref<80x64xf32, #tpu.memory_space<vmem>>) offsets(%dma_start3A_100 : memref<80xi32, #tpu.memory_space<vmem>>) semaphore(%arg12 : memref<!tpu.dma_semaphore, #tpu.memory_space<semaphore_mem>>)
    %dma_start3A_104 = arith.constant 4 : i32
    %dma_start3A_105 = arith.constant 320 : i32
    %dma_start3A_106 = arith.constant 0 : i32
    %dma_start3A_107 = tpu.memref_slice %arg10[%dma_start3A_105, %dma_start3A_106] : memref<400x64xf32, #tpu.memory_space<vmem>> -> memref<80x64xf32, #tpu.memory_space<vmem>>
    %dma_start3A_108 = arith.constant 0 : i32
    %dma_start3A_109 = tpu.memref_slice %arg8[%dma_start3A_104, %dma_start3A_108] : memref<5x80xi32, #tpu.memory_space<vmem>> -> memref<1x80xi32, #tpu.memory_space<vmem>>
    %dma_start3A_110 = tpu.memref_squeeze %dma_start3A_109 : memref<1x80xi32, #tpu.memory_space<vmem>> -> memref<80xi32, #tpu.memory_space<vmem>>
    %dma_start3A_111 = arith.constant 0 : i32
    %dma_start3A_112 = arith.constant 0 : i32
    %dma_start3A_113 = tpu.memref_slice %arg2[%dma_start3A_111, %dma_start3A_112] : memref<10000x64xf32, #tpu.memory_space<hbm>> -> memref<10000x64xf32, #tpu.memory_space<hbm>>
    tpu.enqueue_indirect_dma source(%dma_start3A_113 : memref<10000x64xf32, #tpu.memory_space<hbm>>) target(%dma_start3A_107 : memref<80x64xf32, #tpu.memory_space<vmem>>) offsets(%dma_start3A_110 : memref<80xi32, #tpu.memory_space<vmem>>) semaphore(%arg12 : memref<!tpu.dma_semaphore, #tpu.memory_space<semaphore_mem>>)
    %dma_start3A_114 = arith.constant 4 : i32
    %dma_start3A_115 = arith.constant 320 : i32
    %dma_start3A_116 = arith.constant 0 : i32
    %dma_start3A_117 = tpu.memref_slice %arg11[%dma_start3A_115, %dma_start3A_116] : memref<400x64xf32, #tpu.memory_space<vmem>> -> memref<80x64xf32, #tpu.memory_space<vmem>>
    %dma_start3A_118 = arith.constant 0 : i32
    %dma_start3A_119 = tpu.memref_slice %arg9[%dma_start3A_114, %dma_start3A_118] : memref<5x80xi32, #tpu.memory_space<vmem>> -> memref<1x80xi32, #tpu.memory_space<vmem>>
    %dma_start3A_120 = tpu.memref_squeeze %dma_start3A_119 : memref<1x80xi32, #tpu.memory_space<vmem>> -> memref<80xi32, #tpu.memory_space<vmem>>
    %dma_start3A_121 = arith.constant 0 : i32
    %dma_start3A_122 = arith.constant 0 : i32
    %dma_start3A_123 = tpu.memref_slice %arg3[%dma_start3A_121, %dma_start3A_122] : memref<10000x64xf32, #tpu.memory_space<hbm>> -> memref<10000x64xf32, #tpu.memory_space<hbm>>
    tpu.enqueue_indirect_dma source(%dma_start3A_123 : memref<10000x64xf32, #tpu.memory_space<hbm>>) target(%dma_start3A_117 : memref<80x64xf32, #tpu.memory_space<vmem>>) offsets(%dma_start3A_120 : memref<80xi32, #tpu.memory_space<vmem>>) semaphore(%arg12 : memref<!tpu.dma_semaphore, #tpu.memory_space<semaphore_mem>>)
    %dma_wait3A = arith.constant 0 : i32
    %dma_wait3A_124 = arith.constant 0 : i32
    %dma_wait3A_125 = arith.constant 0 : i32
    %dma_wait3A_126 = tpu.memref_slice %arg10[%dma_wait3A_124, %dma_wait3A_125] : memref<400x64xf32, #tpu.memory_space<vmem>> -> memref<80x64xf32, #tpu.memory_space<vmem>>
    %dma_wait3A_127 = arith.constant 0 : i32
    %dma_wait3A_128 = tpu.memref_slice %arg8[%dma_wait3A, %dma_wait3A_127] : memref<5x80xi32, #tpu.memory_space<vmem>> -> memref<1x80xi32, #tpu.memory_space<vmem>>
    %dma_wait3A_129 = tpu.memref_squeeze %dma_wait3A_128 : memref<1x80xi32, #tpu.memory_space<vmem>> -> memref<80xi32, #tpu.memory_space<vmem>>
    %dma_wait3A_130 = arith.constant 0 : i32
    %dma_wait3A_131 = arith.constant 0 : i32
    %dma_wait3A_132 = tpu.memref_slice %arg2[%dma_wait3A_130, %dma_wait3A_131] : memref<10000x64xf32, #tpu.memory_space<hbm>> -> memref<10000x64xf32, #tpu.memory_space<hbm>>
    tpu.wait_indirect_dma semaphore(%arg12 : memref<!tpu.dma_semaphore, #tpu.memory_space<semaphore_mem>>) src(%dma_wait3A_132 : memref<10000x64xf32, #tpu.memory_space<hbm>>) dst(%dma_wait3A_126 : memref<80x64xf32, #tpu.memory_space<vmem>>)
    %dma_wait3A_133 = arith.constant 0 : i32
    %dma_wait3A_134 = arith.constant 0 : i32
    %dma_wait3A_135 = arith.constant 0 : i32
    %dma_wait3A_136 = tpu.memref_slice %arg11[%dma_wait3A_134, %dma_wait3A_135] : memref<400x64xf32, #tpu.memory_space<vmem>> -> memref<80x64xf32, #tpu.memory_space<vmem>>
    %dma_wait3A_137 = arith.constant 0 : i32
    %dma_wait3A_138 = tpu.memref_slice %arg9[%dma_wait3A_133, %dma_wait3A_137] : memref<5x80xi32, #tpu.memory_space<vmem>> -> memref<1x80xi32, #tpu.memory_space<vmem>>
    %dma_wait3A_139 = tpu.memref_squeeze %dma_wait3A_138 : memref<1x80xi32, #tpu.memory_space<vmem>> -> memref<80xi32, #tpu.memory_space<vmem>>
    %dma_wait3A_140 = arith.constant 0 : i32
    %dma_wait3A_141 = arith.constant 0 : i32
    %dma_wait3A_142 = tpu.memref_slice %arg3[%dma_wait3A_140, %dma_wait3A_141] : memref<10000x64xf32, #tpu.memory_space<hbm>> -> memref<10000x64xf32, #tpu.memory_space<hbm>>
    tpu.wait_indirect_dma semaphore(%arg12 : memref<!tpu.dma_semaphore, #tpu.memory_space<semaphore_mem>>) src(%dma_wait3A_142 : memref<10000x64xf32, #tpu.memory_space<hbm>>) dst(%dma_wait3A_136 : memref<80x64xf32, #tpu.memory_space<vmem>>)
    %dma_wait3A_143 = arith.constant 1 : i32
    %dma_wait3A_144 = arith.constant 80 : i32
    %dma_wait3A_145 = arith.constant 0 : i32
    %dma_wait3A_146 = tpu.memref_slice %arg10[%dma_wait3A_144, %dma_wait3A_145] : memref<400x64xf32, #tpu.memory_space<vmem>> -> memref<80x64xf32, #tpu.memory_space<vmem>>
    %dma_wait3A_147 = arith.constant 0 : i32
    %dma_wait3A_148 = tpu.memref_slice %arg8[%dma_wait3A_143, %dma_wait3A_147] : memref<5x80xi32, #tpu.memory_space<vmem>> -> memref<1x80xi32, #tpu.memory_space<vmem>>
    %dma_wait3A_149 = tpu.memref_squeeze %dma_wait3A_148 : memref<1x80xi32, #tpu.memory_space<vmem>> -> memref<80xi32, #tpu.memory_space<vmem>>
    %dma_wait3A_150 = arith.constant 0 : i32
    %dma_wait3A_151 = arith.constant 0 : i32
    %dma_wait3A_152 = tpu.memref_slice %arg2[%dma_wait3A_150, %dma_wait3A_151] : memref<10000x64xf32, #tpu.memory_space<hbm>> -> memref<10000x64xf32, #tpu.memory_space<hbm>>
    tpu.wait_indirect_dma semaphore(%arg12 : memref<!tpu.dma_semaphore, #tpu.memory_space<semaphore_mem>>) src(%dma_wait3A_152 : memref<10000x64xf32, #tpu.memory_space<hbm>>) dst(%dma_wait3A_146 : memref<80x64xf32, #tpu.memory_space<vmem>>)
    %dma_wait3A_153 = arith.constant 1 : i32
    %dma_wait3A_154 = arith.constant 80 : i32
    %dma_wait3A_155 = arith.constant 0 : i32
    %dma_wait3A_156 = tpu.memref_slice %arg11[%dma_wait3A_154, %dma_wait3A_155] : memref<400x64xf32, #tpu.memory_space<vmem>> -> memref<80x64xf32, #tpu.memory_space<vmem>>
    %dma_wait3A_157 = arith.constant 0 : i32
    %dma_wait3A_158 = tpu.memref_slice %arg9[%dma_wait3A_153, %dma_wait3A_157] : memref<5x80xi32, #tpu.memory_space<vmem>> -> memref<1x80xi32, #tpu.memory_space<vmem>>
    %dma_wait3A_159 = tpu.memref_squeeze %dma_wait3A_158 : memref<1x80xi32, #tpu.memory_space<vmem>> -> memref<80xi32, #tpu.memory_space<vmem>>
    %dma_wait3A_160 = arith.constant 0 : i32
    %dma_wait3A_161 = arith.constant 0 : i32
    %dma_wait3A_162 = tpu.memref_slice %arg3[%dma_wait3A_160, %dma_wait3A_161] : memref<10000x64xf32, #tpu.memory_space<hbm>> -> memref<10000x64xf32, #tpu.memory_space<hbm>>
    tpu.wait_indirect_dma semaphore(%arg12 : memref<!tpu.dma_semaphore, #tpu.memory_space<semaphore_mem>>) src(%dma_wait3A_162 : memref<10000x64xf32, #tpu.memory_space<hbm>>) dst(%dma_wait3A_156 : memref<80x64xf32, #tpu.memory_space<vmem>>)
    %dma_wait3A_163 = arith.constant 2 : i32
    %dma_wait3A_164 = arith.constant 160 : i32
    %dma_wait3A_165 = arith.constant 0 : i32
    %dma_wait3A_166 = tpu.memref_slice %arg10[%dma_wait3A_164, %dma_wait3A_165] : memref<400x64xf32, #tpu.memory_space<vmem>> -> memref<80x64xf32, #tpu.memory_space<vmem>>
    %dma_wait3A_167 = arith.constant 0 : i32
    %dma_wait3A_168 = tpu.memref_slice %arg8[%dma_wait3A_163, %dma_wait3A_167] : memref<5x80xi32, #tpu.memory_space<vmem>> -> memref<1x80xi32, #tpu.memory_space<vmem>>
    %dma_wait3A_169 = tpu.memref_squeeze %dma_wait3A_168 : memref<1x80xi32, #tpu.memory_space<vmem>> -> memref<80xi32, #tpu.memory_space<vmem>>
    %dma_wait3A_170 = arith.constant 0 : i32
    %dma_wait3A_171 = arith.constant 0 : i32
    %dma_wait3A_172 = tpu.memref_slice %arg2[%dma_wait3A_170, %dma_wait3A_171] : memref<10000x64xf32, #tpu.memory_space<hbm>> -> memref<10000x64xf32, #tpu.memory_space<hbm>>
    tpu.wait_indirect_dma semaphore(%arg12 : memref<!tpu.dma_semaphore, #tpu.memory_space<semaphore_mem>>) src(%dma_wait3A_172 : memref<10000x64xf32, #tpu.memory_space<hbm>>) dst(%dma_wait3A_166 : memref<80x64xf32, #tpu.memory_space<vmem>>)
    %dma_wait3A_173 = arith.constant 2 : i32
    %dma_wait3A_174 = arith.constant 160 : i32
    %dma_wait3A_175 = arith.constant 0 : i32
    %dma_wait3A_176 = tpu.memref_slice %arg11[%dma_wait3A_174, %dma_wait3A_175] : memref<400x64xf32, #tpu.memory_space<vmem>> -> memref<80x64xf32, #tpu.memory_space<vmem>>
    %dma_wait3A_177 = arith.constant 0 : i32
    %dma_wait3A_178 = tpu.memref_slice %arg9[%dma_wait3A_173, %dma_wait3A_177] : memref<5x80xi32, #tpu.memory_space<vmem>> -> memref<1x80xi32, #tpu.memory_space<vmem>>
    %dma_wait3A_179 = tpu.memref_squeeze %dma_wait3A_178 : memref<1x80xi32, #tpu.memory_space<vmem>> -> memref<80xi32, #tpu.memory_space<vmem>>
    %dma_wait3A_180 = arith.constant 0 : i32
    %dma_wait3A_181 = arith.constant 0 : i32
    %dma_wait3A_182 = tpu.memref_slice %arg3[%dma_wait3A_180, %dma_wait3A_181] : memref<10000x64xf32, #tpu.memory_space<hbm>> -> memref<10000x64xf32, #tpu.memory_space<hbm>>
    tpu.wait_indirect_dma semaphore(%arg12 : memref<!tpu.dma_semaphore, #tpu.memory_space<semaphore_mem>>) src(%dma_wait3A_182 : memref<10000x64xf32, #tpu.memory_space<hbm>>) dst(%dma_wait3A_176 : memref<80x64xf32, #tpu.memory_space<vmem>>)
    %dma_wait3A_183 = arith.constant 3 : i32
    %dma_wait3A_184 = arith.constant 240 : i32
    %dma_wait3A_185 = arith.constant 0 : i32
    %dma_wait3A_186 = tpu.memref_slice %arg10[%dma_wait3A_184, %dma_wait3A_185] : memref<400x64xf32, #tpu.memory_space<vmem>> -> memref<80x64xf32, #tpu.memory_space<vmem>>
    %dma_wait3A_187 = arith.constant 0 : i32
    %dma_wait3A_188 = tpu.memref_slice %arg8[%dma_wait3A_183, %dma_wait3A_187] : memref<5x80xi32, #tpu.memory_space<vmem>> -> memref<1x80xi32, #tpu.memory_space<vmem>>
    %dma_wait3A_189 = tpu.memref_squeeze %dma_wait3A_188 : memref<1x80xi32, #tpu.memory_space<vmem>> -> memref<80xi32, #tpu.memory_space<vmem>>
    %dma_wait3A_190 = arith.constant 0 : i32
    %dma_wait3A_191 = arith.constant 0 : i32
    %dma_wait3A_192 = tpu.memref_slice %arg2[%dma_wait3A_190, %dma_wait3A_191] : memref<10000x64xf32, #tpu.memory_space<hbm>> -> memref<10000x64xf32, #tpu.memory_space<hbm>>
    tpu.wait_indirect_dma semaphore(%arg12 : memref<!tpu.dma_semaphore, #tpu.memory_space<semaphore_mem>>) src(%dma_wait3A_192 : memref<10000x64xf32, #tpu.memory_space<hbm>>) dst(%dma_wait3A_186 : memref<80x64xf32, #tpu.memory_space<vmem>>)
    %dma_wait3A_193 = arith.constant 3 : i32
    %dma_wait3A_194 = arith.constant 240 : i32
    %dma_wait3A_195 = arith.constant 0 : i32
    %dma_wait3A_196 = tpu.memref_slice %arg11[%dma_wait3A_194, %dma_wait3A_195] : memref<400x64xf32, #tpu.memory_space<vmem>> -> memref<80x64xf32, #tpu.memory_space<vmem>>
    %dma_wait3A_197 = arith.constant 0 : i32
    %dma_wait3A_198 = tpu.memref_slice %arg9[%dma_wait3A_193, %dma_wait3A_197] : memref<5x80xi32, #tpu.memory_space<vmem>> -> memref<1x80xi32, #tpu.memory_space<vmem>>
    %dma_wait3A_199 = tpu.memref_squeeze %dma_wait3A_198 : memref<1x80xi32, #tpu.memory_space<vmem>> -> memref<80xi32, #tpu.memory_space<vmem>>
    %dma_wait3A_200 = arith.constant 0 : i32
    %dma_wait3A_201 = arith.constant 0 : i32
    %dma_wait3A_202 = tpu.memref_slice %arg3[%dma_wait3A_200, %dma_wait3A_201] : memref<10000x64xf32, #tpu.memory_space<hbm>> -> memref<10000x64xf32, #tpu.memory_space<hbm>>
    tpu.wait_indirect_dma semaphore(%arg12 : memref<!tpu.dma_semaphore, #tpu.memory_space<semaphore_mem>>) src(%dma_wait3A_202 : memref<10000x64xf32, #tpu.memory_space<hbm>>) dst(%dma_wait3A_196 : memref<80x64xf32, #tpu.memory_space<vmem>>)
    %dma_wait3A_203 = arith.constant 4 : i32
    %dma_wait3A_204 = arith.constant 320 : i32
    %dma_wait3A_205 = arith.constant 0 : i32
    %dma_wait3A_206 = tpu.memref_slice %arg10[%dma_wait3A_204, %dma_wait3A_205] : memref<400x64xf32, #tpu.memory_space<vmem>> -> memref<80x64xf32, #tpu.memory_space<vmem>>
    %dma_wait3A_207 = arith.constant 0 : i32
    %dma_wait3A_208 = tpu.memref_slice %arg8[%dma_wait3A_203, %dma_wait3A_207] : memref<5x80xi32, #tpu.memory_space<vmem>> -> memref<1x80xi32, #tpu.memory_space<vmem>>
    %dma_wait3A_209 = tpu.memref_squeeze %dma_wait3A_208 : memref<1x80xi32, #tpu.memory_space<vmem>> -> memref<80xi32, #tpu.memory_space<vmem>>
    %dma_wait3A_210 = arith.constant 0 : i32
    %dma_wait3A_211 = arith.constant 0 : i32
    %dma_wait3A_212 = tpu.memref_slice %arg2[%dma_wait3A_210, %dma_wait3A_211] : memref<10000x64xf32, #tpu.memory_space<hbm>> -> memref<10000x64xf32, #tpu.memory_space<hbm>>
    tpu.wait_indirect_dma semaphore(%arg12 : memref<!tpu.dma_semaphore, #tpu.memory_space<semaphore_mem>>) src(%dma_wait3A_212 : memref<10000x64xf32, #tpu.memory_space<hbm>>) dst(%dma_wait3A_206 : memref<80x64xf32, #tpu.memory_space<vmem>>)
    %dma_wait3A_213 = arith.constant 4 : i32
    %dma_wait3A_214 = arith.constant 320 : i32
    %dma_wait3A_215 = arith.constant 0 : i32
    %dma_wait3A_216 = tpu.memref_slice %arg11[%dma_wait3A_214, %dma_wait3A_215] : memref<400x64xf32, #tpu.memory_space<vmem>> -> memref<80x64xf32, #tpu.memory_space<vmem>>
    %dma_wait3A_217 = arith.constant 0 : i32
    %dma_wait3A_218 = tpu.memref_slice %arg9[%dma_wait3A_213, %dma_wait3A_217] : memref<5x80xi32, #tpu.memory_space<vmem>> -> memref<1x80xi32, #tpu.memory_space<vmem>>
    %dma_wait3A_219 = tpu.memref_squeeze %dma_wait3A_218 : memref<1x80xi32, #tpu.memory_space<vmem>> -> memref<80xi32, #tpu.memory_space<vmem>>
    %dma_wait3A_220 = arith.constant 0 : i32
    %dma_wait3A_221 = arith.constant 0 : i32
    %dma_wait3A_222 = tpu.memref_slice %arg3[%dma_wait3A_220, %dma_wait3A_221] : memref<10000x64xf32, #tpu.memory_space<hbm>> -> memref<10000x64xf32, #tpu.memory_space<hbm>>
    tpu.wait_indirect_dma semaphore(%arg12 : memref<!tpu.dma_semaphore, #tpu.memory_space<semaphore_mem>>) src(%dma_wait3A_222 : memref<10000x64xf32, #tpu.memory_space<hbm>>) dst(%dma_wait3A_216 : memref<80x64xf32, #tpu.memory_space<vmem>>)
    "tpu.region"() ({
      %run_scoped3A = tpu.sem_alloc : memref<!tpu.dma_semaphore, #tpu.memory_space<semaphore_mem>>
      %dma_start3A_223 = arith.constant 0 : i32
      %dma_start3A_224 = tpu.memref_slice %arg6[%add3A_8, %dma_start3A_223] : memref<320000x64xf32, #tpu.memory_space<hbm>> -> memref<400x64xf32, #tpu.memory_space<hbm>>
      %dma_start3A_225 = arith.constant 0 : i32
      %dma_start3A_226 = tpu.memref_slice %arg6[%add3A_8, %dma_start3A_225] : memref<320000x64xf32, #tpu.memory_space<hbm>> -> memref<400x64xf32, #tpu.memory_space<hbm>>
      tpu.enqueue_dma source(%arg10 : memref<400x64xf32, #tpu.memory_space<vmem>>) target(%dma_start3A_226 : memref<400x64xf32, #tpu.memory_space<hbm>>) target_semaphore(%run_scoped3A : memref<!tpu.dma_semaphore, #tpu.memory_space<semaphore_mem>>)
      %dma_wait3A_227 = arith.constant 0 : i32
      %dma_wait3A_228 = tpu.memref_slice %arg6[%add3A_8, %dma_wait3A_227] : memref<320000x64xf32, #tpu.memory_space<hbm>> -> memref<400x64xf32, #tpu.memory_space<hbm>>
      %dma_wait3A_229 = arith.constant 0 : i32
      %dma_wait3A_230 = tpu.memref_slice %arg6[%add3A_8, %dma_wait3A_229] : memref<320000x64xf32, #tpu.memory_space<hbm>> -> memref<400x64xf32, #tpu.memory_space<hbm>>
      tpu.wait_dma2 semaphore(%run_scoped3A : memref<!tpu.dma_semaphore, #tpu.memory_space<semaphore_mem>>) src(%arg10 : memref<400x64xf32, #tpu.memory_space<vmem>>) dst(%dma_wait3A_230 : memref<400x64xf32, #tpu.memory_space<hbm>>)
      tpu.yield
    }) : () -> ()
    "tpu.region"() ({
      %run_scoped3A = tpu.sem_alloc : memref<!tpu.dma_semaphore, #tpu.memory_space<semaphore_mem>>
      %dma_start3A_223 = arith.constant 0 : i32
      %dma_start3A_224 = tpu.memref_slice %arg7[%add3A_8, %dma_start3A_223] : memref<320000x64xf32, #tpu.memory_space<hbm>> -> memref<400x64xf32, #tpu.memory_space<hbm>>
      %dma_start3A_225 = arith.constant 0 : i32
      %dma_start3A_226 = tpu.memref_slice %arg7[%add3A_8, %dma_start3A_225] : memref<320000x64xf32, #tpu.memory_space<hbm>> -> memref<400x64xf32, #tpu.memory_space<hbm>>
      tpu.enqueue_dma source(%arg11 : memref<400x64xf32, #tpu.memory_space<vmem>>) target(%dma_start3A_226 : memref<400x64xf32, #tpu.memory_space<hbm>>) target_semaphore(%run_scoped3A : memref<!tpu.dma_semaphore, #tpu.memory_space<semaphore_mem>>)
      %dma_wait3A_227 = arith.constant 0 : i32
      %dma_wait3A_228 = tpu.memref_slice %arg7[%add3A_8, %dma_wait3A_227] : memref<320000x64xf32, #tpu.memory_space<hbm>> -> memref<400x64xf32, #tpu.memory_space<hbm>>
      %dma_wait3A_229 = arith.constant 0 : i32
      %dma_wait3A_230 = tpu.memref_slice %arg7[%add3A_8, %dma_wait3A_229] : memref<320000x64xf32, #tpu.memory_space<hbm>> -> memref<400x64xf32, #tpu.memory_space<hbm>>
      tpu.wait_dma2 semaphore(%run_scoped3A : memref<!tpu.dma_semaphore, #tpu.memory_space<semaphore_mem>>) src(%arg11 : memref<400x64xf32, #tpu.memory_space<vmem>>) dst(%dma_wait3A_230 : memref<400x64xf32, #tpu.memory_space<hbm>>)
      tpu.yield
    }) : () -> ()
    return
  }
}

#map = affine_map<(d0, d1) -> (0, 0)>
#map1 = affine_map<(d0, d1) -> (0, 0, 0)>
module attributes {stable_mosaic.version = 14 : i64} {
  func.func @_scatter_pass(%arg0: i32, %arg1: i32, %arg2: memref<320000x80xf32, #tpu.memory_space<hbm>>, %arg3: memref<4000x80xi32, #tpu.memory_space<hbm>>, %arg4: memref<2x10240x80xf32, #tpu.memory_space<hbm>>, %arg5: memref<400x80xf32, #tpu.memory_space<vmem>>, %arg6: memref<5x80xi32, #tpu.memory_space<vmem>>, %arg7: memref<10240x80xf32, #tpu.memory_space<vmem_shared>>, %arg8: memref<!tpu.dma_semaphore, #tpu.memory_space<semaphore_mem>>, %arg9: memref<400x80xf32, #tpu.memory_space<vmem>>, %arg10: memref<5x80xi32, #tpu.memory_space<vmem>>, %arg11: memref<!tpu.dma_semaphore, #tpu.memory_space<semaphore_mem>>) attributes {dimension_semantics = [#tpu.dimension_semantics<core_parallel>, #tpu.dimension_semantics<subcore_parallel>], iteration_bounds = array<i64: 2, 16>, scalar_prefetch = 0 : i64, scratch_operands = 7 : i64, tpu.core_type = #tpu.core_type<sc_vector_subcore>, window_params = [{transform_indices = #map}, {transform_indices = #map}, {transform_indices = #map1}]} {
    %mul3A = arith.constant 16 : i32
    %mul3A_0 = arith.muli %arg0, %mul3A : i32
    %add3A = arith.addi %mul3A_0, %arg1 : i32
    %mul3A_1 = arith.constant 10000 : i32
    %mul3A_2 = arith.muli %add3A, %mul3A_1 : i32
    %broadcast_in_dim3A = arith.constant 0.000000e+00 : f32
    %broadcast_in_dim3A_3 = vector.broadcast %broadcast_in_dim3A : f32 to vector<16xf32>
    %scan3A = arith.constant 0 : i32
    %scan3A_4 = arith.constant 400 : i32
    %scan3A_5 = arith.addi %scan3A, %scan3A_4 : i32
    %scan3A_6 = arith.constant 1 : i32
    scf.for %scan3A_138 = %scan3A to %scan3A_5 step %scan3A_6  : i32 {
      %swap3A = arith.index_cast %scan3A_138 : i32 to index
      %swap3A_139 = arith.constant 0 : index
      %swap3A_140 = tpu.vector_load %arg5[%swap3A, %swap3A_139] {strides = array<i32>} : memref<400x80xf32, #tpu.memory_space<vmem>>, vector<1x16xf32>,
      %swap3A_141 = vector.shape_cast %swap3A_140 : vector<1x16xf32> to vector<16xf32>
      %swap3A_142 = vector.shape_cast %broadcast_in_dim3A_3 : vector<16xf32> to vector<1x16xf32>
      tpu.vector_store %arg5[%swap3A, %swap3A_139], %swap3A_142 {strides = array<i32>} : memref<400x80xf32, #tpu.memory_space<vmem>>, vector<1x16xf32>,
      %swap3A_143 = arith.index_cast %scan3A_138 : i32 to index
      %swap3A_144 = arith.constant 16 : index
      %swap3A_145 = tpu.vector_load %arg5[%swap3A_143, %swap3A_144] {strides = array<i32>} : memref<400x80xf32, #tpu.memory_space<vmem>>, vector<1x16xf32>,
      %swap3A_146 = vector.shape_cast %swap3A_145 : vector<1x16xf32> to vector<16xf32>
      %swap3A_147 = vector.shape_cast %broadcast_in_dim3A_3 : vector<16xf32> to vector<1x16xf32>
      tpu.vector_store %arg5[%swap3A_143, %swap3A_144], %swap3A_147 {strides = array<i32>} : memref<400x80xf32, #tpu.memory_space<vmem>>, vector<1x16xf32>,
      %swap3A_148 = arith.index_cast %scan3A_138 : i32 to index
      %swap3A_149 = arith.constant 32 : index
      %swap3A_150 = tpu.vector_load %arg5[%swap3A_148, %swap3A_149] {strides = array<i32>} : memref<400x80xf32, #tpu.memory_space<vmem>>, vector<1x16xf32>,
      %swap3A_151 = vector.shape_cast %swap3A_150 : vector<1x16xf32> to vector<16xf32>
      %swap3A_152 = vector.shape_cast %broadcast_in_dim3A_3 : vector<16xf32> to vector<1x16xf32>
      tpu.vector_store %arg5[%swap3A_148, %swap3A_149], %swap3A_152 {strides = array<i32>} : memref<400x80xf32, #tpu.memory_space<vmem>>, vector<1x16xf32>,
      %swap3A_153 = arith.index_cast %scan3A_138 : i32 to index
      %swap3A_154 = arith.constant 48 : index
      %swap3A_155 = tpu.vector_load %arg5[%swap3A_153, %swap3A_154] {strides = array<i32>} : memref<400x80xf32, #tpu.memory_space<vmem>>, vector<1x16xf32>,
      %swap3A_156 = vector.shape_cast %swap3A_155 : vector<1x16xf32> to vector<16xf32>
      %swap3A_157 = vector.shape_cast %broadcast_in_dim3A_3 : vector<16xf32> to vector<1x16xf32>
      tpu.vector_store %arg5[%swap3A_153, %swap3A_154], %swap3A_157 {strides = array<i32>} : memref<400x80xf32, #tpu.memory_space<vmem>>, vector<1x16xf32>,
      %swap3A_158 = arith.index_cast %scan3A_138 : i32 to index
      %swap3A_159 = arith.constant 64 : index
      %swap3A_160 = tpu.vector_load %arg5[%swap3A_158, %swap3A_159] {strides = array<i32>} : memref<400x80xf32, #tpu.memory_space<vmem>>, vector<1x16xf32>,
      %swap3A_161 = vector.shape_cast %swap3A_160 : vector<1x16xf32> to vector<16xf32>
      %swap3A_162 = vector.shape_cast %broadcast_in_dim3A_3 : vector<16xf32> to vector<1x16xf32>
      tpu.vector_store %arg5[%swap3A_158, %swap3A_159], %swap3A_162 {strides = array<i32>} : memref<400x80xf32, #tpu.memory_space<vmem>>, vector<1x16xf32>,
    }
    %scan3A_7 = arith.constant 400 : i32
    %mul3A_8 = arith.constant 640 : i32
    %mul3A_9 = arith.muli %arg1, %mul3A_8 : i32
    "tpu.region"() ({
      %run_scoped3A = tpu.sem_alloc : memref<!tpu.dma_semaphore, #tpu.memory_space<semaphore_mem>>
      %dma_start3A_138 = arith.constant 0 : i32
      %dma_start3A_139 = arith.constant 0 : i32
      %dma_start3A_140 = tpu.memref_slice %arg5[%dma_start3A_138, %dma_start3A_139] : memref<400x80xf32, #tpu.memory_space<vmem>> -> memref<400x80xf32, #tpu.memory_space<vmem>>
      %dma_start3A_141 = arith.constant 0 : i32
      %dma_start3A_142 = tpu.memref_slice %arg7[%mul3A_9, %dma_start3A_141] : memref<10240x80xf32, #tpu.memory_space<vmem_shared>> -> memref<400x80xf32, #tpu.memory_space<vmem_shared>>
      %dma_start3A_143 = arith.constant 0 : i32
      %dma_start3A_144 = tpu.memref_slice %arg7[%mul3A_9, %dma_start3A_143] : memref<10240x80xf32, #tpu.memory_space<vmem_shared>> -> memref<400x80xf32, #tpu.memory_space<vmem_shared>>
      %dma_start3A_145 = arith.constant 0 : i32
      %dma_start3A_146 = arith.constant 0 : i32
      %dma_start3A_147 = tpu.memref_slice %arg5[%dma_start3A_145, %dma_start3A_146] : memref<400x80xf32, #tpu.memory_space<vmem>> -> memref<400x80xf32, #tpu.memory_space<vmem>>
      tpu.enqueue_dma source(%dma_start3A_147 : memref<400x80xf32, #tpu.memory_space<vmem>>) target(%dma_start3A_144 : memref<400x80xf32, #tpu.memory_space<vmem_shared>>) target_semaphore(%run_scoped3A : memref<!tpu.dma_semaphore, #tpu.memory_space<semaphore_mem>>)
      %dma_wait3A_148 = arith.constant 0 : i32
      %dma_wait3A_149 = arith.constant 0 : i32
      %dma_wait3A_150 = tpu.memref_slice %arg5[%dma_wait3A_148, %dma_wait3A_149] : memref<400x80xf32, #tpu.memory_space<vmem>> -> memref<400x80xf32, #tpu.memory_space<vmem>>
      %dma_wait3A_151 = arith.constant 0 : i32
      %dma_wait3A_152 = tpu.memref_slice %arg7[%mul3A_9, %dma_wait3A_151] : memref<10240x80xf32, #tpu.memory_space<vmem_shared>> -> memref<400x80xf32, #tpu.memory_space<vmem_shared>>
      %dma_wait3A_153 = arith.constant 0 : i32
      %dma_wait3A_154 = tpu.memref_slice %arg7[%mul3A_9, %dma_wait3A_153] : memref<10240x80xf32, #tpu.memory_space<vmem_shared>> -> memref<400x80xf32, #tpu.memory_space<vmem_shared>>
      %dma_wait3A_155 = arith.constant 0 : i32
      %dma_wait3A_156 = arith.constant 0 : i32
      %dma_wait3A_157 = tpu.memref_slice %arg5[%dma_wait3A_155, %dma_wait3A_156] : memref<400x80xf32, #tpu.memory_space<vmem>> -> memref<400x80xf32, #tpu.memory_space<vmem>>
      tpu.wait_dma2 semaphore(%run_scoped3A : memref<!tpu.dma_semaphore, #tpu.memory_space<semaphore_mem>>) src(%dma_wait3A_157 : memref<400x80xf32, #tpu.memory_space<vmem>>) dst(%dma_wait3A_154 : memref<400x80xf32, #tpu.memory_space<vmem_shared>>)
      tpu.yield
    }) : () -> ()
    %mul3A_10 = arith.constant 640 : i32
    %mul3A_11 = arith.muli %arg1, %mul3A_10 : i32
    %add3A_12 = arith.constant 400 : i32
    %add3A_13 = arith.addi %mul3A_11, %add3A_12 : i32
    "tpu.region"() ({
      %run_scoped3A = tpu.sem_alloc : memref<!tpu.dma_semaphore, #tpu.memory_space<semaphore_mem>>
      %dma_start3A_138 = arith.constant 0 : i32
      %dma_start3A_139 = arith.constant 0 : i32
      %dma_start3A_140 = tpu.memref_slice %arg5[%dma_start3A_138, %dma_start3A_139] : memref<400x80xf32, #tpu.memory_space<vmem>> -> memref<240x80xf32, #tpu.memory_space<vmem>>
      %dma_start3A_141 = arith.constant 0 : i32
      %dma_start3A_142 = tpu.memref_slice %arg7[%add3A_13, %dma_start3A_141] : memref<10240x80xf32, #tpu.memory_space<vmem_shared>> -> memref<240x80xf32, #tpu.memory_space<vmem_shared>>
      %dma_start3A_143 = arith.constant 0 : i32
      %dma_start3A_144 = tpu.memref_slice %arg7[%add3A_13, %dma_start3A_143] : memref<10240x80xf32, #tpu.memory_space<vmem_shared>> -> memref<240x80xf32, #tpu.memory_space<vmem_shared>>
      %dma_start3A_145 = arith.constant 0 : i32
      %dma_start3A_146 = arith.constant 0 : i32
      %dma_start3A_147 = tpu.memref_slice %arg5[%dma_start3A_145, %dma_start3A_146] : memref<400x80xf32, #tpu.memory_space<vmem>> -> memref<240x80xf32, #tpu.memory_space<vmem>>
      tpu.enqueue_dma source(%dma_start3A_147 : memref<240x80xf32, #tpu.memory_space<vmem>>) target(%dma_start3A_144 : memref<240x80xf32, #tpu.memory_space<vmem_shared>>) target_semaphore(%run_scoped3A : memref<!tpu.dma_semaphore, #tpu.memory_space<semaphore_mem>>)
      %dma_wait3A_148 = arith.constant 0 : i32
      %dma_wait3A_149 = arith.constant 0 : i32
      %dma_wait3A_150 = tpu.memref_slice %arg5[%dma_wait3A_148, %dma_wait3A_149] : memref<400x80xf32, #tpu.memory_space<vmem>> -> memref<240x80xf32, #tpu.memory_space<vmem>>
      %dma_wait3A_151 = arith.constant 0 : i32
      %dma_wait3A_152 = tpu.memref_slice %arg7[%add3A_13, %dma_wait3A_151] : memref<10240x80xf32, #tpu.memory_space<vmem_shared>> -> memref<240x80xf32, #tpu.memory_space<vmem_shared>>
      %dma_wait3A_153 = arith.constant 0 : i32
      %dma_wait3A_154 = tpu.memref_slice %arg7[%add3A_13, %dma_wait3A_153] : memref<10240x80xf32, #tpu.memory_space<vmem_shared>> -> memref<240x80xf32, #tpu.memory_space<vmem_shared>>
      %dma_wait3A_155 = arith.constant 0 : i32
      %dma_wait3A_156 = arith.constant 0 : i32
      %dma_wait3A_157 = tpu.memref_slice %arg5[%dma_wait3A_155, %dma_wait3A_156] : memref<400x80xf32, #tpu.memory_space<vmem>> -> memref<240x80xf32, #tpu.memory_space<vmem>>
      tpu.wait_dma2 semaphore(%run_scoped3A : memref<!tpu.dma_semaphore, #tpu.memory_space<semaphore_mem>>) src(%dma_wait3A_157 : memref<240x80xf32, #tpu.memory_space<vmem>>) dst(%dma_wait3A_154 : memref<240x80xf32, #tpu.memory_space<vmem_shared>>)
      tpu.yield
    }) : () -> ()
    %barrier3A = arith.constant 0 : index
    tpu.barrier barrier_id(%barrier3A)
    %scan3A_14 = arith.constant 0 : i32
    %scan3A_15 = arith.constant 12 : i32
    %scan3A_16 = arith.addi %scan3A_14, %scan3A_15 : i32
    %scan3A_17 = arith.constant 1 : i32
    scf.for %scan3A_138 = %scan3A_14 to %scan3A_16 step %scan3A_17  : i32 {
      %mul3A_139 = arith.constant 2 : i32
      %mul3A_140 = arith.muli %scan3A_138, %mul3A_139 : i32
      %mul3A_141 = arith.constant 400 : i32
      %mul3A_142 = arith.muli %mul3A_140, %mul3A_141 : i32
      %add3A_143 = arith.addi %mul3A_2, %mul3A_142 : i32
      %jit3A_144 = arith.constant 80 : i32
      %div3A_145 = arith.divsi %add3A_143, %jit3A_144 : i32
      %sign3A_146 = arith.constant 0 : i32
      %sign3A_147 = arith.cmpi sgt, %add3A_143, %sign3A_146 : i32
      %sign3A_148 = arith.extui %sign3A_147 : i1 to i32
      %sign3A_149 = arith.constant 0 : i32
      %sign3A_150 = arith.cmpi slt, %add3A_143, %sign3A_149 : i32
      %sign3A_151 = arith.extui %sign3A_150 : i1 to i32
      %sign3A_152 = arith.subi %sign3A_148, %sign3A_151 : i32
      %sign3A_153 = arith.constant 0 : i32
      %sign3A_154 = arith.cmpi sgt, %jit3A_144, %sign3A_153 : i32
      %sign3A_155 = arith.extui %sign3A_154 : i1 to i32
      %sign3A_156 = arith.constant 0 : i32
      %sign3A_157 = arith.cmpi slt, %jit3A_144, %sign3A_156 : i32
      %sign3A_158 = arith.extui %sign3A_157 : i1 to i32
      %sign3A_159 = arith.subi %sign3A_155, %sign3A_158 : i32
      %ne3A_160 = arith.cmpi ne, %sign3A_152, %sign3A_159 : i32
      %rem3A_161 = arith.remsi %add3A_143, %jit3A_144 : i32
      %ne3A_162 = arith.constant 0 : i32
      %ne3A_163 = arith.cmpi ne, %rem3A_161, %ne3A_162 : i32
      %and3A_164 = arith.andi %ne3A_160, %ne3A_163 : i1
      %sub3A_165 = arith.constant 1 : i32
      %sub3A_166 = arith.subi %div3A_145, %sub3A_165 : i32
      %select_n3A_167 = arith.select %and3A_164, %sub3A_166, %div3A_145 : i32
      "tpu.region"() ({
        %run_scoped3A = tpu.sem_alloc : memref<!tpu.dma_semaphore, #tpu.memory_space<semaphore_mem>>
        %dma_start3A_394 = arith.constant 0 : i32
        %dma_start3A_395 = tpu.memref_slice %arg3[%select_n3A_167, %dma_start3A_394] : memref<4000x80xi32, #tpu.memory_space<hbm>> -> memref<5x80xi32, #tpu.memory_space<hbm>>
        %dma_start3A_396 = arith.constant 0 : i32
        %dma_start3A_397 = tpu.memref_slice %arg3[%select_n3A_167, %dma_start3A_396] : memref<4000x80xi32, #tpu.memory_space<hbm>> -> memref<5x80xi32, #tpu.memory_space<hbm>>
        tpu.enqueue_dma source(%dma_start3A_397 : memref<5x80xi32, #tpu.memory_space<hbm>>) target(%arg6 : memref<5x80xi32, #tpu.memory_space<vmem>>) target_semaphore(%run_scoped3A : memref<!tpu.dma_semaphore, #tpu.memory_space<semaphore_mem>>)
        %dma_wait3A_398 = arith.constant 0 : i32
        %dma_wait3A_399 = tpu.memref_slice %arg3[%select_n3A_167, %dma_wait3A_398] : memref<4000x80xi32, #tpu.memory_space<hbm>> -> memref<5x80xi32, #tpu.memory_space<hbm>>
        %dma_wait3A_400 = arith.constant 0 : i32
        %dma_wait3A_401 = tpu.memref_slice %arg3[%select_n3A_167, %dma_wait3A_400] : memref<4000x80xi32, #tpu.memory_space<hbm>> -> memref<5x80xi32, #tpu.memory_space<hbm>>
        tpu.wait_dma2 semaphore(%run_scoped3A : memref<!tpu.dma_semaphore, #tpu.memory_space<semaphore_mem>>) src(%dma_wait3A_401 : memref<5x80xi32, #tpu.memory_space<hbm>>) dst(%arg6 : memref<5x80xi32, #tpu.memory_space<vmem>>)
        tpu.yield
      }) : () -> ()
      "tpu.region"() ({
        %run_scoped3A = tpu.sem_alloc : memref<!tpu.dma_semaphore, #tpu.memory_space<semaphore_mem>>
        %dma_start3A_394 = arith.constant 0 : i32
        %dma_start3A_395 = tpu.memref_slice %arg2[%add3A_143, %dma_start3A_394] : memref<320000x80xf32, #tpu.memory_space<hbm>> -> memref<400x80xf32, #tpu.memory_space<hbm>>
        %dma_start3A_396 = arith.constant 0 : i32
        %dma_start3A_397 = tpu.memref_slice %arg2[%add3A_143, %dma_start3A_396] : memref<320000x80xf32, #tpu.memory_space<hbm>> -> memref<400x80xf32, #tpu.memory_space<hbm>>
        tpu.enqueue_dma source(%dma_start3A_397 : memref<400x80xf32, #tpu.memory_space<hbm>>) target(%arg5 : memref<400x80xf32, #tpu.memory_space<vmem>>) target_semaphore(%run_scoped3A : memref<!tpu.dma_semaphore, #tpu.memory_space<semaphore_mem>>)
        %dma_wait3A_398 = arith.constant 0 : i32
        %dma_wait3A_399 = tpu.memref_slice %arg2[%add3A_143, %dma_wait3A_398] : memref<320000x80xf32, #tpu.memory_space<hbm>> -> memref<400x80xf32, #tpu.memory_space<hbm>>
        %dma_wait3A_400 = arith.constant 0 : i32
        %dma_wait3A_401 = tpu.memref_slice %arg2[%add3A_143, %dma_wait3A_400] : memref<320000x80xf32, #tpu.memory_space<hbm>> -> memref<400x80xf32, #tpu.memory_space<hbm>>
        tpu.wait_dma2 semaphore(%run_scoped3A : memref<!tpu.dma_semaphore, #tpu.memory_space<semaphore_mem>>) src(%dma_wait3A_401 : memref<400x80xf32, #tpu.memory_space<hbm>>) dst(%arg5 : memref<400x80xf32, #tpu.memory_space<vmem>>)
        tpu.yield
      }) : () -> ()
      %dma_start3A_168 = arith.constant 0 : i32
      %dma_start3A_169 = arith.constant 0 : i32
      %dma_start3A_170 = arith.constant 0 : i32
      %dma_start3A_171 = tpu.memref_slice %arg5[%dma_start3A_169, %dma_start3A_170] : memref<400x80xf32, #tpu.memory_space<vmem>> -> memref<80x80xf32, #tpu.memory_space<vmem>>
      %dma_start3A_172 = arith.constant 0 : i32
      %dma_start3A_173 = tpu.memref_slice %arg6[%dma_start3A_168, %dma_start3A_172] : memref<5x80xi32, #tpu.memory_space<vmem>> -> memref<1x80xi32, #tpu.memory_space<vmem>>
      %dma_start3A_174 = tpu.memref_squeeze %dma_start3A_173 : memref<1x80xi32, #tpu.memory_space<vmem>> -> memref<80xi32, #tpu.memory_space<vmem>>
      %dma_start3A_175 = arith.constant 0 : i32
      %dma_start3A_176 = arith.constant 0 : i32
      %dma_start3A_177 = tpu.memref_slice %arg7[%dma_start3A_175, %dma_start3A_176] : memref<10240x80xf32, #tpu.memory_space<vmem_shared>> -> memref<10240x80xf32, #tpu.memory_space<vmem_shared>>
      tpu.enqueue_indirect_dma source(%dma_start3A_171 : memref<80x80xf32, #tpu.memory_space<vmem>>) target(%dma_start3A_177 : memref<10240x80xf32, #tpu.memory_space<vmem_shared>>) offsets(%dma_start3A_174 : memref<80xi32, #tpu.memory_space<vmem>>) semaphore(%arg8 : memref<!tpu.dma_semaphore, #tpu.memory_space<semaphore_mem>>) {add = true}
      %dma_start3A_178 = arith.constant 1 : i32
      %dma_start3A_179 = arith.constant 80 : i32
      %dma_start3A_180 = arith.constant 0 : i32
      %dma_start3A_181 = tpu.memref_slice %arg5[%dma_start3A_179, %dma_start3A_180] : memref<400x80xf32, #tpu.memory_space<vmem>> -> memref<80x80xf32, #tpu.memory_space<vmem>>
      %dma_start3A_182 = arith.constant 0 : i32
      %dma_start3A_183 = tpu.memref_slice %arg6[%dma_start3A_178, %dma_start3A_182] : memref<5x80xi32, #tpu.memory_space<vmem>> -> memref<1x80xi32, #tpu.memory_space<vmem>>
      %dma_start3A_184 = tpu.memref_squeeze %dma_start3A_183 : memref<1x80xi32, #tpu.memory_space<vmem>> -> memref<80xi32, #tpu.memory_space<vmem>>
      %dma_start3A_185 = arith.constant 0 : i32
      %dma_start3A_186 = arith.constant 0 : i32
      %dma_start3A_187 = tpu.memref_slice %arg7[%dma_start3A_185, %dma_start3A_186] : memref<10240x80xf32, #tpu.memory_space<vmem_shared>> -> memref<10240x80xf32, #tpu.memory_space<vmem_shared>>
      tpu.enqueue_indirect_dma source(%dma_start3A_181 : memref<80x80xf32, #tpu.memory_space<vmem>>) target(%dma_start3A_187 : memref<10240x80xf32, #tpu.memory_space<vmem_shared>>) offsets(%dma_start3A_184 : memref<80xi32, #tpu.memory_space<vmem>>) semaphore(%arg8 : memref<!tpu.dma_semaphore, #tpu.memory_space<semaphore_mem>>) {add = true}
      %dma_start3A_188 = arith.constant 2 : i32
      %dma_start3A_189 = arith.constant 160 : i32
      %dma_start3A_190 = arith.constant 0 : i32
      %dma_start3A_191 = tpu.memref_slice %arg5[%dma_start3A_189, %dma_start3A_190] : memref<400x80xf32, #tpu.memory_space<vmem>> -> memref<80x80xf32, #tpu.memory_space<vmem>>
      %dma_start3A_192 = arith.constant 0 : i32
      %dma_start3A_193 = tpu.memref_slice %arg6[%dma_start3A_188, %dma_start3A_192] : memref<5x80xi32, #tpu.memory_space<vmem>> -> memref<1x80xi32, #tpu.memory_space<vmem>>
      %dma_start3A_194 = tpu.memref_squeeze %dma_start3A_193 : memref<1x80xi32, #tpu.memory_space<vmem>> -> memref<80xi32, #tpu.memory_space<vmem>>
      %dma_start3A_195 = arith.constant 0 : i32
      %dma_start3A_196 = arith.constant 0 : i32
      %dma_start3A_197 = tpu.memref_slice %arg7[%dma_start3A_195, %dma_start3A_196] : memref<10240x80xf32, #tpu.memory_space<vmem_shared>> -> memref<10240x80xf32, #tpu.memory_space<vmem_shared>>
      tpu.enqueue_indirect_dma source(%dma_start3A_191 : memref<80x80xf32, #tpu.memory_space<vmem>>) target(%dma_start3A_197 : memref<10240x80xf32, #tpu.memory_space<vmem_shared>>) offsets(%dma_start3A_194 : memref<80xi32, #tpu.memory_space<vmem>>) semaphore(%arg8 : memref<!tpu.dma_semaphore, #tpu.memory_space<semaphore_mem>>) {add = true}
      %dma_start3A_198 = arith.constant 3 : i32
      %dma_start3A_199 = arith.constant 240 : i32
      %dma_start3A_200 = arith.constant 0 : i32
      %dma_start3A_201 = tpu.memref_slice %arg5[%dma_start3A_199, %dma_start3A_200] : memref<400x80xf32, #tpu.memory_space<vmem>> -> memref<80x80xf32, #tpu.memory_space<vmem>>
      %dma_start3A_202 = arith.constant 0 : i32
      %dma_start3A_203 = tpu.memref_slice %arg6[%dma_start3A_198, %dma_start3A_202] : memref<5x80xi32, #tpu.memory_space<vmem>> -> memref<1x80xi32, #tpu.memory_space<vmem>>
      %dma_start3A_204 = tpu.memref_squeeze %dma_start3A_203 : memref<1x80xi32, #tpu.memory_space<vmem>> -> memref<80xi32, #tpu.memory_space<vmem>>
      %dma_start3A_205 = arith.constant 0 : i32
      %dma_start3A_206 = arith.constant 0 : i32
      %dma_start3A_207 = tpu.memref_slice %arg7[%dma_start3A_205, %dma_start3A_206] : memref<10240x80xf32, #tpu.memory_space<vmem_shared>> -> memref<10240x80xf32, #tpu.memory_space<vmem_shared>>
      tpu.enqueue_indirect_dma source(%dma_start3A_201 : memref<80x80xf32, #tpu.memory_space<vmem>>) target(%dma_start3A_207 : memref<10240x80xf32, #tpu.memory_space<vmem_shared>>) offsets(%dma_start3A_204 : memref<80xi32, #tpu.memory_space<vmem>>) semaphore(%arg8 : memref<!tpu.dma_semaphore, #tpu.memory_space<semaphore_mem>>) {add = true}
      %dma_start3A_208 = arith.constant 4 : i32
      %dma_start3A_209 = arith.constant 320 : i32
      %dma_start3A_210 = arith.constant 0 : i32
      %dma_start3A_211 = tpu.memref_slice %arg5[%dma_start3A_209, %dma_start3A_210] : memref<400x80xf32, #tpu.memory_space<vmem>> -> memref<80x80xf32, #tpu.memory_space<vmem>>
      %dma_start3A_212 = arith.constant 0 : i32
      %dma_start3A_213 = tpu.memref_slice %arg6[%dma_start3A_208, %dma_start3A_212] : memref<5x80xi32, #tpu.memory_space<vmem>> -> memref<1x80xi32, #tpu.memory_space<vmem>>
      %dma_start3A_214 = tpu.memref_squeeze %dma_start3A_213 : memref<1x80xi32, #tpu.memory_space<vmem>> -> memref<80xi32, #tpu.memory_space<vmem>>
      %dma_start3A_215 = arith.constant 0 : i32
      %dma_start3A_216 = arith.constant 0 : i32
      %dma_start3A_217 = tpu.memref_slice %arg7[%dma_start3A_215, %dma_start3A_216] : memref<10240x80xf32, #tpu.memory_space<vmem_shared>> -> memref<10240x80xf32, #tpu.memory_space<vmem_shared>>
      tpu.enqueue_indirect_dma source(%dma_start3A_211 : memref<80x80xf32, #tpu.memory_space<vmem>>) target(%dma_start3A_217 : memref<10240x80xf32, #tpu.memory_space<vmem_shared>>) offsets(%dma_start3A_214 : memref<80xi32, #tpu.memory_space<vmem>>) semaphore(%arg8 : memref<!tpu.dma_semaphore, #tpu.memory_space<semaphore_mem>>) {add = true}
      %add3A_218 = arith.constant 400 : i32
      %add3A_219 = arith.addi %add3A_143, %add3A_218 : i32
      %jit3A_220 = arith.constant 80 : i32
      %div3A_221 = arith.divsi %add3A_219, %jit3A_220 : i32
      %sign3A_222 = arith.constant 0 : i32
      %sign3A_223 = arith.cmpi sgt, %add3A_219, %sign3A_222 : i32
      %sign3A_224 = arith.extui %sign3A_223 : i1 to i32
      %sign3A_225 = arith.constant 0 : i32
      %sign3A_226 = arith.cmpi slt, %add3A_219, %sign3A_225 : i32
      %sign3A_227 = arith.extui %sign3A_226 : i1 to i32
      %sign3A_228 = arith.subi %sign3A_224, %sign3A_227 : i32
      %sign3A_229 = arith.constant 0 : i32
      %sign3A_230 = arith.cmpi sgt, %jit3A_220, %sign3A_229 : i32
      %sign3A_231 = arith.extui %sign3A_230 : i1 to i32
      %sign3A_232 = arith.constant 0 : i32
      %sign3A_233 = arith.cmpi slt, %jit3A_220, %sign3A_232 : i32
      %sign3A_234 = arith.extui %sign3A_233 : i1 to i32
      %sign3A_235 = arith.subi %sign3A_231, %sign3A_234 : i32
      %ne3A_236 = arith.cmpi ne, %sign3A_228, %sign3A_235 : i32
      %rem3A_237 = arith.remsi %add3A_219, %jit3A_220 : i32
      %ne3A_238 = arith.constant 0 : i32
      %ne3A_239 = arith.cmpi ne, %rem3A_237, %ne3A_238 : i32
      %and3A_240 = arith.andi %ne3A_236, %ne3A_239 : i1
      %sub3A_241 = arith.constant 1 : i32
      %sub3A_242 = arith.subi %div3A_221, %sub3A_241 : i32
      %select_n3A_243 = arith.select %and3A_240, %sub3A_242, %div3A_221 : i32
      "tpu.region"() ({
        %run_scoped3A = tpu.sem_alloc : memref<!tpu.dma_semaphore, #tpu.memory_space<semaphore_mem>>
        %dma_start3A_394 = arith.constant 0 : i32
        %dma_start3A_395 = tpu.memref_slice %arg3[%select_n3A_243, %dma_start3A_394] : memref<4000x80xi32, #tpu.memory_space<hbm>> -> memref<5x80xi32, #tpu.memory_space<hbm>>
        %dma_start3A_396 = arith.constant 0 : i32
        %dma_start3A_397 = tpu.memref_slice %arg3[%select_n3A_243, %dma_start3A_396] : memref<4000x80xi32, #tpu.memory_space<hbm>> -> memref<5x80xi32, #tpu.memory_space<hbm>>
        tpu.enqueue_dma source(%dma_start3A_397 : memref<5x80xi32, #tpu.memory_space<hbm>>) target(%arg10 : memref<5x80xi32, #tpu.memory_space<vmem>>) target_semaphore(%run_scoped3A : memref<!tpu.dma_semaphore, #tpu.memory_space<semaphore_mem>>)
        %dma_wait3A_398 = arith.constant 0 : i32
        %dma_wait3A_399 = tpu.memref_slice %arg3[%select_n3A_243, %dma_wait3A_398] : memref<4000x80xi32, #tpu.memory_space<hbm>> -> memref<5x80xi32, #tpu.memory_space<hbm>>
        %dma_wait3A_400 = arith.constant 0 : i32
        %dma_wait3A_401 = tpu.memref_slice %arg3[%select_n3A_243, %dma_wait3A_400] : memref<4000x80xi32, #tpu.memory_space<hbm>> -> memref<5x80xi32, #tpu.memory_space<hbm>>
        tpu.wait_dma2 semaphore(%run_scoped3A : memref<!tpu.dma_semaphore, #tpu.memory_space<semaphore_mem>>) src(%dma_wait3A_401 : memref<5x80xi32, #tpu.memory_space<hbm>>) dst(%arg10 : memref<5x80xi32, #tpu.memory_space<vmem>>)
        tpu.yield
      }) : () -> ()
      "tpu.region"() ({
        %run_scoped3A = tpu.sem_alloc : memref<!tpu.dma_semaphore, #tpu.memory_space<semaphore_mem>>
        %dma_start3A_394 = arith.constant 0 : i32
        %dma_start3A_395 = tpu.memref_slice %arg2[%add3A_219, %dma_start3A_394] : memref<320000x80xf32, #tpu.memory_space<hbm>> -> memref<400x80xf32, #tpu.memory_space<hbm>>
        %dma_start3A_396 = arith.constant 0 : i32
        %dma_start3A_397 = tpu.memref_slice %arg2[%add3A_219, %dma_start3A_396] : memref<320000x80xf32, #tpu.memory_space<hbm>> -> memref<400x80xf32, #tpu.memory_space<hbm>>
        tpu.enqueue_dma source(%dma_start3A_397 : memref<400x80xf32, #tpu.memory_space<hbm>>) target(%arg9 : memref<400x80xf32, #tpu.memory_space<vmem>>) target_semaphore(%run_scoped3A : memref<!tpu.dma_semaphore, #tpu.memory_space<semaphore_mem>>)
        %dma_wait3A_398 = arith.constant 0 : i32
        %dma_wait3A_399 = tpu.memref_slice %arg2[%add3A_219, %dma_wait3A_398] : memref<320000x80xf32, #tpu.memory_space<hbm>> -> memref<400x80xf32, #tpu.memory_space<hbm>>
        %dma_wait3A_400 = arith.constant 0 : i32
        %dma_wait3A_401 = tpu.memref_slice %arg2[%add3A_219, %dma_wait3A_400] : memref<320000x80xf32, #tpu.memory_space<hbm>> -> memref<400x80xf32, #tpu.memory_space<hbm>>
        tpu.wait_dma2 semaphore(%run_scoped3A : memref<!tpu.dma_semaphore, #tpu.memory_space<semaphore_mem>>) src(%dma_wait3A_401 : memref<400x80xf32, #tpu.memory_space<hbm>>) dst(%arg9 : memref<400x80xf32, #tpu.memory_space<vmem>>)
        tpu.yield
      }) : () -> ()
      %dma_start3A_244 = arith.constant 0 : i32
      %dma_start3A_245 = arith.constant 0 : i32
      %dma_start3A_246 = arith.constant 0 : i32
      %dma_start3A_247 = tpu.memref_slice %arg9[%dma_start3A_245, %dma_start3A_246] : memref<400x80xf32, #tpu.memory_space<vmem>> -> memref<80x80xf32, #tpu.memory_space<vmem>>
      %dma_start3A_248 = arith.constant 0 : i32
      %dma_start3A_249 = tpu.memref_slice %arg10[%dma_start3A_244, %dma_start3A_248] : memref<5x80xi32, #tpu.memory_space<vmem>> -> memref<1x80xi32, #tpu.memory_space<vmem>>
      %dma_start3A_250 = tpu.memref_squeeze %dma_start3A_249 : memref<1x80xi32, #tpu.memory_space<vmem>> -> memref<80xi32, #tpu.memory_space<vmem>>
      %dma_start3A_251 = arith.constant 0 : i32
      %dma_start3A_252 = arith.constant 0 : i32
      %dma_start3A_253 = tpu.memref_slice %arg7[%dma_start3A_251, %dma_start3A_252] : memref<10240x80xf32, #tpu.memory_space<vmem_shared>> -> memref<10240x80xf32, #tpu.memory_space<vmem_shared>>
      tpu.enqueue_indirect_dma source(%dma_start3A_247 : memref<80x80xf32, #tpu.memory_space<vmem>>) target(%dma_start3A_253 : memref<10240x80xf32, #tpu.memory_space<vmem_shared>>) offsets(%dma_start3A_250 : memref<80xi32, #tpu.memory_space<vmem>>) semaphore(%arg11 : memref<!tpu.dma_semaphore, #tpu.memory_space<semaphore_mem>>) {add = true}
      %dma_start3A_254 = arith.constant 1 : i32
      %dma_start3A_255 = arith.constant 80 : i32
      %dma_start3A_256 = arith.constant 0 : i32
      %dma_start3A_257 = tpu.memref_slice %arg9[%dma_start3A_255, %dma_start3A_256] : memref<400x80xf32, #tpu.memory_space<vmem>> -> memref<80x80xf32, #tpu.memory_space<vmem>>
      %dma_start3A_258 = arith.constant 0 : i32
      %dma_start3A_259 = tpu.memref_slice %arg10[%dma_start3A_254, %dma_start3A_258] : memref<5x80xi32, #tpu.memory_space<vmem>> -> memref<1x80xi32, #tpu.memory_space<vmem>>
      %dma_start3A_260 = tpu.memref_squeeze %dma_start3A_259 : memref<1x80xi32, #tpu.memory_space<vmem>> -> memref<80xi32, #tpu.memory_space<vmem>>
      %dma_start3A_261 = arith.constant 0 : i32
      %dma_start3A_262 = arith.constant 0 : i32
      %dma_start3A_263 = tpu.memref_slice %arg7[%dma_start3A_261, %dma_start3A_262] : memref<10240x80xf32, #tpu.memory_space<vmem_shared>> -> memref<10240x80xf32, #tpu.memory_space<vmem_shared>>
      tpu.enqueue_indirect_dma source(%dma_start3A_257 : memref<80x80xf32, #tpu.memory_space<vmem>>) target(%dma_start3A_263 : memref<10240x80xf32, #tpu.memory_space<vmem_shared>>) offsets(%dma_start3A_260 : memref<80xi32, #tpu.memory_space<vmem>>) semaphore(%arg11 : memref<!tpu.dma_semaphore, #tpu.memory_space<semaphore_mem>>) {add = true}
      %dma_start3A_264 = arith.constant 2 : i32
      %dma_start3A_265 = arith.constant 160 : i32
      %dma_start3A_266 = arith.constant 0 : i32
      %dma_start3A_267 = tpu.memref_slice %arg9[%dma_start3A_265, %dma_start3A_266] : memref<400x80xf32, #tpu.memory_space<vmem>> -> memref<80x80xf32, #tpu.memory_space<vmem>>
      %dma_start3A_268 = arith.constant 0 : i32
      %dma_start3A_269 = tpu.memref_slice %arg10[%dma_start3A_264, %dma_start3A_268] : memref<5x80xi32, #tpu.memory_space<vmem>> -> memref<1x80xi32, #tpu.memory_space<vmem>>
      %dma_start3A_270 = tpu.memref_squeeze %dma_start3A_269 : memref<1x80xi32, #tpu.memory_space<vmem>> -> memref<80xi32, #tpu.memory_space<vmem>>
      %dma_start3A_271 = arith.constant 0 : i32
      %dma_start3A_272 = arith.constant 0 : i32
      %dma_start3A_273 = tpu.memref_slice %arg7[%dma_start3A_271, %dma_start3A_272] : memref<10240x80xf32, #tpu.memory_space<vmem_shared>> -> memref<10240x80xf32, #tpu.memory_space<vmem_shared>>
      tpu.enqueue_indirect_dma source(%dma_start3A_267 : memref<80x80xf32, #tpu.memory_space<vmem>>) target(%dma_start3A_273 : memref<10240x80xf32, #tpu.memory_space<vmem_shared>>) offsets(%dma_start3A_270 : memref<80xi32, #tpu.memory_space<vmem>>) semaphore(%arg11 : memref<!tpu.dma_semaphore, #tpu.memory_space<semaphore_mem>>) {add = true}
      %dma_start3A_274 = arith.constant 3 : i32
      %dma_start3A_275 = arith.constant 240 : i32
      %dma_start3A_276 = arith.constant 0 : i32
      %dma_start3A_277 = tpu.memref_slice %arg9[%dma_start3A_275, %dma_start3A_276] : memref<400x80xf32, #tpu.memory_space<vmem>> -> memref<80x80xf32, #tpu.memory_space<vmem>>
      %dma_start3A_278 = arith.constant 0 : i32
      %dma_start3A_279 = tpu.memref_slice %arg10[%dma_start3A_274, %dma_start3A_278] : memref<5x80xi32, #tpu.memory_space<vmem>> -> memref<1x80xi32, #tpu.memory_space<vmem>>
      %dma_start3A_280 = tpu.memref_squeeze %dma_start3A_279 : memref<1x80xi32, #tpu.memory_space<vmem>> -> memref<80xi32, #tpu.memory_space<vmem>>
      %dma_start3A_281 = arith.constant 0 : i32
      %dma_start3A_282 = arith.constant 0 : i32
      %dma_start3A_283 = tpu.memref_slice %arg7[%dma_start3A_281, %dma_start3A_282] : memref<10240x80xf32, #tpu.memory_space<vmem_shared>> -> memref<10240x80xf32, #tpu.memory_space<vmem_shared>>
      tpu.enqueue_indirect_dma source(%dma_start3A_277 : memref<80x80xf32, #tpu.memory_space<vmem>>) target(%dma_start3A_283 : memref<10240x80xf32, #tpu.memory_space<vmem_shared>>) offsets(%dma_start3A_280 : memref<80xi32, #tpu.memory_space<vmem>>) semaphore(%arg11 : memref<!tpu.dma_semaphore, #tpu.memory_space<semaphore_mem>>) {add = true}
      %dma_start3A_284 = arith.constant 4 : i32
      %dma_start3A_285 = arith.constant 320 : i32
      %dma_start3A_286 = arith.constant 0 : i32
      %dma_start3A_287 = tpu.memref_slice %arg9[%dma_start3A_285, %dma_start3A_286] : memref<400x80xf32, #tpu.memory_space<vmem>> -> memref<80x80xf32, #tpu.memory_space<vmem>>
      %dma_start3A_288 = arith.constant 0 : i32
      %dma_start3A_289 = tpu.memref_slice %arg10[%dma_start3A_284, %dma_start3A_288] : memref<5x80xi32, #tpu.memory_space<vmem>> -> memref<1x80xi32, #tpu.memory_space<vmem>>
      %dma_start3A_290 = tpu.memref_squeeze %dma_start3A_289 : memref<1x80xi32, #tpu.memory_space<vmem>> -> memref<80xi32, #tpu.memory_space<vmem>>
      %dma_start3A_291 = arith.constant 0 : i32
      %dma_start3A_292 = arith.constant 0 : i32
      %dma_start3A_293 = tpu.memref_slice %arg7[%dma_start3A_291, %dma_start3A_292] : memref<10240x80xf32, #tpu.memory_space<vmem_shared>> -> memref<10240x80xf32, #tpu.memory_space<vmem_shared>>
      tpu.enqueue_indirect_dma source(%dma_start3A_287 : memref<80x80xf32, #tpu.memory_space<vmem>>) target(%dma_start3A_293 : memref<10240x80xf32, #tpu.memory_space<vmem_shared>>) offsets(%dma_start3A_290 : memref<80xi32, #tpu.memory_space<vmem>>) semaphore(%arg11 : memref<!tpu.dma_semaphore, #tpu.memory_space<semaphore_mem>>) {add = true}
      %dma_wait3A_294 = arith.constant 0 : i32
      %dma_wait3A_295 = arith.constant 0 : i32
      %dma_wait3A_296 = arith.constant 0 : i32
      %dma_wait3A_297 = tpu.memref_slice %arg5[%dma_wait3A_295, %dma_wait3A_296] : memref<400x80xf32, #tpu.memory_space<vmem>> -> memref<80x80xf32, #tpu.memory_space<vmem>>
      %dma_wait3A_298 = arith.constant 0 : i32
      %dma_wait3A_299 = tpu.memref_slice %arg6[%dma_wait3A_294, %dma_wait3A_298] : memref<5x80xi32, #tpu.memory_space<vmem>> -> memref<1x80xi32, #tpu.memory_space<vmem>>
      %dma_wait3A_300 = tpu.memref_squeeze %dma_wait3A_299 : memref<1x80xi32, #tpu.memory_space<vmem>> -> memref<80xi32, #tpu.memory_space<vmem>>
      %dma_wait3A_301 = arith.constant 0 : i32
      %dma_wait3A_302 = arith.constant 0 : i32
      %dma_wait3A_303 = tpu.memref_slice %arg7[%dma_wait3A_301, %dma_wait3A_302] : memref<10240x80xf32, #tpu.memory_space<vmem_shared>> -> memref<10240x80xf32, #tpu.memory_space<vmem_shared>>
      tpu.wait_indirect_dma semaphore(%arg8 : memref<!tpu.dma_semaphore, #tpu.memory_space<semaphore_mem>>) src(%dma_wait3A_297 : memref<80x80xf32, #tpu.memory_space<vmem>>) dst(%dma_wait3A_303 : memref<10240x80xf32, #tpu.memory_space<vmem_shared>>)
      %dma_wait3A_304 = arith.constant 1 : i32
      %dma_wait3A_305 = arith.constant 80 : i32
      %dma_wait3A_306 = arith.constant 0 : i32
      %dma_wait3A_307 = tpu.memref_slice %arg5[%dma_wait3A_305, %dma_wait3A_306] : memref<400x80xf32, #tpu.memory_space<vmem>> -> memref<80x80xf32, #tpu.memory_space<vmem>>
      %dma_wait3A_308 = arith.constant 0 : i32
      %dma_wait3A_309 = tpu.memref_slice %arg6[%dma_wait3A_304, %dma_wait3A_308] : memref<5x80xi32, #tpu.memory_space<vmem>> -> memref<1x80xi32, #tpu.memory_space<vmem>>
      %dma_wait3A_310 = tpu.memref_squeeze %dma_wait3A_309 : memref<1x80xi32, #tpu.memory_space<vmem>> -> memref<80xi32, #tpu.memory_space<vmem>>
      %dma_wait3A_311 = arith.constant 0 : i32
      %dma_wait3A_312 = arith.constant 0 : i32
      %dma_wait3A_313 = tpu.memref_slice %arg7[%dma_wait3A_311, %dma_wait3A_312] : memref<10240x80xf32, #tpu.memory_space<vmem_shared>> -> memref<10240x80xf32, #tpu.memory_space<vmem_shared>>
      tpu.wait_indirect_dma semaphore(%arg8 : memref<!tpu.dma_semaphore, #tpu.memory_space<semaphore_mem>>) src(%dma_wait3A_307 : memref<80x80xf32, #tpu.memory_space<vmem>>) dst(%dma_wait3A_313 : memref<10240x80xf32, #tpu.memory_space<vmem_shared>>)
      %dma_wait3A_314 = arith.constant 2 : i32
      %dma_wait3A_315 = arith.constant 160 : i32
      %dma_wait3A_316 = arith.constant 0 : i32
      %dma_wait3A_317 = tpu.memref_slice %arg5[%dma_wait3A_315, %dma_wait3A_316] : memref<400x80xf32, #tpu.memory_space<vmem>> -> memref<80x80xf32, #tpu.memory_space<vmem>>
      %dma_wait3A_318 = arith.constant 0 : i32
      %dma_wait3A_319 = tpu.memref_slice %arg6[%dma_wait3A_314, %dma_wait3A_318] : memref<5x80xi32, #tpu.memory_space<vmem>> -> memref<1x80xi32, #tpu.memory_space<vmem>>
      %dma_wait3A_320 = tpu.memref_squeeze %dma_wait3A_319 : memref<1x80xi32, #tpu.memory_space<vmem>> -> memref<80xi32, #tpu.memory_space<vmem>>
      %dma_wait3A_321 = arith.constant 0 : i32
      %dma_wait3A_322 = arith.constant 0 : i32
      %dma_wait3A_323 = tpu.memref_slice %arg7[%dma_wait3A_321, %dma_wait3A_322] : memref<10240x80xf32, #tpu.memory_space<vmem_shared>> -> memref<10240x80xf32, #tpu.memory_space<vmem_shared>>
      tpu.wait_indirect_dma semaphore(%arg8 : memref<!tpu.dma_semaphore, #tpu.memory_space<semaphore_mem>>) src(%dma_wait3A_317 : memref<80x80xf32, #tpu.memory_space<vmem>>) dst(%dma_wait3A_323 : memref<10240x80xf32, #tpu.memory_space<vmem_shared>>)
      %dma_wait3A_324 = arith.constant 3 : i32
      %dma_wait3A_325 = arith.constant 240 : i32
      %dma_wait3A_326 = arith.constant 0 : i32
      %dma_wait3A_327 = tpu.memref_slice %arg5[%dma_wait3A_325, %dma_wait3A_326] : memref<400x80xf32, #tpu.memory_space<vmem>> -> memref<80x80xf32, #tpu.memory_space<vmem>>
      %dma_wait3A_328 = arith.constant 0 : i32
      %dma_wait3A_329 = tpu.memref_slice %arg6[%dma_wait3A_324, %dma_wait3A_328] : memref<5x80xi32, #tpu.memory_space<vmem>> -> memref<1x80xi32, #tpu.memory_space<vmem>>
      %dma_wait3A_330 = tpu.memref_squeeze %dma_wait3A_329 : memref<1x80xi32, #tpu.memory_space<vmem>> -> memref<80xi32, #tpu.memory_space<vmem>>
      %dma_wait3A_331 = arith.constant 0 : i32
      %dma_wait3A_332 = arith.constant 0 : i32
      %dma_wait3A_333 = tpu.memref_slice %arg7[%dma_wait3A_331, %dma_wait3A_332] : memref<10240x80xf32, #tpu.memory_space<vmem_shared>> -> memref<10240x80xf32, #tpu.memory_space<vmem_shared>>
      tpu.wait_indirect_dma semaphore(%arg8 : memref<!tpu.dma_semaphore, #tpu.memory_space<semaphore_mem>>) src(%dma_wait3A_327 : memref<80x80xf32, #tpu.memory_space<vmem>>) dst(%dma_wait3A_333 : memref<10240x80xf32, #tpu.memory_space<vmem_shared>>)
      %dma_wait3A_334 = arith.constant 4 : i32
      %dma_wait3A_335 = arith.constant 320 : i32
      %dma_wait3A_336 = arith.constant 0 : i32
      %dma_wait3A_337 = tpu.memref_slice %arg5[%dma_wait3A_335, %dma_wait3A_336] : memref<400x80xf32, #tpu.memory_space<vmem>> -> memref<80x80xf32, #tpu.memory_space<vmem>>
      %dma_wait3A_338 = arith.constant 0 : i32
      %dma_wait3A_339 = tpu.memref_slice %arg6[%dma_wait3A_334, %dma_wait3A_338] : memref<5x80xi32, #tpu.memory_space<vmem>> -> memref<1x80xi32, #tpu.memory_space<vmem>>
      %dma_wait3A_340 = tpu.memref_squeeze %dma_wait3A_339 : memref<1x80xi32, #tpu.memory_space<vmem>> -> memref<80xi32, #tpu.memory_space<vmem>>
      %dma_wait3A_341 = arith.constant 0 : i32
      %dma_wait3A_342 = arith.constant 0 : i32
      %dma_wait3A_343 = tpu.memref_slice %arg7[%dma_wait3A_341, %dma_wait3A_342] : memref<10240x80xf32, #tpu.memory_space<vmem_shared>> -> memref<10240x80xf32, #tpu.memory_space<vmem_shared>>
      tpu.wait_indirect_dma semaphore(%arg8 : memref<!tpu.dma_semaphore, #tpu.memory_space<semaphore_mem>>) src(%dma_wait3A_337 : memref<80x80xf32, #tpu.memory_space<vmem>>) dst(%dma_wait3A_343 : memref<10240x80xf32, #tpu.memory_space<vmem_shared>>)
      %dma_wait3A_344 = arith.constant 0 : i32
      %dma_wait3A_345 = arith.constant 0 : i32
      %dma_wait3A_346 = arith.constant 0 : i32
      %dma_wait3A_347 = tpu.memref_slice %arg9[%dma_wait3A_345, %dma_wait3A_346] : memref<400x80xf32, #tpu.memory_space<vmem>> -> memref<80x80xf32, #tpu.memory_space<vmem>>
      %dma_wait3A_348 = arith.constant 0 : i32
      %dma_wait3A_349 = tpu.memref_slice %arg10[%dma_wait3A_344, %dma_wait3A_348] : memref<5x80xi32, #tpu.memory_space<vmem>> -> memref<1x80xi32, #tpu.memory_space<vmem>>
      %dma_wait3A_350 = tpu.memref_squeeze %dma_wait3A_349 : memref<1x80xi32, #tpu.memory_space<vmem>> -> memref<80xi32, #tpu.memory_space<vmem>>
      %dma_wait3A_351 = arith.constant 0 : i32
      %dma_wait3A_352 = arith.constant 0 : i32
      %dma_wait3A_353 = tpu.memref_slice %arg7[%dma_wait3A_351, %dma_wait3A_352] : memref<10240x80xf32, #tpu.memory_space<vmem_shared>> -> memref<10240x80xf32, #tpu.memory_space<vmem_shared>>
      tpu.wait_indirect_dma semaphore(%arg11 : memref<!tpu.dma_semaphore, #tpu.memory_space<semaphore_mem>>) src(%dma_wait3A_347 : memref<80x80xf32, #tpu.memory_space<vmem>>) dst(%dma_wait3A_353 : memref<10240x80xf32, #tpu.memory_space<vmem_shared>>)
      %dma_wait3A_354 = arith.constant 1 : i32
      %dma_wait3A_355 = arith.constant 80 : i32
      %dma_wait3A_356 = arith.constant 0 : i32
      %dma_wait3A_357 = tpu.memref_slice %arg9[%dma_wait3A_355, %dma_wait3A_356] : memref<400x80xf32, #tpu.memory_space<vmem>> -> memref<80x80xf32, #tpu.memory_space<vmem>>
      %dma_wait3A_358 = arith.constant 0 : i32
      %dma_wait3A_359 = tpu.memref_slice %arg10[%dma_wait3A_354, %dma_wait3A_358] : memref<5x80xi32, #tpu.memory_space<vmem>> -> memref<1x80xi32, #tpu.memory_space<vmem>>
      %dma_wait3A_360 = tpu.memref_squeeze %dma_wait3A_359 : memref<1x80xi32, #tpu.memory_space<vmem>> -> memref<80xi32, #tpu.memory_space<vmem>>
      %dma_wait3A_361 = arith.constant 0 : i32
      %dma_wait3A_362 = arith.constant 0 : i32
      %dma_wait3A_363 = tpu.memref_slice %arg7[%dma_wait3A_361, %dma_wait3A_362] : memref<10240x80xf32, #tpu.memory_space<vmem_shared>> -> memref<10240x80xf32, #tpu.memory_space<vmem_shared>>
      tpu.wait_indirect_dma semaphore(%arg11 : memref<!tpu.dma_semaphore, #tpu.memory_space<semaphore_mem>>) src(%dma_wait3A_357 : memref<80x80xf32, #tpu.memory_space<vmem>>) dst(%dma_wait3A_363 : memref<10240x80xf32, #tpu.memory_space<vmem_shared>>)
      %dma_wait3A_364 = arith.constant 2 : i32
      %dma_wait3A_365 = arith.constant 160 : i32
      %dma_wait3A_366 = arith.constant 0 : i32
      %dma_wait3A_367 = tpu.memref_slice %arg9[%dma_wait3A_365, %dma_wait3A_366] : memref<400x80xf32, #tpu.memory_space<vmem>> -> memref<80x80xf32, #tpu.memory_space<vmem>>
      %dma_wait3A_368 = arith.constant 0 : i32
      %dma_wait3A_369 = tpu.memref_slice %arg10[%dma_wait3A_364, %dma_wait3A_368] : memref<5x80xi32, #tpu.memory_space<vmem>> -> memref<1x80xi32, #tpu.memory_space<vmem>>
      %dma_wait3A_370 = tpu.memref_squeeze %dma_wait3A_369 : memref<1x80xi32, #tpu.memory_space<vmem>> -> memref<80xi32, #tpu.memory_space<vmem>>
      %dma_wait3A_371 = arith.constant 0 : i32
      %dma_wait3A_372 = arith.constant 0 : i32
      %dma_wait3A_373 = tpu.memref_slice %arg7[%dma_wait3A_371, %dma_wait3A_372] : memref<10240x80xf32, #tpu.memory_space<vmem_shared>> -> memref<10240x80xf32, #tpu.memory_space<vmem_shared>>
      tpu.wait_indirect_dma semaphore(%arg11 : memref<!tpu.dma_semaphore, #tpu.memory_space<semaphore_mem>>) src(%dma_wait3A_367 : memref<80x80xf32, #tpu.memory_space<vmem>>) dst(%dma_wait3A_373 : memref<10240x80xf32, #tpu.memory_space<vmem_shared>>)
      %dma_wait3A_374 = arith.constant 3 : i32
      %dma_wait3A_375 = arith.constant 240 : i32
      %dma_wait3A_376 = arith.constant 0 : i32
      %dma_wait3A_377 = tpu.memref_slice %arg9[%dma_wait3A_375, %dma_wait3A_376] : memref<400x80xf32, #tpu.memory_space<vmem>> -> memref<80x80xf32, #tpu.memory_space<vmem>>
      %dma_wait3A_378 = arith.constant 0 : i32
      %dma_wait3A_379 = tpu.memref_slice %arg10[%dma_wait3A_374, %dma_wait3A_378] : memref<5x80xi32, #tpu.memory_space<vmem>> -> memref<1x80xi32, #tpu.memory_space<vmem>>
      %dma_wait3A_380 = tpu.memref_squeeze %dma_wait3A_379 : memref<1x80xi32, #tpu.memory_space<vmem>> -> memref<80xi32, #tpu.memory_space<vmem>>
      %dma_wait3A_381 = arith.constant 0 : i32
      %dma_wait3A_382 = arith.constant 0 : i32
      %dma_wait3A_383 = tpu.memref_slice %arg7[%dma_wait3A_381, %dma_wait3A_382] : memref<10240x80xf32, #tpu.memory_space<vmem_shared>> -> memref<10240x80xf32, #tpu.memory_space<vmem_shared>>
      tpu.wait_indirect_dma semaphore(%arg11 : memref<!tpu.dma_semaphore, #tpu.memory_space<semaphore_mem>>) src(%dma_wait3A_377 : memref<80x80xf32, #tpu.memory_space<vmem>>) dst(%dma_wait3A_383 : memref<10240x80xf32, #tpu.memory_space<vmem_shared>>)
      %dma_wait3A_384 = arith.constant 4 : i32
      %dma_wait3A_385 = arith.constant 320 : i32
      %dma_wait3A_386 = arith.constant 0 : i32
      %dma_wait3A_387 = tpu.memref_slice %arg9[%dma_wait3A_385, %dma_wait3A_386] : memref<400x80xf32, #tpu.memory_space<vmem>> -> memref<80x80xf32, #tpu.memory_space<vmem>>
      %dma_wait3A_388 = arith.constant 0 : i32
      %dma_wait3A_389 = tpu.memref_slice %arg10[%dma_wait3A_384, %dma_wait3A_388] : memref<5x80xi32, #tpu.memory_space<vmem>> -> memref<1x80xi32, #tpu.memory_space<vmem>>
      %dma_wait3A_390 = tpu.memref_squeeze %dma_wait3A_389 : memref<1x80xi32, #tpu.memory_space<vmem>> -> memref<80xi32, #tpu.memory_space<vmem>>
      %dma_wait3A_391 = arith.constant 0 : i32
      %dma_wait3A_392 = arith.constant 0 : i32
      %dma_wait3A_393 = tpu.memref_slice %arg7[%dma_wait3A_391, %dma_wait3A_392] : memref<10240x80xf32, #tpu.memory_space<vmem_shared>> -> memref<10240x80xf32, #tpu.memory_space<vmem_shared>>
      tpu.wait_indirect_dma semaphore(%arg11 : memref<!tpu.dma_semaphore, #tpu.memory_space<semaphore_mem>>) src(%dma_wait3A_387 : memref<80x80xf32, #tpu.memory_space<vmem>>) dst(%dma_wait3A_393 : memref<10240x80xf32, #tpu.memory_space<vmem_shared>>)
    }
    %scan3A_18 = arith.constant 12 : i32
    %add3A_19 = arith.constant 9600 : i32
    %add3A_20 = arith.addi %mul3A_2, %add3A_19 : i32
    %jit3A = arith.constant 80 : i32
    %div3A = arith.divsi %add3A_20, %jit3A : i32
    %sign3A = arith.constant 0 : i32
    %sign3A_21 = arith.cmpi sgt, %add3A_20, %sign3A : i32
    %sign3A_22 = arith.extui %sign3A_21 : i1 to i32
    %sign3A_23 = arith.constant 0 : i32
    %sign3A_24 = arith.cmpi slt, %add3A_20, %sign3A_23 : i32
    %sign3A_25 = arith.extui %sign3A_24 : i1 to i32
    %sign3A_26 = arith.subi %sign3A_22, %sign3A_25 : i32
    %sign3A_27 = arith.constant 0 : i32
    %sign3A_28 = arith.cmpi sgt, %jit3A, %sign3A_27 : i32
    %sign3A_29 = arith.extui %sign3A_28 : i1 to i32
    %sign3A_30 = arith.constant 0 : i32
    %sign3A_31 = arith.cmpi slt, %jit3A, %sign3A_30 : i32
    %sign3A_32 = arith.extui %sign3A_31 : i1 to i32
    %sign3A_33 = arith.subi %sign3A_29, %sign3A_32 : i32
    %ne3A = arith.cmpi ne, %sign3A_26, %sign3A_33 : i32
    %rem3A = arith.remsi %add3A_20, %jit3A : i32
    %ne3A_34 = arith.constant 0 : i32
    %ne3A_35 = arith.cmpi ne, %rem3A, %ne3A_34 : i32
    %and3A = arith.andi %ne3A, %ne3A_35 : i1
    %sub3A = arith.constant 1 : i32
    %sub3A_36 = arith.subi %div3A, %sub3A : i32
    %select_n3A = arith.select %and3A, %sub3A_36, %div3A : i32
    "tpu.region"() ({
      %run_scoped3A = tpu.sem_alloc : memref<!tpu.dma_semaphore, #tpu.memory_space<semaphore_mem>>
      %dma_start3A_138 = arith.constant 0 : i32
      %dma_start3A_139 = tpu.memref_slice %arg3[%select_n3A, %dma_start3A_138] : memref<4000x80xi32, #tpu.memory_space<hbm>> -> memref<5x80xi32, #tpu.memory_space<hbm>>
      %dma_start3A_140 = arith.constant 0 : i32
      %dma_start3A_141 = tpu.memref_slice %arg3[%select_n3A, %dma_start3A_140] : memref<4000x80xi32, #tpu.memory_space<hbm>> -> memref<5x80xi32, #tpu.memory_space<hbm>>
      tpu.enqueue_dma source(%dma_start3A_141 : memref<5x80xi32, #tpu.memory_space<hbm>>) target(%arg6 : memref<5x80xi32, #tpu.memory_space<vmem>>) target_semaphore(%run_scoped3A : memref<!tpu.dma_semaphore, #tpu.memory_space<semaphore_mem>>)
      %dma_wait3A_142 = arith.constant 0 : i32
      %dma_wait3A_143 = tpu.memref_slice %arg3[%select_n3A, %dma_wait3A_142] : memref<4000x80xi32, #tpu.memory_space<hbm>> -> memref<5x80xi32, #tpu.memory_space<hbm>>
      %dma_wait3A_144 = arith.constant 0 : i32
      %dma_wait3A_145 = tpu.memref_slice %arg3[%select_n3A, %dma_wait3A_144] : memref<4000x80xi32, #tpu.memory_space<hbm>> -> memref<5x80xi32, #tpu.memory_space<hbm>>
      tpu.wait_dma2 semaphore(%run_scoped3A : memref<!tpu.dma_semaphore, #tpu.memory_space<semaphore_mem>>) src(%dma_wait3A_145 : memref<5x80xi32, #tpu.memory_space<hbm>>) dst(%arg6 : memref<5x80xi32, #tpu.memory_space<vmem>>)
      tpu.yield
    }) : () -> ()
    "tpu.region"() ({
      %run_scoped3A = tpu.sem_alloc : memref<!tpu.dma_semaphore, #tpu.memory_space<semaphore_mem>>
      %dma_start3A_138 = arith.constant 0 : i32
      %dma_start3A_139 = tpu.memref_slice %arg2[%add3A_20, %dma_start3A_138] : memref<320000x80xf32, #tpu.memory_space<hbm>> -> memref<400x80xf32, #tpu.memory_space<hbm>>
      %dma_start3A_140 = arith.constant 0 : i32
      %dma_start3A_141 = tpu.memref_slice %arg2[%add3A_20, %dma_start3A_140] : memref<320000x80xf32, #tpu.memory_space<hbm>> -> memref<400x80xf32, #tpu.memory_space<hbm>>
      tpu.enqueue_dma source(%dma_start3A_141 : memref<400x80xf32, #tpu.memory_space<hbm>>) target(%arg5 : memref<400x80xf32, #tpu.memory_space<vmem>>) target_semaphore(%run_scoped3A : memref<!tpu.dma_semaphore, #tpu.memory_space<semaphore_mem>>)
      %dma_wait3A_142 = arith.constant 0 : i32
      %dma_wait3A_143 = tpu.memref_slice %arg2[%add3A_20, %dma_wait3A_142] : memref<320000x80xf32, #tpu.memory_space<hbm>> -> memref<400x80xf32, #tpu.memory_space<hbm>>
      %dma_wait3A_144 = arith.constant 0 : i32
      %dma_wait3A_145 = tpu.memref_slice %arg2[%add3A_20, %dma_wait3A_144] : memref<320000x80xf32, #tpu.memory_space<hbm>> -> memref<400x80xf32, #tpu.memory_space<hbm>>
      tpu.wait_dma2 semaphore(%run_scoped3A : memref<!tpu.dma_semaphore, #tpu.memory_space<semaphore_mem>>) src(%dma_wait3A_145 : memref<400x80xf32, #tpu.memory_space<hbm>>) dst(%arg5 : memref<400x80xf32, #tpu.memory_space<vmem>>)
      tpu.yield
    }) : () -> ()
    %dma_start3A = arith.constant 0 : i32
    %dma_start3A_37 = arith.constant 0 : i32
    %dma_start3A_38 = arith.constant 0 : i32
    %dma_start3A_39 = tpu.memref_slice %arg5[%dma_start3A_37, %dma_start3A_38] : memref<400x80xf32, #tpu.memory_space<vmem>> -> memref<80x80xf32, #tpu.memory_space<vmem>>
    %dma_start3A_40 = arith.constant 0 : i32
    %dma_start3A_41 = tpu.memref_slice %arg6[%dma_start3A, %dma_start3A_40] : memref<5x80xi32, #tpu.memory_space<vmem>> -> memref<1x80xi32, #tpu.memory_space<vmem>>
    %dma_start3A_42 = tpu.memref_squeeze %dma_start3A_41 : memref<1x80xi32, #tpu.memory_space<vmem>> -> memref<80xi32, #tpu.memory_space<vmem>>
    %dma_start3A_43 = arith.constant 0 : i32
    %dma_start3A_44 = arith.constant 0 : i32
    %dma_start3A_45 = tpu.memref_slice %arg7[%dma_start3A_43, %dma_start3A_44] : memref<10240x80xf32, #tpu.memory_space<vmem_shared>> -> memref<10240x80xf32, #tpu.memory_space<vmem_shared>>
    tpu.enqueue_indirect_dma source(%dma_start3A_39 : memref<80x80xf32, #tpu.memory_space<vmem>>) target(%dma_start3A_45 : memref<10240x80xf32, #tpu.memory_space<vmem_shared>>) offsets(%dma_start3A_42 : memref<80xi32, #tpu.memory_space<vmem>>) semaphore(%arg8 : memref<!tpu.dma_semaphore, #tpu.memory_space<semaphore_mem>>) {add = true}
    %dma_start3A_46 = arith.constant 1 : i32
    %dma_start3A_47 = arith.constant 80 : i32
    %dma_start3A_48 = arith.constant 0 : i32
    %dma_start3A_49 = tpu.memref_slice %arg5[%dma_start3A_47, %dma_start3A_48] : memref<400x80xf32, #tpu.memory_space<vmem>> -> memref<80x80xf32, #tpu.memory_space<vmem>>
    %dma_start3A_50 = arith.constant 0 : i32
    %dma_start3A_51 = tpu.memref_slice %arg6[%dma_start3A_46, %dma_start3A_50] : memref<5x80xi32, #tpu.memory_space<vmem>> -> memref<1x80xi32, #tpu.memory_space<vmem>>
    %dma_start3A_52 = tpu.memref_squeeze %dma_start3A_51 : memref<1x80xi32, #tpu.memory_space<vmem>> -> memref<80xi32, #tpu.memory_space<vmem>>
    %dma_start3A_53 = arith.constant 0 : i32
    %dma_start3A_54 = arith.constant 0 : i32
    %dma_start3A_55 = tpu.memref_slice %arg7[%dma_start3A_53, %dma_start3A_54] : memref<10240x80xf32, #tpu.memory_space<vmem_shared>> -> memref<10240x80xf32, #tpu.memory_space<vmem_shared>>
    tpu.enqueue_indirect_dma source(%dma_start3A_49 : memref<80x80xf32, #tpu.memory_space<vmem>>) target(%dma_start3A_55 : memref<10240x80xf32, #tpu.memory_space<vmem_shared>>) offsets(%dma_start3A_52 : memref<80xi32, #tpu.memory_space<vmem>>) semaphore(%arg8 : memref<!tpu.dma_semaphore, #tpu.memory_space<semaphore_mem>>) {add = true}
    %dma_start3A_56 = arith.constant 2 : i32
    %dma_start3A_57 = arith.constant 160 : i32
    %dma_start3A_58 = arith.constant 0 : i32
    %dma_start3A_59 = tpu.memref_slice %arg5[%dma_start3A_57, %dma_start3A_58] : memref<400x80xf32, #tpu.memory_space<vmem>> -> memref<80x80xf32, #tpu.memory_space<vmem>>
    %dma_start3A_60 = arith.constant 0 : i32
    %dma_start3A_61 = tpu.memref_slice %arg6[%dma_start3A_56, %dma_start3A_60] : memref<5x80xi32, #tpu.memory_space<vmem>> -> memref<1x80xi32, #tpu.memory_space<vmem>>
    %dma_start3A_62 = tpu.memref_squeeze %dma_start3A_61 : memref<1x80xi32, #tpu.memory_space<vmem>> -> memref<80xi32, #tpu.memory_space<vmem>>
    %dma_start3A_63 = arith.constant 0 : i32
    %dma_start3A_64 = arith.constant 0 : i32
    %dma_start3A_65 = tpu.memref_slice %arg7[%dma_start3A_63, %dma_start3A_64] : memref<10240x80xf32, #tpu.memory_space<vmem_shared>> -> memref<10240x80xf32, #tpu.memory_space<vmem_shared>>
    tpu.enqueue_indirect_dma source(%dma_start3A_59 : memref<80x80xf32, #tpu.memory_space<vmem>>) target(%dma_start3A_65 : memref<10240x80xf32, #tpu.memory_space<vmem_shared>>) offsets(%dma_start3A_62 : memref<80xi32, #tpu.memory_space<vmem>>) semaphore(%arg8 : memref<!tpu.dma_semaphore, #tpu.memory_space<semaphore_mem>>) {add = true}
    %dma_start3A_66 = arith.constant 3 : i32
    %dma_start3A_67 = arith.constant 240 : i32
    %dma_start3A_68 = arith.constant 0 : i32
    %dma_start3A_69 = tpu.memref_slice %arg5[%dma_start3A_67, %dma_start3A_68] : memref<400x80xf32, #tpu.memory_space<vmem>> -> memref<80x80xf32, #tpu.memory_space<vmem>>
    %dma_start3A_70 = arith.constant 0 : i32
    %dma_start3A_71 = tpu.memref_slice %arg6[%dma_start3A_66, %dma_start3A_70] : memref<5x80xi32, #tpu.memory_space<vmem>> -> memref<1x80xi32, #tpu.memory_space<vmem>>
    %dma_start3A_72 = tpu.memref_squeeze %dma_start3A_71 : memref<1x80xi32, #tpu.memory_space<vmem>> -> memref<80xi32, #tpu.memory_space<vmem>>
    %dma_start3A_73 = arith.constant 0 : i32
    %dma_start3A_74 = arith.constant 0 : i32
    %dma_start3A_75 = tpu.memref_slice %arg7[%dma_start3A_73, %dma_start3A_74] : memref<10240x80xf32, #tpu.memory_space<vmem_shared>> -> memref<10240x80xf32, #tpu.memory_space<vmem_shared>>
    tpu.enqueue_indirect_dma source(%dma_start3A_69 : memref<80x80xf32, #tpu.memory_space<vmem>>) target(%dma_start3A_75 : memref<10240x80xf32, #tpu.memory_space<vmem_shared>>) offsets(%dma_start3A_72 : memref<80xi32, #tpu.memory_space<vmem>>) semaphore(%arg8 : memref<!tpu.dma_semaphore, #tpu.memory_space<semaphore_mem>>) {add = true}
    %dma_start3A_76 = arith.constant 4 : i32
    %dma_start3A_77 = arith.constant 320 : i32
    %dma_start3A_78 = arith.constant 0 : i32
    %dma_start3A_79 = tpu.memref_slice %arg5[%dma_start3A_77, %dma_start3A_78] : memref<400x80xf32, #tpu.memory_space<vmem>> -> memref<80x80xf32, #tpu.memory_space<vmem>>
    %dma_start3A_80 = arith.constant 0 : i32
    %dma_start3A_81 = tpu.memref_slice %arg6[%dma_start3A_76, %dma_start3A_80] : memref<5x80xi32, #tpu.memory_space<vmem>> -> memref<1x80xi32, #tpu.memory_space<vmem>>
    %dma_start3A_82 = tpu.memref_squeeze %dma_start3A_81 : memref<1x80xi32, #tpu.memory_space<vmem>> -> memref<80xi32, #tpu.memory_space<vmem>>
    %dma_start3A_83 = arith.constant 0 : i32
    %dma_start3A_84 = arith.constant 0 : i32
    %dma_start3A_85 = tpu.memref_slice %arg7[%dma_start3A_83, %dma_start3A_84] : memref<10240x80xf32, #tpu.memory_space<vmem_shared>> -> memref<10240x80xf32, #tpu.memory_space<vmem_shared>>
    tpu.enqueue_indirect_dma source(%dma_start3A_79 : memref<80x80xf32, #tpu.memory_space<vmem>>) target(%dma_start3A_85 : memref<10240x80xf32, #tpu.memory_space<vmem_shared>>) offsets(%dma_start3A_82 : memref<80xi32, #tpu.memory_space<vmem>>) semaphore(%arg8 : memref<!tpu.dma_semaphore, #tpu.memory_space<semaphore_mem>>) {add = true}
    %dma_wait3A = arith.constant 0 : i32
    %dma_wait3A_86 = arith.constant 0 : i32
    %dma_wait3A_87 = arith.constant 0 : i32
    %dma_wait3A_88 = tpu.memref_slice %arg5[%dma_wait3A_86, %dma_wait3A_87] : memref<400x80xf32, #tpu.memory_space<vmem>> -> memref<80x80xf32, #tpu.memory_space<vmem>>
    %dma_wait3A_89 = arith.constant 0 : i32
    %dma_wait3A_90 = tpu.memref_slice %arg6[%dma_wait3A, %dma_wait3A_89] : memref<5x80xi32, #tpu.memory_space<vmem>> -> memref<1x80xi32, #tpu.memory_space<vmem>>
    %dma_wait3A_91 = tpu.memref_squeeze %dma_wait3A_90 : memref<1x80xi32, #tpu.memory_space<vmem>> -> memref<80xi32, #tpu.memory_space<vmem>>
    %dma_wait3A_92 = arith.constant 0 : i32
    %dma_wait3A_93 = arith.constant 0 : i32
    %dma_wait3A_94 = tpu.memref_slice %arg7[%dma_wait3A_92, %dma_wait3A_93] : memref<10240x80xf32, #tpu.memory_space<vmem_shared>> -> memref<10240x80xf32, #tpu.memory_space<vmem_shared>>
    tpu.wait_indirect_dma semaphore(%arg8 : memref<!tpu.dma_semaphore, #tpu.memory_space<semaphore_mem>>) src(%dma_wait3A_88 : memref<80x80xf32, #tpu.memory_space<vmem>>) dst(%dma_wait3A_94 : memref<10240x80xf32, #tpu.memory_space<vmem_shared>>)
    %dma_wait3A_95 = arith.constant 1 : i32
    %dma_wait3A_96 = arith.constant 80 : i32
    %dma_wait3A_97 = arith.constant 0 : i32
    %dma_wait3A_98 = tpu.memref_slice %arg5[%dma_wait3A_96, %dma_wait3A_97] : memref<400x80xf32, #tpu.memory_space<vmem>> -> memref<80x80xf32, #tpu.memory_space<vmem>>
    %dma_wait3A_99 = arith.constant 0 : i32
    %dma_wait3A_100 = tpu.memref_slice %arg6[%dma_wait3A_95, %dma_wait3A_99] : memref<5x80xi32, #tpu.memory_space<vmem>> -> memref<1x80xi32, #tpu.memory_space<vmem>>
    %dma_wait3A_101 = tpu.memref_squeeze %dma_wait3A_100 : memref<1x80xi32, #tpu.memory_space<vmem>> -> memref<80xi32, #tpu.memory_space<vmem>>
    %dma_wait3A_102 = arith.constant 0 : i32
    %dma_wait3A_103 = arith.constant 0 : i32
    %dma_wait3A_104 = tpu.memref_slice %arg7[%dma_wait3A_102, %dma_wait3A_103] : memref<10240x80xf32, #tpu.memory_space<vmem_shared>> -> memref<10240x80xf32, #tpu.memory_space<vmem_shared>>
    tpu.wait_indirect_dma semaphore(%arg8 : memref<!tpu.dma_semaphore, #tpu.memory_space<semaphore_mem>>) src(%dma_wait3A_98 : memref<80x80xf32, #tpu.memory_space<vmem>>) dst(%dma_wait3A_104 : memref<10240x80xf32, #tpu.memory_space<vmem_shared>>)
    %dma_wait3A_105 = arith.constant 2 : i32
    %dma_wait3A_106 = arith.constant 160 : i32
    %dma_wait3A_107 = arith.constant 0 : i32
    %dma_wait3A_108 = tpu.memref_slice %arg5[%dma_wait3A_106, %dma_wait3A_107] : memref<400x80xf32, #tpu.memory_space<vmem>> -> memref<80x80xf32, #tpu.memory_space<vmem>>
    %dma_wait3A_109 = arith.constant 0 : i32
    %dma_wait3A_110 = tpu.memref_slice %arg6[%dma_wait3A_105, %dma_wait3A_109] : memref<5x80xi32, #tpu.memory_space<vmem>> -> memref<1x80xi32, #tpu.memory_space<vmem>>
    %dma_wait3A_111 = tpu.memref_squeeze %dma_wait3A_110 : memref<1x80xi32, #tpu.memory_space<vmem>> -> memref<80xi32, #tpu.memory_space<vmem>>
    %dma_wait3A_112 = arith.constant 0 : i32
    %dma_wait3A_113 = arith.constant 0 : i32
    %dma_wait3A_114 = tpu.memref_slice %arg7[%dma_wait3A_112, %dma_wait3A_113] : memref<10240x80xf32, #tpu.memory_space<vmem_shared>> -> memref<10240x80xf32, #tpu.memory_space<vmem_shared>>
    tpu.wait_indirect_dma semaphore(%arg8 : memref<!tpu.dma_semaphore, #tpu.memory_space<semaphore_mem>>) src(%dma_wait3A_108 : memref<80x80xf32, #tpu.memory_space<vmem>>) dst(%dma_wait3A_114 : memref<10240x80xf32, #tpu.memory_space<vmem_shared>>)
    %dma_wait3A_115 = arith.constant 3 : i32
    %dma_wait3A_116 = arith.constant 240 : i32
    %dma_wait3A_117 = arith.constant 0 : i32
    %dma_wait3A_118 = tpu.memref_slice %arg5[%dma_wait3A_116, %dma_wait3A_117] : memref<400x80xf32, #tpu.memory_space<vmem>> -> memref<80x80xf32, #tpu.memory_space<vmem>>
    %dma_wait3A_119 = arith.constant 0 : i32
    %dma_wait3A_120 = tpu.memref_slice %arg6[%dma_wait3A_115, %dma_wait3A_119] : memref<5x80xi32, #tpu.memory_space<vmem>> -> memref<1x80xi32, #tpu.memory_space<vmem>>
    %dma_wait3A_121 = tpu.memref_squeeze %dma_wait3A_120 : memref<1x80xi32, #tpu.memory_space<vmem>> -> memref<80xi32, #tpu.memory_space<vmem>>
    %dma_wait3A_122 = arith.constant 0 : i32
    %dma_wait3A_123 = arith.constant 0 : i32
    %dma_wait3A_124 = tpu.memref_slice %arg7[%dma_wait3A_122, %dma_wait3A_123] : memref<10240x80xf32, #tpu.memory_space<vmem_shared>> -> memref<10240x80xf32, #tpu.memory_space<vmem_shared>>
    tpu.wait_indirect_dma semaphore(%arg8 : memref<!tpu.dma_semaphore, #tpu.memory_space<semaphore_mem>>) src(%dma_wait3A_118 : memref<80x80xf32, #tpu.memory_space<vmem>>) dst(%dma_wait3A_124 : memref<10240x80xf32, #tpu.memory_space<vmem_shared>>)
    %dma_wait3A_125 = arith.constant 4 : i32
    %dma_wait3A_126 = arith.constant 320 : i32
    %dma_wait3A_127 = arith.constant 0 : i32
    %dma_wait3A_128 = tpu.memref_slice %arg5[%dma_wait3A_126, %dma_wait3A_127] : memref<400x80xf32, #tpu.memory_space<vmem>> -> memref<80x80xf32, #tpu.memory_space<vmem>>
    %dma_wait3A_129 = arith.constant 0 : i32
    %dma_wait3A_130 = tpu.memref_slice %arg6[%dma_wait3A_125, %dma_wait3A_129] : memref<5x80xi32, #tpu.memory_space<vmem>> -> memref<1x80xi32, #tpu.memory_space<vmem>>
    %dma_wait3A_131 = tpu.memref_squeeze %dma_wait3A_130 : memref<1x80xi32, #tpu.memory_space<vmem>> -> memref<80xi32, #tpu.memory_space<vmem>>
    %dma_wait3A_132 = arith.constant 0 : i32
    %dma_wait3A_133 = arith.constant 0 : i32
    %dma_wait3A_134 = tpu.memref_slice %arg7[%dma_wait3A_132, %dma_wait3A_133] : memref<10240x80xf32, #tpu.memory_space<vmem_shared>> -> memref<10240x80xf32, #tpu.memory_space<vmem_shared>>
    tpu.wait_indirect_dma semaphore(%arg8 : memref<!tpu.dma_semaphore, #tpu.memory_space<semaphore_mem>>) src(%dma_wait3A_128 : memref<80x80xf32, #tpu.memory_space<vmem>>) dst(%dma_wait3A_134 : memref<10240x80xf32, #tpu.memory_space<vmem_shared>>)
    %barrier3A_135 = arith.constant 0 : index
    tpu.barrier barrier_id(%barrier3A_135)
    %mul3A_136 = arith.constant 640 : i32
    %mul3A_137 = arith.muli %arg1, %mul3A_136 : i32
    "tpu.region"() ({
      %run_scoped3A = tpu.sem_alloc : memref<!tpu.dma_semaphore, #tpu.memory_space<semaphore_mem>>
      %dma_start3A_138 = arith.constant 0 : i32
      %dma_start3A_139 = tpu.memref_slice %arg4[%arg0, %mul3A_137, %dma_start3A_138] : memref<2x10240x80xf32, #tpu.memory_space<hbm>> -> memref<1x640x80xf32, #tpu.memory_space<hbm>>
      %dma_start3A_140 = tpu.memref_squeeze %dma_start3A_139 : memref<1x640x80xf32, #tpu.memory_space<hbm>> -> memref<640x80xf32, #tpu.memory_space<hbm>>
      %dma_start3A_141 = arith.constant 0 : i32
      %dma_start3A_142 = tpu.memref_slice %arg7[%mul3A_137, %dma_start3A_141] : memref<10240x80xf32, #tpu.memory_space<vmem_shared>> -> memref<640x80xf32, #tpu.memory_space<vmem_shared>>
      tpu.enqueue_dma source(%dma_start3A_142 : memref<640x80xf32, #tpu.memory_space<vmem_shared>>) target(%dma_start3A_140 : memref<640x80xf32, #tpu.memory_space<hbm>>) target_semaphore(%run_scoped3A : memref<!tpu.dma_semaphore, #tpu.memory_space<semaphore_mem>>)
      %dma_wait3A_143 = arith.constant 0 : i32
      %dma_wait3A_144 = tpu.memref_slice %arg4[%arg0, %mul3A_137, %dma_wait3A_143] : memref<2x10240x80xf32, #tpu.memory_space<hbm>> -> memref<1x640x80xf32, #tpu.memory_space<hbm>>
      %dma_wait3A_145 = tpu.memref_squeeze %dma_wait3A_144 : memref<1x640x80xf32, #tpu.memory_space<hbm>> -> memref<640x80xf32, #tpu.memory_space<hbm>>
      %dma_wait3A_146 = arith.constant 0 : i32
      %dma_wait3A_147 = tpu.memref_slice %arg7[%mul3A_137, %dma_wait3A_146] : memref<10240x80xf32, #tpu.memory_space<vmem_shared>> -> memref<640x80xf32, #tpu.memory_space<vmem_shared>>
      tpu.wait_dma2 semaphore(%run_scoped3A : memref<!tpu.dma_semaphore, #tpu.memory_space<semaphore_mem>>) src(%dma_wait3A_147 : memref<640x80xf32, #tpu.memory_space<vmem_shared>>) dst(%dma_wait3A_145 : memref<640x80xf32, #tpu.memory_space<hbm>>)
      tpu.yield
    }) : () -> ()
    return
  }
}

module attributes {stable_mosaic.version = 14 : i64} {
  func.func @_mm_nodes(%arg0: memref<10000x129xf32, #tpu.memory_space<vmem>>, %arg1: memref<129x64xf32, #tpu.memory_space<vmem>>, %arg2: memref<129x64xf32, #tpu.memory_space<vmem>>, %arg3: memref<10000x64xf32, #tpu.memory_space<vmem>>, %arg4: memref<10000x64xf32, #tpu.memory_space<vmem>>) attributes {dimension_semantics = [], scalar_prefetch = 0 : i64, scratch_operands = 0 : i64, tpu.core_type = #tpu.core_type<tc>} {
    %get3A = arith.constant 0 : index
    %get3A_0 = arith.constant 0 : index
    %get3A_1 = vector.load %arg0[%get3A, %get3A_0] : memref<10000x129xf32, #tpu.memory_space<vmem>>, vector<10000x129xf32>
    %get3A_2 = arith.constant 0 : index
    %get3A_3 = arith.constant 0 : index
    %get3A_4 = vector.load %arg1[%get3A_2, %get3A_3] : memref<129x64xf32, #tpu.memory_space<vmem>>, vector<129x64xf32>
    %dot_general3A = arith.constant dense<0.000000e+00> : vector<10000x64xf32>
    %dot_general3A_5 = tpu.matmul %get3A_1, %get3A_4, %dot_general3A {dimension_numbers = #tpu.dot_dimension_numbers<[1], [0], [0], [1], [0, 0, 1, 1], [], []>, transpose_lhs_hint = false} : vector<10000x129xf32>, vector<129x64xf32>, vector<10000x64xf32> -> vector<10000x64xf32>
    %swap3A = arith.constant 0 : index
    %swap3A_6 = arith.constant 0 : index
    %swap3A_7 = vector.load %arg3[%swap3A, %swap3A_6] : memref<10000x64xf32, #tpu.memory_space<vmem>>, vector<10000x64xf32>
    tpu.vector_store %arg3[%swap3A, %swap3A_6], %dot_general3A_5 {strides = array<i32>} : memref<10000x64xf32, #tpu.memory_space<vmem>>, vector<10000x64xf32>,
    %get3A_8 = arith.constant 0 : index
    %get3A_9 = arith.constant 0 : index
    %get3A_10 = vector.load %arg2[%get3A_8, %get3A_9] : memref<129x64xf32, #tpu.memory_space<vmem>>, vector<129x64xf32>
    %dot_general3A_11 = arith.constant dense<0.000000e+00> : vector<10000x64xf32>
    %dot_general3A_12 = tpu.matmul %get3A_1, %get3A_10, %dot_general3A_11 {dimension_numbers = #tpu.dot_dimension_numbers<[1], [0], [0], [1], [0, 0, 1, 1], [], []>, transpose_lhs_hint = false} : vector<10000x129xf32>, vector<129x64xf32>, vector<10000x64xf32> -> vector<10000x64xf32>
    %swap3A_13 = arith.constant 0 : index
    %swap3A_14 = arith.constant 0 : index
    %swap3A_15 = vector.load %arg4[%swap3A_13, %swap3A_14] : memref<10000x64xf32, #tpu.memory_space<vmem>>, vector<10000x64xf32>
    tpu.vector_store %arg4[%swap3A_13, %swap3A_14], %dot_general3A_12 {strides = array<i32>} : memref<10000x64xf32, #tpu.memory_space<vmem>>, vector<10000x64xf32>,
    return
  }
}

module attributes {stable_mosaic.version = 14 : i64} {
  func.func @_edge_dense(%arg0: i32, %arg1: memref<4000x64xf32, #tpu.memory_space<vmem>>, %arg2: memref<4000x64xf32, #tpu.memory_space<vmem>>, %arg3: memref<4000x16xf32, #tpu.memory_space<vmem>>, %arg4: memref<16x64xf32, #tpu.memory_space<vmem>>, %arg5: memref<1x64xf32, #tpu.memory_space<vmem>>, %arg6: memref<4000x80xf32, #tpu.memory_space<vmem>>) attributes {dimension_semantics = [#tpu.dimension_semantics<arbitrary>], iteration_bounds = array<i64: 80>, scalar_prefetch = 0 : i64, scratch_operands = 0 : i64, tpu.core_type = #tpu.core_type<tc>, window_params = [{transform_indices = @transform_0, window_bounds = array<i64: 4000, 64>}, {transform_indices = @transform_1, window_bounds = array<i64: 4000, 64>}, {transform_indices = @transform_2, window_bounds = array<i64: 4000, 16>}, {pipeline_mode = #tpu.pipeline_mode<synchronous>, transform_indices = @transform_3, window_bounds = array<i64: 16, 64>}, {pipeline_mode = #tpu.pipeline_mode<synchronous>, transform_indices = @transform_4, window_bounds = array<i64: 1, 64>}, {transform_indices = @transform_5, window_bounds = array<i64: 4000, 80>}]} {
    %get3A = arith.constant 0 : index
    %get3A_0 = arith.constant 0 : index
    %get3A_1 = vector.load %arg1[%get3A, %get3A_0] : memref<4000x64xf32, #tpu.memory_space<vmem>>, vector<4000x64xf32>
    %get3A_2 = arith.constant 0 : index
    %get3A_3 = arith.constant 0 : index
    %get3A_4 = vector.load %arg3[%get3A_2, %get3A_3] : memref<4000x16xf32, #tpu.memory_space<vmem>>, vector<4000x16xf32>
    %get3A_5 = arith.constant 0 : index
    %get3A_6 = arith.constant 0 : index
    %get3A_7 = vector.load %arg4[%get3A_5, %get3A_6] : memref<16x64xf32, #tpu.memory_space<vmem>>, vector<16x64xf32>
    %dot_general3A = arith.constant dense<0.000000e+00> : vector<4000x64xf32>
    %dot_general3A_8 = tpu.matmul %get3A_4, %get3A_7, %dot_general3A {dimension_numbers = #tpu.dot_dimension_numbers<[1], [0], [0], [1], [0, 0, 1, 1], [], []>, transpose_lhs_hint = false} : vector<4000x16xf32>, vector<16x64xf32>, vector<4000x64xf32> -> vector<4000x64xf32>
    %get3A_9 = arith.constant 0 : index
    %get3A_10 = arith.constant 0 : index
    %get3A_11 = vector.load %arg2[%get3A_9, %get3A_10] : memref<4000x64xf32, #tpu.memory_space<vmem>>, vector<4000x64xf32>
    %add3A = arith.addf %get3A_1, %get3A_11 : vector<4000x64xf32>
    %add3A_12 = arith.addf %add3A, %dot_general3A_8 : vector<4000x64xf32>
    %mul3A = arith.constant 2.000000e-01 : f32
    %mul3A_13 = vector.broadcast %mul3A : f32 to vector<4000x64xf32>
    %mul3A_14 = arith.mulf %mul3A_13, %add3A_12 : vector<4000x64xf32>
    %max3A = arith.maximumf %add3A_12, %mul3A_14 : vector<4000x64xf32>
    %get3A_15 = arith.constant 0 : index
    %get3A_16 = arith.constant 0 : index
    %get3A_17 = vector.load %arg5[%get3A_15, %get3A_16] : memref<1x64xf32, #tpu.memory_space<vmem>>, vector<1x64xf32>
    %get3A_18 = vector.shape_cast %get3A_17 : vector<1x64xf32> to vector<64xf32>
    %dot_general3A_19 = arith.constant dense<0.000000e+00> : vector<4000xf32>
    %dot_general3A_20 = tpu.matmul %max3A, %get3A_18, %dot_general3A_19 {dimension_numbers = #tpu.dot_dimension_numbers<[1], [0], [0], [], [0, 0], [], []>, transpose_lhs_hint = false} : vector<4000x64xf32>, vector<64xf32>, vector<4000xf32> -> vector<4000xf32>
    %exp3A = math.exp %dot_general3A_20 : vector<4000xf32>
    %broadcast_in_dim3A = vector.shape_cast %exp3A : vector<4000xf32> to vector<4000x1xf32>
    %mul3A_21 = vector.broadcast %broadcast_in_dim3A : vector<4000x1xf32> to vector<4000x64xf32>
    %mul3A_22 = arith.mulf %mul3A_21, %get3A_1 : vector<4000x64xf32>
    %swap3A = arith.constant 0 : index
    %swap3A_23 = arith.constant 0 : index
    %swap3A_24 = vector.load %arg6[%swap3A, %swap3A_23] : memref<4000x80xf32, #tpu.memory_space<vmem>>, vector<4000x64xf32>
    tpu.vector_store %arg6[%swap3A, %swap3A_23], %mul3A_22 {strides = array<i32>} : memref<4000x80xf32, #tpu.memory_space<vmem>>, vector<4000x64xf32>,
    %broadcast_in_dim3A_25 = vector.shape_cast %exp3A : vector<4000xf32> to vector<4000x1xf32>
    %swap3A_26 = arith.constant 0 : index
    %swap3A_27 = arith.constant 64 : index
    %swap3A_28 = vector.load %arg6[%swap3A_26, %swap3A_27] : memref<4000x80xf32, #tpu.memory_space<vmem>>, vector<4000x1xf32>
    tpu.vector_store %arg6[%swap3A_26, %swap3A_27], %broadcast_in_dim3A_25 {strides = array<i32>} : memref<4000x80xf32, #tpu.memory_space<vmem>>, vector<4000x1xf32>,
    %broadcast_in_dim3A_29 = arith.constant 0.000000e+00 : f32
    %broadcast_in_dim3A_30 = vector.broadcast %broadcast_in_dim3A_29 : f32 to vector<4000x15xf32>
    %swap3A_31 = arith.constant 0 : index
    %swap3A_32 = arith.constant 65 : index
    %swap3A_33 = vector.load %arg6[%swap3A_31, %swap3A_32] : memref<4000x80xf32, #tpu.memory_space<vmem>>, vector<4000x15xf32>
    tpu.vector_store %arg6[%swap3A_31, %swap3A_32], %broadcast_in_dim3A_30 {strides = array<i32>} : memref<4000x80xf32, #tpu.memory_space<vmem>>, vector<4000x15xf32>,
    return
  }
  func.func @transform_0(%arg0: i32) -> (i32, i32) {
    %c0_i32 = arith.constant 0 : i32
    %c0_i32_0 = arith.constant 0 : i32
    return %arg0, %c0_i32 : i32, i32
  }
  func.func @transform_1(%arg0: i32) -> (i32, i32) {
    %c0_i32 = arith.constant 0 : i32
    %c0_i32_0 = arith.constant 0 : i32
    return %arg0, %c0_i32 : i32, i32
  }
  func.func @transform_2(%arg0: i32) -> (i32, i32) {
    %c0_i32 = arith.constant 0 : i32
    %c0_i32_0 = arith.constant 0 : i32
    return %arg0, %c0_i32 : i32, i32
  }
  func.func @transform_3(%arg0: i32) -> (i32, i32) {
    %c0_i32 = arith.constant 0 : i32
    %c0_i32_0 = arith.constant 0 : i32
    %c0_i32_1 = arith.constant 0 : i32
    return %c0_i32, %c0_i32_0 : i32, i32
  }
  func.func @transform_4(%arg0: i32) -> (i32, i32) {
    %c0_i32 = arith.constant 0 : i32
    %c0_i32_0 = arith.constant 0 : i32
    %c0_i32_1 = arith.constant 0 : i32
    return %c0_i32, %c0_i32_0 : i32, i32
  }
  func.func @transform_5(%arg0: i32) -> (i32, i32) {
    %c0_i32 = arith.constant 0 : i32
    %c0_i32_0 = arith.constant 0 : i32
    return %arg0, %c0_i32 : i32, i32
  }
}

module attributes {stable_mosaic.version = 14 : i64} {
  func.func @_finalize(%arg0: i32, %arg1: memref<2000x80xf32, #tpu.memory_space<vmem>>, %arg2: memref<2000x80xf32, #tpu.memory_space<vmem>>, %arg3: memref<1x64xf32, #tpu.memory_space<vmem>>, %arg4: memref<2000x64xf32, #tpu.memory_space<vmem>>) attributes {dimension_semantics = [#tpu.dimension_semantics<arbitrary>], iteration_bounds = array<i64: 5>, scalar_prefetch = 0 : i64, scratch_operands = 0 : i64, tpu.core_type = #tpu.core_type<tc>, window_params = [{transform_indices = @transform_0, window_bounds = array<i64: 2000, 80>}, {transform_indices = @transform_1, window_bounds = array<i64: 2000, 80>}, {pipeline_mode = #tpu.pipeline_mode<synchronous>, transform_indices = @transform_2, window_bounds = array<i64: 1, 64>}, {transform_indices = @transform_3, window_bounds = array<i64: 2000, 64>}]} {
    %get3A = arith.constant 0 : index
    %get3A_0 = arith.constant 0 : index
    %get3A_1 = vector.load %arg1[%get3A, %get3A_0] : memref<2000x80xf32, #tpu.memory_space<vmem>>, vector<2000x64xf32>
    %get3A_2 = arith.constant 0 : index
    %get3A_3 = arith.constant 0 : index
    %get3A_4 = vector.load %arg2[%get3A_2, %get3A_3] : memref<2000x80xf32, #tpu.memory_space<vmem>>, vector<2000x64xf32>
    %add3A = arith.addf %get3A_1, %get3A_4 : vector<2000x64xf32>
    %get3A_5 = arith.constant 0 : index
    %get3A_6 = arith.constant 64 : index
    %get3A_7 = vector.load %arg1[%get3A_5, %get3A_6] : memref<2000x80xf32, #tpu.memory_space<vmem>>, vector<2000x1xf32>
    %get3A_8 = arith.constant 0 : index
    %get3A_9 = arith.constant 64 : index
    %get3A_10 = vector.load %arg2[%get3A_8, %get3A_9] : memref<2000x80xf32, #tpu.memory_space<vmem>>, vector<2000x1xf32>
    %add3A_11 = arith.addf %get3A_7, %get3A_10 : vector<2000x1xf32>
    %add3A_12 = arith.constant 1.000000e-16 : f32
    %add3A_13 = vector.broadcast %add3A_12 : f32 to vector<2000x1xf32>
    %add3A_14 = arith.addf %add3A_11, %add3A_13 : vector<2000x1xf32>
    %div3A = vector.broadcast %add3A_14 : vector<2000x1xf32> to vector<2000x64xf32>
    %div3A_15 = arith.divf %add3A, %div3A : vector<2000x64xf32>
    %get3A_16 = arith.constant 0 : index
    %get3A_17 = arith.constant 0 : index
    %get3A_18 = vector.load %arg3[%get3A_16, %get3A_17] : memref<1x64xf32, #tpu.memory_space<vmem>>, vector<1x64xf32>
    %add3A_19 = vector.broadcast %get3A_18 : vector<1x64xf32> to vector<2000x64xf32>
    %add3A_20 = arith.addf %div3A_15, %add3A_19 : vector<2000x64xf32>
    %swap3A = arith.constant 0 : index
    %swap3A_21 = arith.constant 0 : index
    %swap3A_22 = vector.load %arg4[%swap3A, %swap3A_21] : memref<2000x64xf32, #tpu.memory_space<vmem>>, vector<2000x64xf32>
    tpu.vector_store %arg4[%swap3A, %swap3A_21], %add3A_20 {strides = array<i32>} : memref<2000x64xf32, #tpu.memory_space<vmem>>, vector<2000x64xf32>,
    return
  }
  func.func @transform_0(%arg0: i32) -> (i32, i32) {
    %c0_i32 = arith.constant 0 : i32
    %c0_i32_0 = arith.constant 0 : i32
    return %arg0, %c0_i32 : i32, i32
  }
  func.func @transform_1(%arg0: i32) -> (i32, i32) {
    %c0_i32 = arith.constant 0 : i32
    %c0_i32_0 = arith.constant 0 : i32
    return %arg0, %c0_i32 : i32, i32
  }
  func.func @transform_2(%arg0: i32) -> (i32, i32) {
    %c0_i32 = arith.constant 0 : i32
    %c0_i32_0 = arith.constant 0 : i32
    %c0_i32_1 = arith.constant 0 : i32
    return %c0_i32, %c0_i32_0 : i32, i32
  }
  func.func @transform_3(%arg0: i32) -> (i32, i32) {
    %c0_i32 = arith.constant 0 : i32
    %c0_i32_0 = arith.constant 0 : i32
    return %arg0, %c0_i32 : i32, i32
  }
}

</mosaic_0001>

<sc_bundles>
// kernel: kernel.10.cloned.1.call-start
scs
__scs_entry_jumppad:
0x0: {  	(pc) =	sbr.rel $0x88, $3  }
0x1: {  	(tag) =	ssettag $0x0;
	lr =	simm.s32 $0x1  }
0x2: {  	[smem:$0x3F98] =	sst lr;
	_ =	strace $0xD0000000  }
0x3: {  	_ = 	snop  }
0x4: {  	_ = 	snop  }
0x5: {  	_ = 	snop  }
0x6: {  	_ = 	snop  }
0x7: {  	_ = 	snop  }
__scs_overlays_trampoline_lowered:
0x8: {  	[smem:$0x3FA7] =	sst s0  }
0x9: {  	[smem:$0x3FA8] =	sst s1  }
0xa: {  	[smem:$0x3FA9] =	sst s2  }
0xb: {  	[smem:$0x3FAA] =	sst s3  }
0xc: {  	[smem:$0x3FAB] =	sst s4  }
0xd: {  	[smem:$0x3FAC] =	sst s5  }
0xe: {  	[smem:$0x3FAD] =	sst s6  }
0xf: {  	[smem:$0x3FAE] =	sst s7  }
0x10: {  	[smem:$0x3FAF] =	sst s8  }
0x11: {  	[smem:$0x3FB0] =	sst s9;
	s0 =	simm.s32 @!p0 $0x0  }
0x12: {  	s1 =	sld [smem:$0x3F96];
	s0 =	simm.s32 @p0 $0x1  }
0x13: {  	[smem:$0x3FB1] =	sst s0;
	s0 =	simm.s32 @!p1 $0x0  }
0x14: {  	s2 =	sld [smem:$0x3F95];
	s0 =	simm.s32 @p1 $0x1  }
0x15: {  	[smem:$0x3FB2] =	sst s0;
	s0 =	simm.s32 @!p2 $0x0  }
0x16: {  	s3 =	sld [smem:$0x3FDB];
	s0 =	simm.s32 @p2 $0x1  }
0x17: {  	s4 =	simm.s32 $0x1BF5;
	[smem:$0x3FB4] =	sst s0  }
0x18: {  	s0 =	sld [smem:$0x3F97];
	_ =	swait.ge [sflag:s4], $0x0  }
0x19: {  	s7 =	sld [smem:$0x3F98]  }
0x1a: {  	s8 =	sadd.s32 $0xFFFFE003, lr  }
0x1b: {  	s9 =	sadd.s32 $0xFFFFFEF7, lr;
	s5 =	simm.s32 $0xFFFFFFFF;
	p2 =	slt.u32 s8, $0xFFFFF086  }
0x1c: {  	p1 =	slt.u32 s9, $0xF7A;
	s5 =	simm.s32 @!p2 $0x0  }
0x1d: {  	s5 =	simm.s32 @p1 $0x1;
	p0 =	seq.s32 s7, s2  }
0x1e: {  	s7 =	smul.u32 @!p0 $0xF7A, s2;
	p2 =	seq.s32 @!p0 s5, $0x0  }
0x1f: {  	s9 =	smul.u32 $0xF7A, s1;
	s8 =	simm.s32 @!p0 $0x1BF5;
	p2 =	por !p2, p0  }
0x20: {  	[sflag:s8] =	ssyncset.s32 @!p0 $0xFFFFF086;
	s6 =	sadd.s32 @!p0 s3, s7;
	s7 =	simm.s32 @!p0 $0x108  }
0x21: {  	s3 =	sadd.s32 s3, s9;
	s6 =	sadd.s32 @!p0 $0x88, s6;
	s7 =	simm.s32 @p2 $0x1082  }
0x22: {  	[simem:s7], [sflag:s8] =	dma.local @!p0 [hbm:s6], $0xF7A  }
0x23: {  	s9 =	sor.u32 $0xD0000000, s2;
	s6 =	simm.s32 $0x108;
	_ =	swait.ge @!p0 [sflag:s8], $0x0  }
0x24: {  	s3 =	sadd.s32 $0x88, s3;
	s6 =	simm.s32 @!p1 $0x1082;
	[sflag:s4] =	ssyncset.s32 $0xFFFFF086  }
0x25: {  	[simem:s6], [sflag:s4] =	dma.local [hbm:s3], $0xF7A  }
0x26: {  	[smem:$0x3F98] =	sst s1;
	(tag) =	ssettag s2;
	_ =	strace s9  }
0x27: {  	s1 =	sld [smem:$0x3FA8]  }
0x28: {  	s2 =	sld [smem:$0x3FA9]  }
0x29: {  	s4 =	sld [smem:$0x3FAB]  }
0x2a: {  	p0 =	seq.s32 s5, $0x0;
	s5 =	sld [smem:$0x3FAC]  }
0x2b: {  	s6 =	sld [smem:$0x3FAD]  }
0x2c: {  	s7 =	sld [smem:$0x3FAE]  }
0x2d: {  	s3 =	simm.s32 $0x108;
	s8 =	sld [smem:$0x3FAF]  }
0x2e: {  	s3 =	simm.s32 @!p0 $0x1082;
	s9 =	sld [smem:$0x3FB0]  }
0x2f: {  	lr =	sadd.s32 s0, s3;
	s0 =	sld [smem:$0x3FA7]  }
0x30: {  	s3 =	sld [smem:$0x3FAA]  }
0x31: {  	[smem:$0x3FB3] =	sst s10  }
0x32: {  	s10 =	sld [smem:$0x3FB1];
	_ =	sdelay $0x3  }
0x33: {  	p0 =	seq.s32 s10, $0x1;
	s10 =	sld [smem:$0x3FB3];
	_ =	sdelay $0x3  }
0x34: {  	[smem:$0x3FB3] =	sst s10  }
0x35: {  	s10 =	sld [smem:$0x3FB2];
	_ =	sdelay $0x3  }
0x36: {  	p1 =	seq.s32 s10, $0x1;
	s10 =	sld [smem:$0x3FB3];
	_ =	sdelay $0x3  }
0x37: {  	[smem:$0x3FB3] =	sst s10  }
0x38: {  	s10 =	sld [smem:$0x3FB4]  }
0x39: {  	_ = 	snop;
	(pc) =	sbr.ind lr, $3  }
0x3a: {  	_ = 	snop  }
0x3b: {  	_ = 	snop  }
0x3c: {  	p2 =	seq.s32 s10, $0x1;
	s10 =	sld [smem:$0x3FB3]  }
0x3d: {  	_ =	shalt  }
0x3e: {  	_ =	shalt  }
0x3f: {  	_ =	shalt  }
0x40: {  	_ =	shalt  }
0x41: {  	_ =	shalt  }
0x42: {  	_ =	shalt  }
0x43: {  	_ =	shalt  }
0x44: {  	_ =	shalt  }
0x45: {  	_ =	shalt  }
0x46: {  	_ =	shalt  }
0x47: {  	_ =	shalt  }
0x48: {  	_ =	shalt  }
0x49: {  	_ =	shalt  }
0x4a: {  	_ =	shalt  }
0x4b: {  	_ =	shalt  }
0x4c: {  	_ =	shalt  }
0x4d: {  	_ =	shalt  }
0x4e: {  	_ =	shalt  }
0x4f: {  	_ =	shalt  }
0x50: {  	_ =	shalt  }
0x51: {  	_ =	shalt  }
0x52: {  	_ =	shalt  }
0x53: {  	_ =	shalt  }
0x54: {  	_ =	shalt  }
0x55: {  	_ =	shalt  }
0x56: {  	_ =	shalt  }
0x57: {  	_ =	shalt  }
0x58: {  	_ =	shalt  }
0x59: {  	_ =	shalt  }
0x5a: {  	_ =	shalt  }
0x5b: {  	_ =	shalt  }
0x5c: {  	_ =	shalt  }
0x5d: {  	_ =	shalt  }
0x5e: {  	_ =	shalt  }
0x5f: {  	_ =	shalt  }
0x60: {  	_ =	shalt  }
0x61: {  	_ =	shalt  }
0x62: {  	_ =	shalt  }
0x63: {  	_ =	shalt  }
0x64: {  	_ =	shalt  }
0x65: {  	_ =	shalt  }
0x66: {  	_ =	shalt  }
0x67: {  	_ =	shalt  }
0x68: {  	_ =	shalt  }
0x69: {  	_ =	shalt  }
0x6a: {  	_ =	shalt  }
0x6b: {  	_ =	shalt  }
0x6c: {  	_ =	shalt  }
0x6d: {  	_ =	shalt  }
0x6e: {  	_ =	shalt  }
0x6f: {  	_ =	shalt  }
0x70: {  	_ =	shalt  }
0x71: {  	_ =	shalt  }
0x72: {  	_ =	shalt  }
0x73: {  	_ =	shalt  }
0x74: {  	_ =	shalt  }
0x75: {  	_ =	shalt  }
0x76: {  	_ =	shalt  }
0x77: {  	_ =	shalt  }
0x78: {  	_ =	shalt  }
0x79: {  	_ =	shalt  }
0x7a: {  	_ =	shalt  }
0x7b: {  	_ =	shalt  }
0x7c: {  	_ =	shalt  }
0x7d: {  	_ =	shalt  }
0x7e: {  	_ =	shalt  }
0x7f: {  	_ =	shalt  }
0x80: {  	_ =	shalt  }
0x81: {  	_ =	shalt  }
0x82: {  	_ =	shalt  }
0x83: {  	_ =	shalt  }
0x84: {  	_ =	shalt  }
0x85: {  	_ =	shalt  }
0x86: {  	_ =	shalt  }
0x87: {  	_ =	shalt  }
.Lfunc_end0:
.L_simem_size_0:
called_computation.1_lowered:
.L_overlay_start_0:
0x88: {  	s2 =	sld [smem:$0x3FD9]  }
0x89: {  	s3 =	sld [smem:$0x3FFE];
	_ =	sdelay $0x1  }
0x8a: {  	s1 =	srdreg.scid  }
0x8b: {  	s0 =	sand.u32 $0x1, s1  }
0x8c: {  	s16 =	sshll.u32 s0, $0xA;
	s2 =	sadd.s32 s3, s2  }
0x8d: {  	s2 =	sadd.s32 s2, s16  }
0x8e: {  	[smem:$0x3FBF] =	sst s2  }
0x8f: {  	_ = 	snop  }
0x90: {  	(tm) =	ssettm $0x1  }
0x91: {  	s17 =	sld [smem:$0x3FFB];
	_ =	sdelay $0x3  }
0x92: {  	_ =	strace s17  }
0x93: {  	s2 =	sld [smem:$0x3FFC];
	_ =	sdelay $0x3  }
0x94: {  	_ =	strace s2  }
0x95: {  	s2 =	sld [smem:$0x3FFD];
	_ =	sdelay $0x3  }
0x96: {  	_ =	strace s2  }
0x97: {  	_ =	strace $0x8FFFFFFF  }
0x98: {  	s18 =	sld [smem:$0x3FDB];
	_ =	sdelay $0x1  }
0x99: {  	s19 =	simm.s32 $_scs_section_size  }
0x9a: {  	s4 =	simm.s32 $_size__tile_overlayer_lowered;
	s5 =	simm.s32 $_tile_overlayer_lowered  }
0x9b: {  	s22 =	simm.s32 $0x1BFF;
	s21 =	sshll.u32 s5, $0x1;
	s2 =	sadd.s32 s19, s18  }
0x9c: {  	s6 =	simm.s32 $0x0;
	s20 =	sshll.u32 s4, $0x1;
	s4 =	sadd.s32 s21, s2  }
0x9d: {  	[timem:s6], [sflag:s22] =	dma.local [hbm:s4], s20  }
0x9e: {  	_ =	swait.ge [sflag:s22], s20  }
0x9f: {  	s3 =	ssub.s32 $0x0, s20;
	[sflag:s22] =	ssyncset.done $0x0  }
0xa0: {  	[sflag:s22] =	ssyncadd.s32 s3;
	_ =	sdelay $0x1  }
0xa1: {  	s23 =	simm.s32 $0x1B8B  }
0xa2: {  	_ =	swait.ge [sflag:s23], $0x1  }
0xa3: {  	[sflag:s23] =	ssyncset.done $0x0  }
0xa4: {  	s25 =	simm.s32 $0x1B8E;
	s24 =	sld [smem:$0x3FFE];
	[sflag:s23] =	ssyncadd.s32 $0xFFFFFFFF  }
0xa5: {  	s26 =	simm.s32 $execute0_lowered;
	[smem:$0x3FD2] =	sst s25  }
0xa6: {  	s4 =	sshll.u32 s26, $0x1;
	_ =	strace $0x80000049;
	[dreg:$0x1] =	wrdreg $0xFFFFFFFF  }
0xa7: {  	s28 =	simm.s32 $_size_execute0_lowered;
	s2 =	sadd.s32 s2, s4;
	[dreg:$0x0] =	wrdreg $0x0  }
0xa8: {  	s4 =	sshll.u32 s28, $0x1;
	[dreg:$0x2] =	wrdreg s2  }
0xa9: {  	[dreg:$0x3] =	wrdreg s4  }
0xaa: {  	[dreg:$0x4] =	wrdreg $0xC0  }
0xab: {  	_ =	task [dreg:s6], $0x5FFFF  }
0xac: {  	[dreg:$0x1] =	wrdreg $0xFFFFFFFF  }
0xad: {  	[dreg:$0x0] =	wrdreg $0x60  }
0xae: {  	[dreg:$0x2] =	wrdreg s24  }
0xaf: {  	[dreg:$0x3] =	wrdreg $0x7E900  }
0xb0: {  	[dreg:$0x4] =	wrdreg $0x9  }
0xb1: {  	_ =	task.clear_ibuf [dreg:s6], $0x5FFFF;
	_ =	strace $0x90000049  }
0xb2: {  	s29 =	simm.s32 $0x9;
	_ =	strace $0x8000004B  }
0xb3: {  	_ =	swait.ge [sflag:s29], $0x1  }
0xb4: {  	[sflag:s29] =	ssyncadd.s32 $0xFFFFFFFF  }
0xb5: {  	_ =	strace $0x9000004B  }
0xb6: {  	_ =	sfence  }
0xb7: {  	s30 =	sld [smem:$0x0];
	_ =	sdelay $0x2  }
0xb8: {  	s31 =	sshll.u32 s1, $0xD;
	s1 =	sshrl.u32 s1, $0x2  }
0xb9: {  	s3 =	sand.u32 $0x4000, s31;
	s1 =	sadd.s32 s1, s30  }
0xba: {  	s0 =	sor.u32 s3, s0;
	s1 =	sshll.u32 s1, $0x11  }
0xbb: {  	s0 =	sor.u32 s1, s0  }
0xbc: {  	s0 =	sadd.s32 $0x8F2B, s0  }
0xbd: {  	[sflag:s0] =	ssyncadd.remote.s32 $0x1  }
0xbe: {  	_ =	sfence.sel $0xFFFF  }
0xbf: {  	[dreg:$0x0] =	wrdreg $0xFFFFFFFF;
	(pc) =	sbr.abs _section_cstart, $3  }
0xc0: {  	[dreg:$0x1] =	wrdreg $0xFFFFFFFF  }
0xc1: {  	_ =	task.clear_ibuf [dreg:s6], $0x2FFFF;
	_ =	strace $0x9FFFFFFF  }
0xc2: {  	(tm) =	ssettm $0x7FFFFFFF  }
0xc3: {  	_ =	shalt  }
tec
execute0_lowered:
.L_overlay_start_1:
0x0: {  	(tag) =	ssettag $0x1  }
0x1: {  	s0 =	srdreg.scid;
	s6 =	rddreg [dreg:$0x0]  }
0x2: {  	s12 =	stileid.u32;
	s2 =	rddreg [dreg:$0x1];
	s3 =	simm.s32 $0x0  }
0x3: {  	s20 =	simm.s32 $0x1C3E0;
	s21 =	simm.s32 $0x15F90;
	s22 =	simm.s32 $0x1C430  }
0x4: {  	s23 =	simm.s32 $0x17890;
	s24 =	simm.s32 $0x1C480;
	s25 =	simm.s32 $0x19190  }
0x5: {  	s26 =	simm.s32 $0x1C4D0;
	s31 =	simm.s32 $0x1AA90;
	[smem:$0x7FF] =	sst s3  }
0x6: {  	s28 =	simm.s32 $0x14690;
	_ =	strace $0x8000004A;
	[dreg:$0x4] =	wrdreg s20  }
0x7: {  	s29 =	simm.s32 $0x2;
	s30 =	simm.s32 $0x0;
	[dreg:$0x5] =	wrdreg s21  }
0x8: {  	s0 =	sand.u32 $0x1, s0;
	s7 =	smul.u32 $0xC800, s12;
	[dreg:$0x6] =	wrdreg s22  }
0x9: {  	s5 =	sadd.s32 $0xCA00, s6;
	s1 =	sshll.u32 s0, $0x4;
	[dreg:$0x7] =	wrdreg s23  }
0xa: {  	s4 =	smul.u32 $0xC8000, s0;
	s0 =	ssub.s32 $0x2, s0;
	[dreg:$0x8] =	wrdreg s24  }
0xb: {  	s20 =	simm.s32 $0x7DA0;
	s21 =	simm.s32 $0x3200;
	[dreg:$0x9] =	wrdreg s25  }
0xc: {  	s22 =	simm.s32 $0x7DF0;
	s23 =	simm.s32 $0x4B00;
	[dreg:$0xa] =	wrdreg s26  }
0xd: {  	s24 =	simm.s32 $0x7E40;
	[dreg:$0xb] =	wrdreg s31;
	s25 =	simm.s32 $0x6400  }
0xe: {  	s26 =	simm.s32 $0x1C390;
	s1 =	sor.u32 s12, s1;
	s12 =	smul.u32 $0x32000, s12  }
0xf: {  	s14 =	sshrl.u32 s0, $0x1;
	s8 =	smul.u32 $0x2710, s1;
	s10 =	sadd.s32 s7, s4  }
0x10: {  	s4 =	sadd.s32 $0x4F8800, s6;
	s0 =	ssub.s32 s0, s14;
	s17 =	smul.u32 $0xFFFFD8F0, s1  }
0x11: {  	s1 =	smul.u32 $0xC3500, s1;
	s14 =	simm.s32 $0x3;
	s10 =	sshrl.u32 s10, $0x3  }
0x12: {  	s15 =	sshrl.u32 s12, $0x2;
	s0 =	smax.u32 s0, $0x1;
	s9 =	sadd.s32 $0x2580, s8  }
0x13: {  	s10 =	sadd.s32 s10, s6;
	s6 =	sadd.s32 s7, s2;
	[dreg:$0x11] =	wrdreg s0  }
0x14: {  	s7 =	sadd.s32 s15, s2;
	[dreg:$0x3] =	wrdreg s17;
	s11 =	smulhi.u32 $0xCCCCCCCD, s9  }
0x15: {  	s12 =	sadd.s32 $0x190, s8;
	s19 =	sadd.s32 $0x7D00, s1;
	s15 =	simm.s32 $0x1  }
0x16: {  	s9 =	smul.u32 $0xA, s9;
	[dreg:$0x12] =	wrdreg s19;
	s11 =	sshrl.u32 s11, $0x6  }
0x17: {  	s7 =	sadd.s32 $0x7D00, s7;
	[dreg:$0xc] =	wrdreg s6;
	s11 =	smul.u32 $0x50, s11  }
0x18: {  	s17 =	simm.s32 $0x50;
	s18 =	sadd.s32 $0x16800, s10;
	[dreg:$0xd] =	wrdreg s7  }
0x19: {  	[dreg:$0x10] =	wrdreg s18;
	s9 =	sadd.s32 s4, s9;
	s11 =	sshrl.u32 s11, $0x3  }
0x1a: {  	s19 =	simm.s32 $0x1900;
	[dreg:$0xf] =	wrdreg s9;
	s16 =	sadd.s32 s5, s11  }
0x1b: {  	v0 =	vimm.f32 $0.0e+00;
	s18 =	simm.s32 $0x7D50;
	[dreg:$0xe] =	wrdreg s16;
	s16 =	simm.s32 $0x7D00  }
.LBB2_1:
0x1c: {  	s7 =	simm.s32 $0x140;
	s0 =	simm.s32 $0x0  }
.LBB2_2:
0x1d: {  	p0 =	sne.s32 s7, $0x1F2C0;
	[tilespmem:s0+$0x40] =	vst v0;
	s8 =	smov.u32 s7;
	s7 =	sadd.s32 $0x140, s7  }
.Ltmp0:
0x1e: {  	[tilespmem:s0+$0x30] =	vst v0;
	(pc) =	sbr.rel @p0 .LBB2_2-.Ltmp0, $4  }
0x1f: {  	[tilespmem:s0+$0x20] =	vst v0  }
0x20: {  	[tilespmem:s0+$0x0] =	vst v0  }
0x21: {  	[tilespmem:s0+$0x10] =	vst v0  }
0x22: {  	s0 =	sshra.s32 s8, $0x2  }
0x23: {  	[tilespmem:s0+$0x40] =	vst v0  }
0x24: {  	[tilespmem:s0+$0x30] =	vst v0  }
0x25: {  	[tilespmem:s0+$0x20] =	vst v0  }
0x26: {  	[tilespmem:s0+$0x0] =	vst v0  }
0x27: {  	[tilespmem:s0+$0x10] =	vst v0;
	s10 =	simm.s32 $0x0  }
0x28: {  	[spmem:s6] =	stream.linear.scatter [tilespmem:s10], [sflag:$0x3], $0x7D00, $0x38;
	[tilespmem:$0x1C520] =	vst v63  }
0x29: {  	s11 =	sadd.s32 $0xFFFFFE70, s12;
	_ =	swait.ge [sflag:s14], $0x7D00  }
0x2a: {  	s7 =	smulhi.u32 $0x66666667, s11;
	s8 =	sshra.s32 s11, $0x1F;
	[sflag:s14] =	ssyncset.done $0x0  }
0x2b: {  	s8 =	smul.u32 $0x66666667, s8;
	s1 =	rddreg [dreg:$0xd];
	[sflag:s14] =	ssyncadd.s32 $0xFFFF8300  }
0x2c: {  	[spmem:s1] =	stream.linear.scatter [tilespmem:s10], [sflag:$0x3], $0x4B00, $0x38;
	[tilespmem:$0x1C520] =	vst v63  }
0x2d: {  	_ =	swait.ge [sflag:s14], $0x4B00  }
0x2e: {  	s7 =	sadd.s32 s8, s7;
	[sflag:s14] =	ssyncset.done $0x0  }
0x2f: {  	s8 =	sshrl.u32 s7, $0x1F;
	s7 =	sshra.s32 s7, $0x5;
	[sflag:s14] =	ssyncadd.s32 $0xFFFFB500  }
0x30: {  	s7 =	sadd.s32 s8, s7;
	[bflag:$0x0] =	sbarrier.arrive $0xFFFF  }
0x31: {  	s8 =	smul.u32 $0xFFFFFFB0, s7;
	s9 =	rddreg [dreg:$0x3]  }
0x32: {  	s9 =	sadd.s32 $0x0, s9  }
0x33: {  	p0 =	slt.s32 s11, $0x1;
	p1 =	sne.s32 s9, s8  }
0x34: {  	p0 =	por !p0, !p1  }
0x35: {  	s13 =	sshra.s32 s12, $0x1F;
	s8 =	simm.s32 $0x1;
	p0 =	por !p0, !p0  }
0x36: {  	s0 =	smul.u32 $0x66666667, s13;
	s8 =	simm.s32 @!p0 $0x0  }
0x37: {  	s10 =	smulhi.u32 $0x66666667, s12;
	s7 =	ssub.s32 s7, s8  }
0x38: {  	s7 =	smul.u32 $0x50, s7  }
0x39: {  	s0 =	sadd.s32 s0, s10  }
0x3a: {  	s1 =	sshra.s32 s0, $0x5;
	s7 =	sshrl.u32 s7, $0x3  }
0x3b: {  	s0 =	sshrl.u32 s0, $0x1F;
	s13 =	rddreg [dreg:$0x12];
	s7 =	sadd.s32 s5, s7  }
0x3c: {  	[tilespmem:s16], [sflag:$0x3] =	stream.linear.gather [hbm4b:s7+s3], $0x190, $0x38;
	[tilespmem:$0x1C520] =	vst v63  }
0x3d: {  	s0 =	sadd.s32 s0, s1;
	s6 =	sadd.s32 $0xFFFF8300, s13;
	_ =	swait.ge [sflag:s14], $0x190  }
0x3e: {  	s9 =	sadd.s32 $0xFFFFFE70, s9;
	s7 =	sshrl.u32 s6, $0x3;
	[sflag:s14] =	ssyncset.done $0x0  }
0x3f: {  	s8 =	smul.u32 $0xFFFFFFB0, s0;
	s7 =	sadd.s32 s4, s7;
	[sflag:s14] =	ssyncadd.s32 $0xFFFFFE70  }
0x40: {  	[tilespmem:s3], [sflag:$0x3] =	stream.linear.gather [hbm4b:s7+s3], $0x7D00, $0x38;
	[tilespmem:$0x1C520] =	vst v63  }
0x41: {  	p5 =	slt.s32 s12, $0x1;
	p6 =	sne.s32 s9, s8;
	_ =	swait.ge [sflag:s14], $0x7D00  }
0x42: {  	p0 =	por !p5, !p6;
	[sflag:s14] =	ssyncset.done $0x0  }
0x43: {  	p0 =	por !p0, !p0;
	s7 =	simm.s32 $0x1;
	[sflag:s14] =	ssyncadd.s32 $0xFFFF8300  }
0x44: {  	[spmem:s2] =	stream.indirect.scatter.add.f32 [tilespmem:s3], [sflag:$0x1], $0x50, s16, s17, $0xb8;
	[tilespmem:$0x1C520] =	vst v63  }
0x45: {  	s7 =	simm.s32 @!p0 $0x0  }
0x46: {  	[spmem:s2] =	stream.indirect.scatter.add.f32 [tilespmem:s19], [sflag:$0x1], $0x50, s18, s17, $0xb8;
	[tilespmem:$0x1C520] =	vst v63  }
0x47: {  	s0 =	ssub.s32 s0, s7  }
0x48: {  	[spmem:s2] =	stream.indirect.scatter.add.f32 [tilespmem:s21], [sflag:$0x1], $0x50, s20, s17, $0xb8;
	[tilespmem:$0x1C520] =	vst v63  }
0x49: {  	s0 =	smul.u32 $0x50, s0  }
0x4a: {  	[spmem:s2] =	stream.indirect.scatter.add.f32 [tilespmem:s23], [sflag:$0x1], $0x50, s22, s17, $0xb8;
	[tilespmem:$0x1C520] =	vst v63  }
0x4b: {  	s0 =	sshrl.u32 s0, $0x3  }
0x4c: {  	[spmem:s2] =	stream.indirect.scatter.add.f32 [tilespmem:s25], [sflag:$0x1], $0x50, s24, s17, $0xb8;
	[tilespmem:$0x1C520] =	vst v63  }
0x4d: {  	s0 =	sadd.s32 s5, s0  }
0x4e: {  	[tilespmem:s26], [sflag:$0x3] =	stream.linear.gather [hbm4b:s0+s3], $0x190, $0x38;
	[tilespmem:$0x1C520] =	vst v63  }
0x4f: {  	_ =	swait.ge [sflag:s14], $0x190  }
0x50: {  	s8 =	sshrl.u32 s13, $0x3;
	[sflag:s14] =	ssyncset.done $0x0  }
0x51: {  	s0 =	sadd.s32 s4, s8;
	[sflag:s14] =	ssyncadd.s32 $0xFFFFFE70  }
0x52: {  	[tilespmem:s28], [sflag:$0x3] =	stream.linear.gather [hbm4b:s0+s3], $0x7D00, $0x38;
	[tilespmem:$0x1C520] =	vst v63  }
0x53: {  	_ =	swait.ge [sflag:s14], $0x7D00  }
0x54: {  	s0 =	rddreg [dreg:$0x6]  }
0x55: {  	s9 =	rddreg [dreg:$0x4]  }
0x56: {  	[sflag:s14] =	ssyncset.done $0x0;
	s8 =	rddreg [dreg:$0x7]  }
0x57: {  	s10 =	rddreg [dreg:$0x5];
	[sflag:s14] =	ssyncadd.s32 $0xFFFF8300  }
0x58: {  	[spmem:s2] =	stream.indirect.scatter.add.f32 [tilespmem:s28], [sflag:$0x2], $0x50, s26, s17, $0xb8;
	[tilespmem:$0x1C520] =	vst v63  }
0x59: {  	s1 =	rddreg [dreg:$0xa]  }
0x5a: {  	[spmem:s2] =	stream.indirect.scatter.add.f32 [tilespmem:s10], [sflag:$0x2], $0x50, s9, s17, $0xb8;
	[tilespmem:$0x1C520] =	vst v63  }
0x5b: {  	s11 =	rddreg [dreg:$0x8]  }
0x5c: {  	[spmem:s2] =	stream.indirect.scatter.add.f32 [tilespmem:s8], [sflag:$0x2], $0x50, s0, s17, $0xb8;
	[tilespmem:$0x1C520] =	vst v63  }
0x5d: {  	s6 =	rddreg [dreg:$0x9]  }
0x5e: {  	[spmem:s2] =	stream.indirect.scatter.add.f32 [tilespmem:s6], [sflag:$0x2], $0x50, s11, s17, $0xb8;
	[tilespmem:$0x1C520] =	vst v63  }
0x5f: {  	s9 =	rddreg [dreg:$0xb]  }
0x60: {  	[spmem:s2] =	stream.indirect.scatter.add.f32 [tilespmem:s9], [sflag:$0x2], $0x50, s1, s17, $0xb8;
	[tilespmem:$0x1C520] =	vst v63  }
0x61: {  	_ =	swait.ge [sflag:s15], $0x1900  }
0x62: {  	[sflag:s15] =	ssyncset.done $0x0  }
0x63: {  	[sflag:s15] =	ssyncadd.s32 $0xFFFFE700  }
0x64: {  	_ =	swait.ge [sflag:s15], $0x1900  }
0x65: {  	[sflag:s15] =	ssyncset.done $0x0  }
0x66: {  	[sflag:s15] =	ssyncadd.s32 $0xFFFFE700  }
0x67: {  	_ =	swait.ge [sflag:s15], $0x1900  }
0x68: {  	[sflag:s15] =	ssyncset.done $0x0  }
0x69: {  	[sflag:s15] =	ssyncadd.s32 $0xFFFFE700  }
0x6a: {  	_ =	swait.ge [sflag:s15], $0x1900  }
0x6b: {  	[sflag:s15] =	ssyncset.done $0x0  }
0x6c: {  	[sflag:s15] =	ssyncadd.s32 $0xFFFFE700  }
0x6d: {  	_ =	swait.ge [sflag:s15], $0x1900  }
0x6e: {  	[sflag:s15] =	ssyncset.done $0x0  }
0x6f: {  	[sflag:s15] =	ssyncadd.s32 $0xFFFFE700  }
0x70: {  	_ =	swait.ge [sflag:s29], $0x1900  }
0x71: {  	[sflag:s29] =	ssyncset.done $0x0  }
0x72: {  	s31 =	sadd.s32 $0x320, s12;
	s7 =	simm.s32 $0xFFFFF9C0;
	[sflag:s29] =	ssyncadd.s32 $0xFFFFE700  }
0x73: {  	s0 =	simm.s32 $0xFFFFFCE0;
	s8 =	sadd.s32 $0xFFFFFE70, s31;
	_ =	swait.ge [sflag:s29], $0x1900  }
0x74: {  	s10 =	smulhi.u32 $0x66666667, s8;
	s11 =	sshra.s32 s8, $0x1F;
	[sflag:s29] =	ssyncset.done $0x0  }
0x75: {  	s11 =	smul.u32 $0x66666667, s11;
	s9 =	sshra.s32 s31, $0x1F;
	[sflag:s29] =	ssyncadd.s32 $0xFFFFE700  }
.LBB2_4:
0x76: {  	_ =	swait.ge [sflag:s29], $0x1900  }
0x77: {  	[sflag:s29] =	ssyncset.done $0x0  }
0x78: {  	[sflag:s29] =	ssyncadd.s32 $0xFFFFE700  }
0x79: {  	_ =	swait.ge [sflag:s29], $0x1900  }
0x7a: {  	s10 =	sadd.s32 s11, s10;
	[sflag:s29] =	ssyncset.done $0x0  }
0x7b: {  	s1 =	sshrl.u32 s10, $0x1F;
	s10 =	sshra.s32 s10, $0x5;
	[sflag:s29] =	ssyncadd.s32 $0xFFFFE700  }
0x7c: {  	s1 =	sadd.s32 s1, s10;
	_ =	swait.ge [sflag:s29], $0x1900  }
0x7d: {  	p1 =	slt.s32 s8, $0x1;
	s10 =	smul.u32 $0xFFFFFFB0, s1;
	s8 =	rddreg [dreg:$0x3]  }
0x7e: {  	s8 =	sadd.s32 s0, s8  }
0x7f: {  	s9 =	smul.u32 $0x66666667, s9;
	p3 =	sne.s32 s8, s10  }
0x80: {  	s6 =	smov.u32 s7;
	s11 =	smulhi.u32 $0x66666667, s31;
	p1 =	por !p1, !p3  }
0x81: {  	s0 =	smov.u32 s6;
	s6 =	simm.s32 $0x1;
	p1 =	por !p1, !p1  }
0x82: {  	s6 =	simm.s32 @!p1 $0x0  }
0x83: {  	s9 =	sadd.s32 s9, s11;
	s1 =	ssub.s32 s1, s6  }
0x84: {  	s11 =	sshra.s32 s9, $0x5;
	s9 =	sshrl.u32 s9, $0x1F;
	s1 =	smul.u32 $0x50, s1  }
0x85: {  	s13 =	sadd.s32 $0xFA00, s13;
	s9 =	sadd.s32 s9, s11  }
0x86: {  	s11 =	smul.u32 $0xFFFFFFB0, s9;
	[sflag:s29] =	ssyncset.done $0x0;
	s1 =	sshrl.u32 s1, $0x3  }
0x87: {  	[sflag:s29] =	ssyncadd.s32 $0xFFFFE700;
	s10 =	sadd.s32 $0xFFFFFE70, s8;
	s1 =	sadd.s32 s5, s1  }
0x88: {  	[tilespmem:s16], [sflag:$0x3] =	stream.linear.gather [hbm4b:s1+s3], $0x190, $0x38;
	[tilespmem:$0x1C520] =	vst v63  }
0x89: {  	p6 =	sne.s32 s10, s11;
	s11 =	sadd.s32 $0xFFFF8300, s13;
	_ =	swait.ge [sflag:s14], $0x190  }
0x8a: {  	s8 =	sshrl.u32 s11, $0x3;
	[sflag:s14] =	ssyncset.done $0x0  }
0x8b: {  	s8 =	sadd.s32 s4, s8;
	[sflag:s14] =	ssyncadd.s32 $0xFFFFFE70  }
0x8c: {  	[tilespmem:s3], [sflag:$0x3] =	stream.linear.gather [hbm4b:s8+s3], $0x7D00, $0x38;
	[tilespmem:$0x1C520] =	vst v63  }
0x8d: {  	p2 =	slt.s32 s31, $0x1;
	_ =	swait.ge [sflag:s14], $0x7D00  }
0x8e: {  	p2 =	por !p2, !p6;
	[sflag:s14] =	ssyncset.done $0x0  }
0x8f: {  	p1 =	por !p2, !p2;
	s6 =	simm.s32 $0x1;
	[sflag:s14] =	ssyncadd.s32 $0xFFFF8300  }
0x90: {  	[spmem:s2] =	stream.indirect.scatter.add.f32 [tilespmem:s3], [sflag:$0x1], $0x50, s16, s17, $0xb8;
	[tilespmem:$0x1C520] =	vst v63  }
0x91: {  	s6 =	simm.s32 @!p1 $0x0  }
0x92: {  	[spmem:s2] =	stream.indirect.scatter.add.f32 [tilespmem:s19], [sflag:$0x1], $0x50, s18, s17, $0xb8;
	[tilespmem:$0x1C520] =	vst v63  }
0x93: {  	s6 =	ssub.s32 s9, s6  }
0x94: {  	[spmem:s2] =	stream.indirect.scatter.add.f32 [tilespmem:s21], [sflag:$0x1], $0x50, s20, s17, $0xb8;
	[tilespmem:$0x1C520] =	vst v63  }
0x95: {  	s6 =	smul.u32 $0x50, s6  }
0x96: {  	[spmem:s2] =	stream.indirect.scatter.add.f32 [tilespmem:s23], [sflag:$0x1], $0x50, s22, s17, $0xb8;
	[tilespmem:$0x1C520] =	vst v63  }
0x97: {  	s6 =	sshrl.u32 s6, $0x3  }
0x98: {  	[spmem:s2] =	stream.indirect.scatter.add.f32 [tilespmem:s25], [sflag:$0x1], $0x50, s24, s17, $0xb8;
	[tilespmem:$0x1C520] =	vst v63  }
0x99: {  	s6 =	sadd.s32 s5, s6  }
0x9a: {  	[tilespmem:s26], [sflag:$0x3] =	stream.linear.gather [hbm4b:s6+s3], $0x190, $0x38;
	[tilespmem:$0x1C520] =	vst v63  }
0x9b: {  	_ =	swait.ge [sflag:s14], $0x190  }
0x9c: {  	s8 =	sshrl.u32 s13, $0x3;
	[sflag:s14] =	ssyncset.done $0x0  }
0x9d: {  	s1 =	sadd.s32 s4, s8;
	[sflag:s14] =	ssyncadd.s32 $0xFFFFFE70  }
0x9e: {  	[tilespmem:s28], [sflag:$0x3] =	stream.linear.gather [hbm4b:s1+s3], $0x7D00, $0x38;
	[tilespmem:$0x1C520] =	vst v63  }
0x9f: {  	_ =	swait.ge [sflag:s14], $0x7D00  }
0xa0: {  	s1 =	rddreg [dreg:$0x6]  }
0xa1: {  	s6 =	rddreg [dreg:$0x4]  }
0xa2: {  	[sflag:s14] =	ssyncset.done $0x0;
	s8 =	rddreg [dreg:$0x7]  }
0xa3: {  	s9 =	rddreg [dreg:$0x5];
	[sflag:s14] =	ssyncadd.s32 $0xFFFF8300  }
0xa4: {  	[spmem:s2] =	stream.indirect.scatter.add.f32 [tilespmem:s28], [sflag:$0x2], $0x50, s26, s17, $0xb8;
	[tilespmem:$0x1C520] =	vst v63  }
0xa5: {  	s10 =	rddreg [dreg:$0xa]  }
0xa6: {  	[spmem:s2] =	stream.indirect.scatter.add.f32 [tilespmem:s9], [sflag:$0x2], $0x50, s6, s17, $0xb8;
	[tilespmem:$0x1C520] =	vst v63  }
0xa7: {  	s11 =	rddreg [dreg:$0x8]  }
0xa8: {  	[spmem:s2] =	stream.indirect.scatter.add.f32 [tilespmem:s8], [sflag:$0x2], $0x50, s1, s17, $0xb8;
	[tilespmem:$0x1C520] =	vst v63  }
0xa9: {  	s6 =	rddreg [dreg:$0x9]  }
0xaa: {  	[spmem:s2] =	stream.indirect.scatter.add.f32 [tilespmem:s6], [sflag:$0x2], $0x50, s11, s17, $0xb8;
	[tilespmem:$0x1C520] =	vst v63  }
0xab: {  	s9 =	rddreg [dreg:$0xb]  }
0xac: {  	[spmem:s2] =	stream.indirect.scatter.add.f32 [tilespmem:s9], [sflag:$0x2], $0x50, s10, s17, $0xb8;
	[tilespmem:$0x1C520] =	vst v63  }
0xad: {  	_ =	swait.ge [sflag:s15], $0x1900  }
0xae: {  	[sflag:s15] =	ssyncset.done $0x0  }
0xaf: {  	[sflag:s15] =	ssyncadd.s32 $0xFFFFE700  }
0xb0: {  	_ =	swait.ge [sflag:s15], $0x1900  }
0xb1: {  	[sflag:s15] =	ssyncset.done $0x0  }
0xb2: {  	[sflag:s15] =	ssyncadd.s32 $0xFFFFE700  }
0xb3: {  	_ =	swait.ge [sflag:s15], $0x1900  }
0xb4: {  	[sflag:s15] =	ssyncset.done $0x0  }
0xb5: {  	[sflag:s15] =	ssyncadd.s32 $0xFFFFE700  }
0xb6: {  	_ =	swait.ge [sflag:s15], $0x1900  }
0xb7: {  	[sflag:s15] =	ssyncset.done $0x0  }
0xb8: {  	[sflag:s15] =	ssyncadd.s32 $0xFFFFE700  }
0xb9: {  	_ =	swait.ge [sflag:s15], $0x1900  }
0xba: {  	[sflag:s15] =	ssyncset.done $0x0  }
0xbb: {  	[sflag:s15] =	ssyncadd.s32 $0xFFFFE700  }
0xbc: {  	p0 =	sne.s32 s7, $0xFFFFDDA0;
	_ =	swait.ge [sflag:s29], $0x1900  }
.Ltmp1:
0xbd: {  	s31 =	sadd.s32 $0x320, s31;
	[sflag:s29] =	ssyncset.done $0x0;
	(pc) =	sbr.rel @p0 .LBB2_4-.Ltmp1, $4  }
0xbe: {  	s8 =	sadd.s32 $0xFFFFFE70, s31;
	[sflag:s29] =	ssyncadd.s32 $0xFFFFE700  }
0xbf: {  	s11 =	sshra.s32 s8, $0x1F;
	_ =	swait.ge [sflag:s29], $0x1900  }
0xc0: {  	s7 =	sadd.s32 $0xFFFFFCE0, s7;
	s11 =	smul.u32 $0x66666667, s11;
	[sflag:s29] =	ssyncset.done $0x0  }
0xc1: {  	s10 =	smulhi.u32 $0x66666667, s8;
	s9 =	sshra.s32 s31, $0x1F;
	[sflag:s29] =	ssyncadd.s32 $0xFFFFE700  }
0xc2: {  	_ =	swait.ge [sflag:s29], $0x1900  }
0xc3: {  	[sflag:s29] =	ssyncset.done $0x0  }
0xc4: {  	[sflag:s29] =	ssyncadd.s32 $0xFFFFE700  }
0xc5: {  	_ =	swait.ge [sflag:s29], $0x1900  }
0xc6: {  	s1 =	sadd.s32 s11, s10;
	[sflag:s29] =	ssyncset.done $0x0  }
0xc7: {  	s6 =	sshrl.u32 s1, $0x1F;
	s1 =	sshra.s32 s1, $0x5;
	[sflag:s29] =	ssyncadd.s32 $0xFFFFE700  }
0xc8: {  	s1 =	sadd.s32 s6, s1;
	_ =	swait.ge [sflag:s29], $0x1900  }
0xc9: {  	s6 =	smul.u32 $0xFFFFFFB0, s1;
	s7 =	rddreg [dreg:$0x3]  }
0xca: {  	s0 =	sadd.s32 s0, s7  }
0xcb: {  	p0 =	slt.s32 s8, $0x1;
	p1 =	sne.s32 s0, s6  }
0xcc: {  	p0 =	por !p0, !p1  }
0xcd: {  	s6 =	simm.s32 $0x1;
	p0 =	por !p0, !p0  }
0xce: {  	s6 =	simm.s32 @!p0 $0x0  }
0xcf: {  	s10 =	smul.u32 $0x66666667, s9;
	s1 =	ssub.s32 s1, s6  }
0xd0: {  	s1 =	smul.u32 $0x50, s1  }
0xd1: {  	s8 =	sadd.s32 $0xFA00, s13;
	s11 =	smulhi.u32 $0x66666667, s31;
	[sflag:s29] =	ssyncset.done $0x0  }
0xd2: {  	s9 =	sadd.s32 $0xFFFF8300, s8;
	[sflag:s29] =	ssyncadd.s32 $0xFFFFE700;
	s1 =	sshrl.u32 s1, $0x3  }
0xd3: {  	s7 =	sshrl.u32 s9, $0x3;
	s6 =	sadd.s32 s10, s11;
	s1 =	sadd.s32 s5, s1  }
0xd4: {  	[tilespmem:s16], [sflag:$0x3] =	stream.linear.gather [hbm4b:s1+s3], $0x190, $0x38;
	[tilespmem:$0x1C520] =	vst v63  }
0xd5: {  	s13 =	sshra.s32 s6, $0x5;
	s6 =	sshrl.u32 s6, $0x1F;
	_ =	swait.ge [sflag:s14], $0x190  }
0xd6: {  	s0 =	sadd.s32 $0xFFFFFE70, s0;
	s1 =	sadd.s32 s6, s13;
	[sflag:s14] =	ssyncset.done $0x0  }
0xd7: {  	s10 =	sadd.s32 s4, s7;
	s11 =	smul.u32 $0xFFFFFFB0, s1;
	[sflag:s14] =	ssyncadd.s32 $0xFFFFFE70  }
0xd8: {  	[tilespmem:s3], [sflag:$0x3] =	stream.linear.gather [hbm4b:s10+s3], $0x7D00, $0x38;
	[tilespmem:$0x1C520] =	vst v63  }
0xd9: {  	p5 =	slt.s32 s31, $0x1;
	p6 =	sne.s32 s0, s11;
	_ =	swait.ge [sflag:s14], $0x7D00  }
0xda: {  	p0 =	por !p5, !p6;
	[sflag:s14] =	ssyncset.done $0x0  }
0xdb: {  	s0 =	simm.s32 $0x1;
	p0 =	por !p0, !p0;
	[sflag:s14] =	ssyncadd.s32 $0xFFFF8300  }
0xdc: {  	[spmem:s2] =	stream.indirect.scatter.add.f32 [tilespmem:s3], [sflag:$0x1], $0x50, s16, s17, $0xb8;
	[tilespmem:$0x1C520] =	vst v63  }
0xdd: {  	s0 =	simm.s32 @!p0 $0x0  }
0xde: {  	[spmem:s2] =	stream.indirect.scatter.add.f32 [tilespmem:s19], [sflag:$0x1], $0x50, s18, s17, $0xb8;
	[tilespmem:$0x1C520] =	vst v63  }
0xdf: {  	s0 =	ssub.s32 s1, s0  }
0xe0: {  	[spmem:s2] =	stream.indirect.scatter.add.f32 [tilespmem:s21], [sflag:$0x1], $0x50, s20, s17, $0xb8;
	[tilespmem:$0x1C520] =	vst v63  }
0xe1: {  	s0 =	smul.u32 $0x50, s0  }
0xe2: {  	[spmem:s2] =	stream.indirect.scatter.add.f32 [tilespmem:s23], [sflag:$0x1], $0x50, s22, s17, $0xb8;
	[tilespmem:$0x1C520] =	vst v63  }
0xe3: {  	s0 =	sshrl.u32 s0, $0x3  }
0xe4: {  	[spmem:s2] =	stream.indirect.scatter.add.f32 [tilespmem:s25], [sflag:$0x1], $0x50, s24, s17, $0xb8;
	[tilespmem:$0x1C520] =	vst v63  }
0xe5: {  	s0 =	sadd.s32 s5, s0  }
0xe6: {  	[tilespmem:s26], [sflag:$0x3] =	stream.linear.gather [hbm4b:s0+s3], $0x190, $0x38;
	[tilespmem:$0x1C520] =	vst v63  }
0xe7: {  	_ =	swait.ge [sflag:s14], $0x190  }
0xe8: {  	s13 =	sshrl.u32 s8, $0x3;
	[sflag:s14] =	ssyncset.done $0x0  }
0xe9: {  	s0 =	sadd.s32 s4, s13;
	[sflag:s14] =	ssyncadd.s32 $0xFFFFFE70  }
0xea: {  	[tilespmem:s28], [sflag:$0x3] =	stream.linear.gather [hbm4b:s0+s3], $0x7D00, $0x38;
	[tilespmem:$0x1C520] =	vst v63  }
0xeb: {  	_ =	swait.ge [sflag:s14], $0x7D00  }
0xec: {  	s31 =	rddreg [dreg:$0x6]  }
0xed: {  	s7 =	rddreg [dreg:$0x4]  }
0xee: {  	[sflag:s14] =	ssyncset.done $0x0;
	s8 =	rddreg [dreg:$0x5]  }
0xef: {  	s9 =	rddreg [dreg:$0x7];
	[sflag:s14] =	ssyncadd.s32 $0xFFFF8300  }
0xf0: {  	[spmem:s2] =	stream.indirect.scatter.add.f32 [tilespmem:s28], [sflag:$0x2], $0x50, s26, s17, $0xb8;
	[tilespmem:$0x1C520] =	vst v63  }
0xf1: {  	s10 =	rddreg [dreg:$0x8]  }
0xf2: {  	[spmem:s2] =	stream.indirect.scatter.add.f32 [tilespmem:s8], [sflag:$0x2], $0x50, s7, s17, $0xb8;
	[tilespmem:$0x1C520] =	vst v63  }
0xf3: {  	s11 =	rddreg [dreg:$0x9]  }
0xf4: {  	[spmem:s2] =	stream.indirect.scatter.add.f32 [tilespmem:s9], [sflag:$0x2], $0x50, s31, s17, $0xb8;
	[tilespmem:$0x1C520] =	vst v63  }
0xf5: {  	s13 =	rddreg [dreg:$0xa]  }
0xf6: {  	[spmem:s2] =	stream.indirect.scatter.add.f32 [tilespmem:s11], [sflag:$0x2], $0x50, s10, s17, $0xb8;
	[tilespmem:$0x1C520] =	vst v63  }
0xf7: {  	s31 =	rddreg [dreg:$0xb]  }
0xf8: {  	[spmem:s2] =	stream.indirect.scatter.add.f32 [tilespmem:s31], [sflag:$0x2], $0x50, s13, s17, $0xb8;
	[tilespmem:$0x1C520] =	vst v63  }
0xf9: {  	_ =	swait.ge [sflag:s15], $0x1900  }
0xfa: {  	[sflag:s15] =	ssyncset.done $0x0  }
0xfb: {  	[sflag:s15] =	ssyncadd.s32 $0xFFFFE700  }
0xfc: {  	_ =	swait.ge [sflag:s15], $0x1900  }
0xfd: {  	[sflag:s15] =	ssyncset.done $0x0  }
0xfe: {  	[sflag:s15] =	ssyncadd.s32 $0xFFFFE700  }
0xff: {  	_ =	swait.ge [sflag:s15], $0x1900  }
0x100: {  	[sflag:s15] =	ssyncset.done $0x0  }
0x101: {  	[sflag:s15] =	ssyncadd.s32 $0xFFFFE700  }
0x102: {  	_ =	swait.ge [sflag:s15], $0x1900  }
0x103: {  	[sflag:s15] =	ssyncset.done $0x0  }
0x104: {  	[sflag:s15] =	ssyncadd.s32 $0xFFFFE700  }
0x105: {  	_ =	swait.ge [sflag:s15], $0x1900  }
0x106: {  	[sflag:s15] =	ssyncset.done $0x0  }
0x107: {  	[sflag:s15] =	ssyncadd.s32 $0xFFFFE700  }
0x108: {  	_ =	swait.ge [sflag:s29], $0x1900  }
0x109: {  	[sflag:s29] =	ssyncset.done $0x0  }
0x10a: {  	[sflag:s29] =	ssyncadd.s32 $0xFFFFE700  }
0x10b: {  	_ =	swait.ge [sflag:s29], $0x1900  }
0x10c: {  	[sflag:s29] =	ssyncset.done $0x0  }
0x10d: {  	[sflag:s29] =	ssyncadd.s32 $0xFFFFE700  }
0x10e: {  	_ =	swait.ge [sflag:s29], $0x1900  }
0x10f: {  	[sflag:s29] =	ssyncset.done $0x0  }
0x110: {  	[sflag:s29] =	ssyncadd.s32 $0xFFFFE700  }
0x111: {  	_ =	swait.ge [sflag:s29], $0x1900  }
0x112: {  	[sflag:s29] =	ssyncset.done $0x0  }
0x113: {  	[sflag:s29] =	ssyncadd.s32 $0xFFFFE700  }
0x114: {  	_ =	swait.ge [sflag:s29], $0x1900  }
0x115: {  	[sflag:s29] =	ssyncset.done $0x0  }
0x116: {  	s8 =	rddreg [dreg:$0xe];
	[sflag:s29] =	ssyncadd.s32 $0xFFFFE700  }
0x117: {  	[tilespmem:s16], [sflag:$0x3] =	stream.linear.gather [hbm4b:s8+s3], $0x190, $0x38;
	[tilespmem:$0x1C520] =	vst v63  }
0x118: {  	_ =	swait.ge [sflag:s14], $0x190  }
0x119: {  	[sflag:s14] =	ssyncset.done $0x0  }
0x11a: {  	s9 =	rddreg [dreg:$0xf];
	[sflag:s14] =	ssyncadd.s32 $0xFFFFFE70  }
0x11b: {  	[tilespmem:s3], [sflag:$0x3] =	stream.linear.gather [hbm4b:s9+s3], $0x7D00, $0x38;
	[tilespmem:$0x1C520] =	vst v63  }
0x11c: {  	_ =	swait.ge [sflag:s14], $0x7D00  }
0x11d: {  	[sflag:s14] =	ssyncset.done $0x0  }
0x11e: {  	[sflag:s14] =	ssyncadd.s32 $0xFFFF8300  }
0x11f: {  	[spmem:s2] =	stream.indirect.scatter.add.f32 [tilespmem:s3], [sflag:$0x1], $0x50, s16, s17, $0xb8;
	[tilespmem:$0x1C520] =	vst v63  }
0x120: {  	_ = 	snop  }
0x121: {  	[spmem:s2] =	stream.indirect.scatter.add.f32 [tilespmem:s19], [sflag:$0x1], $0x50, s18, s17, $0xb8;
	[tilespmem:$0x1C520] =	vst v63  }
0x122: {  	_ = 	snop  }
0x123: {  	[spmem:s2] =	stream.indirect.scatter.add.f32 [tilespmem:s21], [sflag:$0x1], $0x50, s20, s17, $0xb8;
	[tilespmem:$0x1C520] =	vst v63  }
0x124: {  	_ = 	snop  }
0x125: {  	[spmem:s2] =	stream.indirect.scatter.add.f32 [tilespmem:s23], [sflag:$0x1], $0x50, s22, s17, $0xb8;
	[tilespmem:$0x1C520] =	vst v63  }
0x126: {  	_ = 	snop  }
0x127: {  	[spmem:s2] =	stream.indirect.scatter.add.f32 [tilespmem:s25], [sflag:$0x1], $0x50, s24, s17, $0xb8;
	[tilespmem:$0x1C520] =	vst v63  }
0x128: {  	_ =	swait.ge [sflag:s15], $0x1900  }
0x129: {  	[sflag:s15] =	ssyncset.done $0x0  }
0x12a: {  	[sflag:s15] =	ssyncadd.s32 $0xFFFFE700  }
0x12b: {  	_ =	swait.ge [sflag:s15], $0x1900  }
0x12c: {  	[sflag:s15] =	ssyncset.done $0x0  }
0x12d: {  	[sflag:s15] =	ssyncadd.s32 $0xFFFFE700  }
0x12e: {  	_ =	swait.ge [sflag:s15], $0x1900  }
0x12f: {  	[sflag:s15] =	ssyncset.done $0x0  }
0x130: {  	[sflag:s15] =	ssyncadd.s32 $0xFFFFE700  }
0x131: {  	_ =	swait.ge [sflag:s15], $0x1900  }
0x132: {  	[sflag:s15] =	ssyncset.done $0x0  }
0x133: {  	[sflag:s15] =	ssyncadd.s32 $0xFFFFE700  }
0x134: {  	_ =	swait.ge [sflag:s15], $0x1900  }
0x135: {  	[sflag:s15] =	ssyncset.done $0x0  }
0x136: {  	[sflag:s15] =	ssyncadd.s32 $0xFFFFE700  }
0x137: {  	s10 =	stileid.u32;
	[bflag:$0x0] =	sbarrier.arrive $0xFFFF  }
0x138: {  	s0 =	sshll.u32 s10, $0x6;
	s6 =	rddreg [dreg:$0xc]  }
0x139: {  	s0 =	sor.u32 $0x1C03, s0;
	s13 =	rddreg [dreg:$0x10];
	s11 =	sshrl.u32 s6, $0x3  }
0x13a: {  	[hbm:s13], [sflag:s0] =	dma.local [spmem:s11], $0x1900  }
0x13b: {  	_ =	swait.ge [sflag:s14], $0x1900  }
0x13c: {  	s30 =	sadd.s32 $0x1, s30;
	s31 =	rddreg [dreg:$0x11]  }
0x13d: {  	p0 =	sne.s32 s30, s31  }
.Ltmp2:
0x13e: {  	_ = 	snop;
	(pc) =	sbr.rel @p0 .LBB2_1-.Ltmp2, $3  }
0x13f: {  	_ =	sdelay $0x1  }
0x140: {  	[sflag:s14] =	ssyncset.done $0x0  }
0x141: {  	[sflag:s14] =	ssyncadd.s32 $0xFFFFE700  }
0x142: {  	_ =	sfence.sel $0x180000  }
0x143: {  	[bflag:$0x0] =	sbarrier.arrive $0xFFFF  }
0x144: {  	_ =	strace $0x9000004A  }
0x145: {  	s0 =	stileid.u32;
	[bflag:$0x2] =	sbarrier.arrive $0xFFFF  }
0x146: {  	p0 =	sne.s32 s0, $0x0;
	s0 =	rddreg [dreg:$0x2]  }
0x147: {  	s0 =	sadd.s32 @!p0 $0x100000, s0  }
0x148: {  	[sflag:s0] =	ssyncadd.tile.s32 @!p0 $0x1;
	_ =	shalt  }
.Lfunc_end2:
_tile_overlayer_lowered:
.L_overlay_start_2:
0x149: {  	(tag) =	ssettag $0x2  }
0x14a: {  	s0 =	rddreg [dreg:$0x0];
	s2 =	stileid.u32  }
0x14b: {  	s1 =	rddreg [dreg:$0x1];
	p0 =	sne.s32 s2, $0x0  }
0x14c: {  	s3 =	rddreg [dreg:$0x2];
	[bflag:$0x3] =	sbarrier.arrive $0xFFFF;
	s2 =	simm.s32 @!p0 $0x1C03  }
0x14d: {  	[timem:s3], [sflag:s2] =	dma.local @!p0 [hbm:s0], s1  }
0x14e: {  	s0 =	simm.s32 @!p0 $0x3  }
0x14f: {  	_ =	swait.ge @!p0 [sflag:s0], s1  }
0x150: {  	s1 =	ssub.s32 @!p0 $0x0, s1;
	[sflag:s0] =	ssyncset.done @!p0 $0x0  }
0x151: {  	[sflag:s0] =	ssyncadd.s32 @!p0 s1  }
0x152: {  	[bflag:$0x3] =	sbarrier.arrive $0xFFFF  }
0x153: {  	_ =	shalt  }

// kernel: kernel.7.cloned.1.call-start
scs
__scs_entry_jumppad:
0x0: {  	(pc) =	sbr.rel $0x88, $3  }
0x1: {  	(tag) =	ssettag $0x0;
	lr =	simm.s32 $0x1  }
0x2: {  	[smem:$0x3F98] =	sst lr;
	_ =	strace $0xD0000000  }
0x3: {  	_ = 	snop  }
0x4: {  	_ = 	snop  }
0x5: {  	_ = 	snop  }
0x6: {  	_ = 	snop  }
0x7: {  	_ = 	snop  }
__scs_overlays_trampoline_lowered:
0x8: {  	[smem:$0x3FA7] =	sst s0  }
0x9: {  	[smem:$0x3FA8] =	sst s1  }
0xa: {  	[smem:$0x3FA9] =	sst s2  }
0xb: {  	[smem:$0x3FAA] =	sst s3  }
0xc: {  	[smem:$0x3FAB] =	sst s4  }
0xd: {  	[smem:$0x3FAC] =	sst s5  }
0xe: {  	[smem:$0x3FAD] =	sst s6  }
0xf: {  	[smem:$0x3FAE] =	sst s7  }
0x10: {  	[smem:$0x3FAF] =	sst s8  }
0x11: {  	[smem:$0x3FB0] =	sst s9;
	s0 =	simm.s32 @!p0 $0x0  }
0x12: {  	s1 =	sld [smem:$0x3F96];
	s0 =	simm.s32 @p0 $0x1  }
0x13: {  	[smem:$0x3FB1] =	sst s0;
	s0 =	simm.s32 @!p1 $0x0  }
0x14: {  	s2 =	sld [smem:$0x3F95];
	s0 =	simm.s32 @p1 $0x1  }
0x15: {  	[smem:$0x3FB2] =	sst s0;
	s0 =	simm.s32 @!p2 $0x0  }
0x16: {  	s3 =	sld [smem:$0x3FDB];
	s0 =	simm.s32 @p2 $0x1  }
0x17: {  	s4 =	simm.s32 $0x1BF5;
	[smem:$0x3FB4] =	sst s0  }
0x18: {  	s0 =	sld [smem:$0x3F97];
	_ =	swait.ge [sflag:s4], $0x0  }
0x19: {  	s7 =	sld [smem:$0x3F98]  }
0x1a: {  	s8 =	sadd.s32 $0xFFFFE003, lr  }
0x1b: {  	s9 =	sadd.s32 $0xFFFFFEF7, lr;
	s5 =	simm.s32 $0xFFFFFFFF;
	p2 =	slt.u32 s8, $0xFFFFF086  }
0x1c: {  	p1 =	slt.u32 s9, $0xF7A;
	s5 =	simm.s32 @!p2 $0x0  }
0x1d: {  	s5 =	simm.s32 @p1 $0x1;
	p0 =	seq.s32 s7, s2  }
0x1e: {  	s7 =	smul.u32 @!p0 $0xF7A, s2;
	p2 =	seq.s32 @!p0 s5, $0x0  }
0x1f: {  	s9 =	smul.u32 $0xF7A, s1;
	s8 =	simm.s32 @!p0 $0x1BF5;
	p2 =	por !p2, p0  }
0x20: {  	[sflag:s8] =	ssyncset.s32 @!p0 $0xFFFFF086;
	s6 =	sadd.s32 @!p0 s3, s7;
	s7 =	simm.s32 @!p0 $0x108  }
0x21: {  	s3 =	sadd.s32 s3, s9;
	s6 =	sadd.s32 @!p0 $0x88, s6;
	s7 =	simm.s32 @p2 $0x1082  }
0x22: {  	[simem:s7], [sflag:s8] =	dma.local @!p0 [hbm:s6], $0xF7A  }
0x23: {  	s9 =	sor.u32 $0xD0000000, s2;
	s6 =	simm.s32 $0x108;
	_ =	swait.ge @!p0 [sflag:s8], $0x0  }
0x24: {  	s3 =	sadd.s32 $0x88, s3;
	s6 =	simm.s32 @!p1 $0x1082;
	[sflag:s4] =	ssyncset.s32 $0xFFFFF086  }
0x25: {  	[simem:s6], [sflag:s4] =	dma.local [hbm:s3], $0xF7A  }
0x26: {  	[smem:$0x3F98] =	sst s1;
	(tag) =	ssettag s2;
	_ =	strace s9  }
0x27: {  	s1 =	sld [smem:$0x3FA8]  }
0x28: {  	s2 =	sld [smem:$0x3FA9]  }
0x29: {  	s4 =	sld [smem:$0x3FAB]  }
0x2a: {  	p0 =	seq.s32 s5, $0x0;
	s5 =	sld [smem:$0x3FAC]  }
0x2b: {  	s6 =	sld [smem:$0x3FAD]  }
0x2c: {  	s7 =	sld [smem:$0x3FAE]  }
0x2d: {  	s3 =	simm.s32 $0x108;
	s8 =	sld [smem:$0x3FAF]  }
0x2e: {  	s3 =	simm.s32 @!p0 $0x1082;
	s9 =	sld [smem:$0x3FB0]  }
0x2f: {  	lr =	sadd.s32 s0, s3;
	s0 =	sld [smem:$0x3FA7]  }
0x30: {  	s3 =	sld [smem:$0x3FAA]  }
0x31: {  	[smem:$0x3FB3] =	sst s10  }
0x32: {  	s10 =	sld [smem:$0x3FB1];
	_ =	sdelay $0x3  }
0x33: {  	p0 =	seq.s32 s10, $0x1;
	s10 =	sld [smem:$0x3FB3];
	_ =	sdelay $0x3  }
0x34: {  	[smem:$0x3FB3] =	sst s10  }
0x35: {  	s10 =	sld [smem:$0x3FB2];
	_ =	sdelay $0x3  }
0x36: {  	p1 =	seq.s32 s10, $0x1;
	s10 =	sld [smem:$0x3FB3];
	_ =	sdelay $0x3  }
0x37: {  	[smem:$0x3FB3] =	sst s10  }
0x38: {  	s10 =	sld [smem:$0x3FB4]  }
0x39: {  	_ = 	snop;
	(pc) =	sbr.ind lr, $3  }
0x3a: {  	_ = 	snop  }
0x3b: {  	_ = 	snop  }
0x3c: {  	p2 =	seq.s32 s10, $0x1;
	s10 =	sld [smem:$0x3FB3]  }
0x3d: {  	_ =	shalt  }
0x3e: {  	_ =	shalt  }
0x3f: {  	_ =	shalt  }
0x40: {  	_ =	shalt  }
0x41: {  	_ =	shalt  }
0x42: {  	_ =	shalt  }
0x43: {  	_ =	shalt  }
0x44: {  	_ =	shalt  }
0x45: {  	_ =	shalt  }
0x46: {  	_ =	shalt  }
0x47: {  	_ =	shalt  }
0x48: {  	_ =	shalt  }
0x49: {  	_ =	shalt  }
0x4a: {  	_ =	shalt  }
0x4b: {  	_ =	shalt  }
0x4c: {  	_ =	shalt  }
0x4d: {  	_ =	shalt  }
0x4e: {  	_ =	shalt  }
0x4f: {  	_ =	shalt  }
0x50: {  	_ =	shalt  }
0x51: {  	_ =	shalt  }
0x52: {  	_ =	shalt  }
0x53: {  	_ =	shalt  }
0x54: {  	_ =	shalt  }
0x55: {  	_ =	shalt  }
0x56: {  	_ =	shalt  }
0x57: {  	_ =	shalt  }
0x58: {  	_ =	shalt  }
0x59: {  	_ =	shalt  }
0x5a: {  	_ =	shalt  }
0x5b: {  	_ =	shalt  }
0x5c: {  	_ =	shalt  }
0x5d: {  	_ =	shalt  }
0x5e: {  	_ =	shalt  }
0x5f: {  	_ =	shalt  }
0x60: {  	_ =	shalt  }
0x61: {  	_ =	shalt  }
0x62: {  	_ =	shalt  }
0x63: {  	_ =	shalt  }
0x64: {  	_ =	shalt  }
0x65: {  	_ =	shalt  }
0x66: {  	_ =	shalt  }
0x67: {  	_ =	shalt  }
0x68: {  	_ =	shalt  }
0x69: {  	_ =	shalt  }
0x6a: {  	_ =	shalt  }
0x6b: {  	_ =	shalt  }
0x6c: {  	_ =	shalt  }
0x6d: {  	_ =	shalt  }
0x6e: {  	_ =	shalt  }
0x6f: {  	_ =	shalt  }
0x70: {  	_ =	shalt  }
0x71: {  	_ =	shalt  }
0x72: {  	_ =	shalt  }
0x73: {  	_ =	shalt  }
0x74: {  	_ =	shalt  }
0x75: {  	_ =	shalt  }
0x76: {  	_ =	shalt  }
0x77: {  	_ =	shalt  }
0x78: {  	_ =	shalt  }
0x79: {  	_ =	shalt  }
0x7a: {  	_ =	shalt  }
0x7b: {  	_ =	shalt  }
0x7c: {  	_ =	shalt  }
0x7d: {  	_ =	shalt  }
0x7e: {  	_ =	shalt  }
0x7f: {  	_ =	shalt  }
0x80: {  	_ =	shalt  }
0x81: {  	_ =	shalt  }
0x82: {  	_ =	shalt  }
0x83: {  	_ =	shalt  }
0x84: {  	_ =	shalt  }
0x85: {  	_ =	shalt  }
0x86: {  	_ =	shalt  }
0x87: {  	_ =	shalt  }
.Lfunc_end0:
.L_simem_size_0:
called_computation_lowered:
.L_overlay_start_0:
0x88: {  	s2 =	sld [smem:$0x3FD9]  }
0x89: {  	s3 =	sld [smem:$0x3FFE];
	_ =	sdelay $0x1  }
0x8a: {  	s1 =	srdreg.scid  }
0x8b: {  	s0 =	sand.u32 $0x1, s1  }
0x8c: {  	s17 =	sshll.u32 s0, $0xA;
	s2 =	sadd.s32 s3, s2  }
0x8d: {  	s2 =	sadd.s32 s2, s17  }
0x8e: {  	[smem:$0x3FBF] =	sst s2  }
0x8f: {  	_ = 	snop  }
0x90: {  	s2 =	sld [smem:$0x3FD0];
	(tm) =	ssettm $0x1  }
0x91: {  	s18 =	sld [smem:$0x3FFB];
	_ =	sdelay $0x3  }
0x92: {  	_ =	strace s18  }
0x93: {  	s3 =	sld [smem:$0x3FFC];
	_ =	sdelay $0x3  }
0x94: {  	_ =	strace s3  }
0x95: {  	s3 =	sld [smem:$0x3FFD];
	_ =	sdelay $0x3  }
0x96: {  	_ =	strace s3  }
0x97: {  	_ =	strace $0x8FFFFFFF  }
0x98: {  	s19 =	sld [smem:$0x3FDB];
	_ =	sdelay $0x1  }
0x99: {  	s4 =	simm.s32 $_scs_section_size  }
0x9a: {  	s5 =	simm.s32 $_size__tile_overlayer_lowered;
	s6 =	simm.s32 $_tile_overlayer_lowered  }
0x9b: {  	s22 =	simm.s32 $0x1BFF;
	s21 =	sshll.u32 s6, $0x1;
	s3 =	sadd.s32 s4, s19  }
0x9c: {  	s7 =	simm.s32 $0x0;
	s20 =	sshll.u32 s5, $0x1;
	s5 =	sadd.s32 s21, s3  }
0x9d: {  	[timem:s7], [sflag:s22] =	dma.local [hbm:s5], s20  }
0x9e: {  	_ =	swait.ge [sflag:s22], s20  }
0x9f: {  	s4 =	ssub.s32 $0x0, s20;
	[sflag:s22] =	ssyncset.done $0x0  }
0xa0: {  	[sflag:s22] =	ssyncadd.s32 s4;
	_ =	sdelay $0x1  }
0xa1: {  	s23 =	simm.s32 $0x1B8B  }
0xa2: {  	_ =	swait.ge [sflag:s23], $0x1  }
0xa3: {  	[sflag:s23] =	ssyncset.done $0x0  }
0xa4: {  	s25 =	simm.s32 $0x1B8E;
	s24 =	sld [smem:$0x3FFE];
	[sflag:s23] =	ssyncadd.s32 $0xFFFFFFFF  }
0xa5: {  	s26 =	simm.s32 $execute0_lowered;
	[smem:$0x3FD2] =	sst s25  }
0xa6: {  	s5 =	sshll.u32 s26, $0x1;
	_ =	strace $0x80000046;
	[dreg:$0x1] =	wrdreg $0xFFFFFFFF  }
0xa7: {  	s28 =	simm.s32 $_size_execute0_lowered;
	s3 =	sadd.s32 s3, s5;
	[dreg:$0x0] =	wrdreg $0x0  }
0xa8: {  	s5 =	sshll.u32 s28, $0x1;
	[dreg:$0x2] =	wrdreg s3  }
0xa9: {  	[dreg:$0x3] =	wrdreg s5  }
0xaa: {  	[dreg:$0x4] =	wrdreg $0xC0  }
0xab: {  	_ =	task [dreg:s7], $0x5FFFF  }
0xac: {  	[dreg:$0x1] =	wrdreg $0xFFFFFFFF  }
0xad: {  	[dreg:$0x0] =	wrdreg $0x60  }
0xae: {  	[dreg:$0x2] =	wrdreg s2  }
0xaf: {  	[dreg:$0x3] =	wrdreg s24  }
0xb0: {  	[dreg:$0x4] =	wrdreg $0x9  }
0xb1: {  	_ =	task.clear_ibuf [dreg:s7], $0x5FFFF;
	_ =	strace $0x90000046  }
0xb2: {  	s29 =	simm.s32 $0x9;
	_ =	strace $0x80000048  }
0xb3: {  	_ =	swait.ge [sflag:s29], $0x1  }
0xb4: {  	[sflag:s29] =	ssyncadd.s32 $0xFFFFFFFF  }
0xb5: {  	_ =	strace $0x90000048  }
0xb6: {  	_ =	sfence  }
0xb7: {  	s30 =	sld [smem:$0x0];
	_ =	sdelay $0x2  }
0xb8: {  	s31 =	sshll.u32 s1, $0xD;
	s1 =	sshrl.u32 s1, $0x2  }
0xb9: {  	s3 =	sand.u32 $0x4000, s31;
	s1 =	sadd.s32 s1, s30  }
0xba: {  	s0 =	sor.u32 s3, s0;
	s1 =	sshll.u32 s1, $0x11  }
0xbb: {  	s0 =	sor.u32 s1, s0  }
0xbc: {  	s0 =	sadd.s32 $0x8F2B, s0  }
0xbd: {  	[sflag:s0] =	ssyncadd.remote.s32 $0x1  }
0xbe: {  	_ =	sfence.sel $0xFFFF  }
0xbf: {  	[dreg:$0x0] =	wrdreg $0xFFFFFFFF;
	(pc) =	sbr.abs _section_cstart, $3  }
0xc0: {  	[dreg:$0x1] =	wrdreg $0xFFFFFFFF  }
0xc1: {  	_ =	task.clear_ibuf [dreg:s7], $0x2FFFF;
	_ =	strace $0x9FFFFFFF  }
0xc2: {  	(tm) =	ssettm $0x7FFFFFFF  }
0xc3: {  	_ =	shalt  }
tec
execute0_lowered:
.L_overlay_start_1:
0x0: {  	(tag) =	ssettag $0x1  }
0x1: {  	s8 =	rddreg [dreg:$0x1];
	s31 =	simm.s32 $0x0  }
0x2: {  	[smem:$0x7FF] =	sst s31;
	s5 =	sadd.s32 $0x2C00, s8  }
0x3: {  	s14 =	simm.s32 $0xCB70;
	_ =	strace $0x80000047;
	[dreg:$0x14] =	wrdreg s5  }
0x4: {  	s15 =	simm.s32 $0xE240;
	[dreg:$0x4] =	wrdreg s14  }
0x5: {  	s7 =	sadd.s32 $0x29B200, s8;
	[dreg:$0x5] =	wrdreg s15  }
0x6: {  	s16 =	simm.s32 $0xCD00;
	[dreg:$0x16] =	wrdreg s7  }
0x7: {  	s3 =	sadd.s32 $0x2A200, s8;
	[dreg:$0x6] =	wrdreg s16  }
0x8: {  	s18 =	simm.s32 $0x14640;
	[dreg:$0x17] =	wrdreg s3  }
0x9: {  	s19 =	simm.s32 $0xCBC0;
	[dreg:$0x7] =	wrdreg s18  }
0xa: {  	s20 =	simm.s32 $0xF640;
	[dreg:$0x8] =	wrdreg s19  }
0xb: {  	s21 =	simm.s32 $0xCD50;
	[dreg:$0x9] =	wrdreg s20  }
0xc: {  	s22 =	simm.s32 $0x15A40;
	[dreg:$0xa] =	wrdreg s21  }
0xd: {  	s0 =	srdreg.scid;
	s23 =	simm.s32 $0xCC10;
	[dreg:$0xb] =	wrdreg s22  }
0xe: {  	s2 =	stileid.u32;
	s24 =	simm.s32 $0x10A40;
	[dreg:$0xc] =	wrdreg s23  }
0xf: {  	s25 =	simm.s32 $0xCDA0;
	s26 =	simm.s32 $0x16E40;
	[dreg:$0xd] =	wrdreg s24  }
0x10: {  	s28 =	simm.s32 $0xCC60;
	s29 =	simm.s32 $0x11E40;
	[dreg:$0xe] =	wrdreg s25  }
0x11: {  	s30 =	simm.s32 $0xCDF0;
	s0 =	sand.u32 $0x1, s0;
	[dreg:$0xf] =	wrdreg s26  }
0x12: {  	s31 =	simm.s32 $0x18240;
	s1 =	sshll.u32 s0, $0x4;
	[dreg:$0x10] =	wrdreg s28  }
0x13: {  	s0 =	ssub.s32 $0x2, s0;
	s16 =	simm.s32 $0x1;
	[dreg:$0x11] =	wrdreg s29  }
0x14: {  	s19 =	simm.s32 $0x50;
	[dreg:$0x12] =	wrdreg s30;
	s1 =	sor.u32 s2, s1  }
0x15: {  	[dreg:$0x13] =	wrdreg s31;
	s12 =	sshrl.u32 s0, $0x1;
	s9 =	smul.u32 $0x2710, s1  }
0x16: {  	s2 =	sadd.s32 $0xCA00, s8;
	s13 =	smul.u32 $0xFFFFD8F0, s1;
	s0 =	ssub.s32 s0, s12  }
0x17: {  	[dreg:$0x15] =	wrdreg s2;
	s1 =	smul.u32 $0x13880, s1;
	s10 =	sadd.s32 $0x2580, s9  }
0x18: {  	s0 =	smax.u32 s0, $0x1;
	[dreg:$0x3] =	wrdreg s13;
	s4 =	smulhi.u32 $0xCCCCCCCD, s10  }
0x19: {  	s20 =	simm.s32 $0xCE40;
	[dreg:$0x1c] =	wrdreg s0;
	s9 =	sadd.s32 $0x190, s9  }
0x1a: {  	s1 =	sadd.s32 $0xC80, s1;
	s10 =	sshll.u32 s10, $0x3;
	s6 =	sshrl.u32 s4, $0x6  }
0x1b: {  	[dreg:$0x1d] =	wrdreg s9;
	s10 =	sand.u32 $0x1FFFFF80, s10;
	s11 =	smul.u32 $0x50, s6  }
0x1c: {  	s22 =	simm.s32 $0x13240;
	[dreg:$0x1e] =	wrdreg s1;
	s17 =	sadd.s32 s7, s10  }
0x1d: {  	s10 =	sadd.s32 s3, s10;
	[dreg:$0x1a] =	wrdreg s17;
	s11 =	sshrl.u32 s11, $0x3  }
0x1e: {  	s4 =	sadd.s32 $0x16800, s8;
	[dreg:$0x1b] =	wrdreg s10;
	s8 =	sadd.s32 s5, s11  }
0x1f: {  	s23 =	simm.s32 $0x2;
	s11 =	sadd.s32 s2, s11;
	[dreg:$0x18] =	wrdreg s8  }
0x20: {  	s1 =	simm.s32 $0x0;
	s17 =	simm.s32 $0x3;
	[dreg:$0x19] =	wrdreg s11  }
.LBB2_1:
0x21: {  	s11 =	rddreg [dreg:$0x1d]  }
0x22: {  	s0 =	sadd.s32 $0xFFFFFE70, s11  }
0x23: {  	s6 =	smulhi.u32 $0x66666667, s0;
	s9 =	sshra.s32 s0, $0x1F  }
0x24: {  	s9 =	smul.u32 $0x66666667, s9;
	_ =	sdelay $0x1  }
0x25: {  	[dreg:$0x1f] =	wrdreg s1;
	s1 =	sadd.s32 s9, s6  }
0x26: {  	s9 =	sshra.s32 s1, $0x5;
	s1 =	sshrl.u32 s1, $0x1F  }
0x27: {  	s1 =	sadd.s32 s1, s9  }
0x28: {  	s10 =	rddreg [dreg:$0x3];
	s9 =	smul.u32 $0xFFFFFFB0, s1  }
0x29: {  	s10 =	sadd.s32 $0x0, s10  }
0x2a: {  	p0 =	slt.s32 s0, $0x1;
	p1 =	sne.s32 s10, s9  }
0x2b: {  	p0 =	por !p0, !p1  }
0x2c: {  	s0 =	simm.s32 $0x1;
	p0 =	por !p0, !p0  }
0x2d: {  	s0 =	simm.s32 @!p0 $0x0  }
0x2e: {  	s0 =	ssub.s32 s1, s0  }
0x2f: {  	s0 =	smul.u32 $0x50, s0;
	_ =	sdelay $0x1  }
0x30: {  	s14 =	rddreg [dreg:$0x14];
	s0 =	sshrl.u32 s0, $0x3  }
0x31: {  	s2 =	simm.s32 $0x0;
	s7 =	sadd.s32 s14, s0  }
0x32: {  	[tilespmem:s2], [sflag:$0x3] =	stream.linear.gather [hbm4b:s7+s2], $0x190, $0x38;
	[tilespmem:$0x19640] =	vst v63  }
0x33: {  	s8 =	smulhi.u32 $0x66666667, s11;
	s12 =	sshra.s32 s11, $0x1F;
	_ =	swait.ge [sflag:s17], $0x190  }
0x34: {  	s9 =	smul.u32 $0x66666667, s12;
	[sflag:s17] =	ssyncset.done $0x0;
	s6 =	rddreg [dreg:$0x15]  }
0x35: {  	s12 =	simm.s32 $0x190;
	s0 =	sadd.s32 s6, s0;
	[sflag:s17] =	ssyncadd.s32 $0xFFFFFE70  }
0x36: {  	[tilespmem:s12], [sflag:$0x3] =	stream.linear.gather [hbm4b:s0+s2], $0x190, $0x38;
	[tilespmem:$0x19640] =	vst v63  }
0x37: {  	_ =	swait.ge [sflag:s17], $0x190  }
0x38: {  	s13 =	sadd.s32 s9, s8;
	[sflag:s17] =	ssyncset.done $0x0  }
0x39: {  	s5 =	simm.s32 $0x6720;
	s1 =	sshra.s32 s13, $0x5;
	[sflag:s17] =	ssyncadd.s32 $0xFFFFFE70  }
0x3a: {  	s0 =	sshrl.u32 s13, $0x1F;
	s13 =	simm.s32 $0x320;
	s3 =	rddreg [dreg:$0x0]  }
0x3b: {  	[tilespmem:s13], [sflag:$0x1] =	stream.indirect.gather [hbm4b:s3+s19], $0x40, s2, s19, $0xb8;
	[tilespmem:$0x19640] =	vst v63  }
0x3c: {  	s18 =	simm.s32 $0x1720;
	s21 =	simm.s32 $0x1E0;
	s0 =	sadd.s32 s0, s1  }
0x3d: {  	[tilespmem:s5], [sflag:$0x1] =	stream.indirect.gather [hbm4b:s4+s19], $0x40, s12, s19, $0xb8;
	[tilespmem:$0x19640] =	vst v63  }
0x3e: {  	s24 =	simm.s32 $0x7B20;
	s15 =	sadd.s32 $0xFFFFFE70, s10;
	s1 =	smul.u32 $0xFFFFFFB0, s0  }
0x3f: {  	[tilespmem:s18], [sflag:$0x1] =	stream.indirect.gather [hbm4b:s3+s19], $0x40, s19, s19, $0xb8;
	[tilespmem:$0x19640] =	vst v63  }
0x40: {  	s25 =	simm.s32 $0xA0;
	p5 =	slt.s32 s11, $0x1;
	p6 =	sne.s32 s15, s1  }
0x41: {  	[tilespmem:s24], [sflag:$0x1] =	stream.indirect.gather [hbm4b:s4+s19], $0x40, s21, s19, $0xb8;
	[tilespmem:$0x19640] =	vst v63  }
0x42: {  	s26 =	simm.s32 $0x2B20;
	s8 =	simm.s32 $0x8F20;
	p0 =	por !p5, !p6  }
0x43: {  	[tilespmem:s26], [sflag:$0x1] =	stream.indirect.gather [hbm4b:s3+s19], $0x40, s25, s19, $0xb8;
	[tilespmem:$0x19640] =	vst v63  }
0x44: {  	s7 =	simm.s32 $0x230;
	s1 =	simm.s32 $0x1;
	p0 =	por !p0, !p0  }
0x45: {  	[tilespmem:s8], [sflag:$0x1] =	stream.indirect.gather [hbm4b:s4+s19], $0x40, s7, s19, $0xb8;
	[tilespmem:$0x19640] =	vst v63  }
0x46: {  	s10 =	simm.s32 $0xF0;
	s1 =	simm.s32 @!p0 $0x0;
	s12 =	simm.s32 $0x3F20  }
0x47: {  	[tilespmem:s12], [sflag:$0x1] =	stream.indirect.gather [hbm4b:s3+s19], $0x40, s10, s19, $0xb8;
	[tilespmem:$0x19640] =	vst v63  }
0x48: {  	s15 =	simm.s32 $0x280;
	s0 =	ssub.s32 s0, s1;
	s18 =	simm.s32 $0xA320  }
0x49: {  	[tilespmem:s18], [sflag:$0x1] =	stream.indirect.gather [hbm4b:s4+s19], $0x40, s15, s19, $0xb8;
	[tilespmem:$0x19640] =	vst v63  }
0x4a: {  	s0 =	smul.u32 $0x50, s0;
	s21 =	simm.s32 $0x140;
	s24 =	simm.s32 $0x5320  }
0x4b: {  	[tilespmem:s24], [sflag:$0x1] =	stream.indirect.gather [hbm4b:s3+s19], $0x40, s21, s19, $0xb8;
	[tilespmem:$0x19640] =	vst v63  }
0x4c: {  	s0 =	sshrl.u32 s0, $0x3;
	s25 =	simm.s32 $0x2D0;
	s26 =	simm.s32 $0xB720  }
0x4d: {  	[tilespmem:s26], [sflag:$0x1] =	stream.indirect.gather [hbm4b:s4+s19], $0x40, s25, s19, $0xb8;
	[tilespmem:$0x19640] =	vst v63  }
0x4e: {  	s7 =	sadd.s32 s14, s0;
	s8 =	simm.s32 $0xCB20  }
0x4f: {  	[tilespmem:s8], [sflag:$0x3] =	stream.linear.gather [hbm4b:s7+s2], $0x190, $0x38;
	[tilespmem:$0x19640] =	vst v63  }
0x50: {  	_ =	swait.ge [sflag:s17], $0x190  }
0x51: {  	[sflag:s17] =	ssyncset.done $0x0  }
0x52: {  	s9 =	simm.s32 $0xCCB0;
	s0 =	sadd.s32 s6, s0;
	[sflag:s17] =	ssyncadd.s32 $0xFFFFFE70  }
0x53: {  	[tilespmem:s9], [sflag:$0x3] =	stream.linear.gather [hbm4b:s0+s2], $0x190, $0x38;
	[tilespmem:$0x19640] =	vst v63  }
0x54: {  	_ =	swait.ge [sflag:s17], $0x190  }
0x55: {  	s10 =	rddreg [dreg:$0x8]  }
0x56: {  	s15 =	rddreg [dreg:$0xd]  }
0x57: {  	s18 =	rddreg [dreg:$0x6]  }
0x58: {  	s21 =	rddreg [dreg:$0xf]  }
0x59: {  	s24 =	rddreg [dreg:$0x9]  }
0x5a: {  	s25 =	rddreg [dreg:$0x4];
	[sflag:s17] =	ssyncset.done $0x0  }
0x5b: {  	s26 =	rddreg [dreg:$0x5];
	[sflag:s17] =	ssyncadd.s32 $0xFFFFFE70  }
0x5c: {  	[tilespmem:s20], [sflag:$0x2] =	stream.indirect.gather [hbm4b:s3+s19], $0x40, s8, s19, $0xb8;
	[tilespmem:$0x19640] =	vst v63  }
0x5d: {  	s28 =	rddreg [dreg:$0x7]  }
0x5e: {  	[tilespmem:s22], [sflag:$0x2] =	stream.indirect.gather [hbm4b:s4+s19], $0x40, s9, s19, $0xb8;
	[tilespmem:$0x19640] =	vst v63  }
0x5f: {  	s29 =	rddreg [dreg:$0xb]  }
0x60: {  	[tilespmem:s26], [sflag:$0x2] =	stream.indirect.gather [hbm4b:s3+s19], $0x40, s25, s19, $0xb8;
	[tilespmem:$0x19640] =	vst v63  }
0x61: {  	s30 =	rddreg [dreg:$0xa]  }
0x62: {  	[tilespmem:s28], [sflag:$0x2] =	stream.indirect.gather [hbm4b:s4+s19], $0x40, s18, s19, $0xb8;
	[tilespmem:$0x19640] =	vst v63  }
0x63: {  	s6 =	rddreg [dreg:$0xe]  }
0x64: {  	[tilespmem:s24], [sflag:$0x2] =	stream.indirect.gather [hbm4b:s3+s19], $0x40, s10, s19, $0xb8;
	[tilespmem:$0x19640] =	vst v63  }
0x65: {  	s7 =	rddreg [dreg:$0x11]  }
0x66: {  	[tilespmem:s29], [sflag:$0x2] =	stream.indirect.gather [hbm4b:s4+s19], $0x40, s30, s19, $0xb8;
	[tilespmem:$0x19640] =	vst v63  }
0x67: {  	s26 =	rddreg [dreg:$0xc]  }
0x68: {  	[tilespmem:s15], [sflag:$0x2] =	stream.indirect.gather [hbm4b:s3+s19], $0x40, s26, s19, $0xb8;
	[tilespmem:$0x19640] =	vst v63  }
0x69: {  	s12 =	rddreg [dreg:$0x12]  }
0x6a: {  	[tilespmem:s21], [sflag:$0x2] =	stream.indirect.gather [hbm4b:s4+s19], $0x40, s6, s19, $0xb8;
	[tilespmem:$0x19640] =	vst v63  }
0x6b: {  	s8 =	rddreg [dreg:$0x10]  }
0x6c: {  	[tilespmem:s7], [sflag:$0x2] =	stream.indirect.gather [hbm4b:s3+s19], $0x40, s8, s19, $0xb8;
	[tilespmem:$0x19640] =	vst v63  }
0x6d: {  	s14 =	rddreg [dreg:$0x13]  }
0x6e: {  	[tilespmem:s14], [sflag:$0x2] =	stream.indirect.gather [hbm4b:s4+s19], $0x40, s12, s19, $0xb8;
	[tilespmem:$0x19640] =	vst v63  }
0x6f: {  	_ =	swait.ge [sflag:s16], $0x1400  }
0x70: {  	[sflag:s16] =	ssyncset.done $0x0  }
0x71: {  	[sflag:s16] =	ssyncadd.s32 $0xFFFFEC00  }
0x72: {  	_ =	swait.ge [sflag:s16], $0x1400  }
0x73: {  	[sflag:s16] =	ssyncset.done $0x0  }
0x74: {  	[sflag:s16] =	ssyncadd.s32 $0xFFFFEC00  }
0x75: {  	_ =	swait.ge [sflag:s16], $0x1400  }
0x76: {  	[sflag:s16] =	ssyncset.done $0x0  }
0x77: {  	[sflag:s16] =	ssyncadd.s32 $0xFFFFEC00  }
0x78: {  	_ =	swait.ge [sflag:s16], $0x1400  }
0x79: {  	[sflag:s16] =	ssyncset.done $0x0  }
0x7a: {  	[sflag:s16] =	ssyncadd.s32 $0xFFFFEC00  }
0x7b: {  	_ =	swait.ge [sflag:s16], $0x1400  }
0x7c: {  	[sflag:s16] =	ssyncset.done $0x0  }
0x7d: {  	[sflag:s16] =	ssyncadd.s32 $0xFFFFEC00  }
0x7e: {  	_ =	swait.ge [sflag:s16], $0x1400  }
0x7f: {  	[sflag:s16] =	ssyncset.done $0x0  }
0x80: {  	[sflag:s16] =	ssyncadd.s32 $0xFFFFEC00  }
0x81: {  	_ =	swait.ge [sflag:s16], $0x1400  }
0x82: {  	[sflag:s16] =	ssyncset.done $0x0  }
0x83: {  	[sflag:s16] =	ssyncadd.s32 $0xFFFFEC00  }
0x84: {  	_ =	swait.ge [sflag:s16], $0x1400  }
0x85: {  	[sflag:s16] =	ssyncset.done $0x0  }
0x86: {  	[sflag:s16] =	ssyncadd.s32 $0xFFFFEC00  }
0x87: {  	_ =	swait.ge [sflag:s16], $0x1400  }
0x88: {  	[sflag:s16] =	ssyncset.done $0x0  }
0x89: {  	s24 =	rddreg [dreg:$0x1e];
	[sflag:s16] =	ssyncadd.s32 $0xFFFFEC00  }
0x8a: {  	s15 =	sadd.s32 $0xFFFFF380, s24;
	_ =	swait.ge [sflag:s16], $0x1400  }
0x8b: {  	s0 =	sand.u32 $0x1FFFFF80, s15;
	[sflag:s16] =	ssyncset.done $0x0;
	s18 =	rddreg [dreg:$0x16]  }
0x8c: {  	s20 =	sadd.s32 s18, s0;
	[sflag:s16] =	ssyncadd.s32 $0xFFFFEC00  }
0x8d: {  	[hbm4b:s20+s2] =	stream.linear.scatter [tilespmem:s13], [sflag:$0x3], $0x6400, $0x38;
	[tilespmem:$0x19640] =	vst v63  }
0x8e: {  	_ =	swait.ge [sflag:s17], $0x6400  }
0x8f: {  	[sflag:s17] =	ssyncset.done $0x0;
	s21 =	rddreg [dreg:$0x17]  }
0x90: {  	s0 =	sadd.s32 s21, s0;
	[sflag:s17] =	ssyncadd.s32 $0xFFFF9C00  }
0x91: {  	[hbm4b:s0+s2] =	stream.linear.scatter [tilespmem:s5], [sflag:$0x3], $0x6400, $0x38;
	[tilespmem:$0x19640] =	vst v63  }
0x92: {  	_ =	swait.ge [sflag:s17], $0x6400  }
0x93: {  	[sflag:s17] =	ssyncset.done $0x0  }
0x94: {  	[sflag:s17] =	ssyncadd.s32 $0xFFFF9C00  }
0x95: {  	_ =	swait.ge [sflag:s23], $0x1400  }
0x96: {  	[sflag:s23] =	ssyncset.done $0x0  }
0x97: {  	[sflag:s23] =	ssyncadd.s32 $0xFFFFEC00  }
0x98: {  	_ =	swait.ge [sflag:s23], $0x1400  }
0x99: {  	[sflag:s23] =	ssyncset.done $0x0  }
0x9a: {  	[sflag:s23] =	ssyncadd.s32 $0xFFFFEC00  }
0x9b: {  	_ =	swait.ge [sflag:s23], $0x1400  }
0x9c: {  	[sflag:s23] =	ssyncset.done $0x0  }
0x9d: {  	[sflag:s23] =	ssyncadd.s32 $0xFFFFEC00  }
0x9e: {  	_ =	swait.ge [sflag:s23], $0x1400  }
0x9f: {  	[sflag:s23] =	ssyncset.done $0x0  }
0xa0: {  	[sflag:s23] =	ssyncadd.s32 $0xFFFFEC00  }
0xa1: {  	_ =	swait.ge [sflag:s23], $0x1400  }
0xa2: {  	[sflag:s23] =	ssyncset.done $0x0  }
0xa3: {  	[sflag:s23] =	ssyncadd.s32 $0xFFFFEC00  }
0xa4: {  	_ =	swait.ge [sflag:s23], $0x1400  }
0xa5: {  	[sflag:s23] =	ssyncset.done $0x0  }
0xa6: {  	[sflag:s23] =	ssyncadd.s32 $0xFFFFEC00  }
0xa7: {  	_ =	swait.ge [sflag:s23], $0x1400  }
0xa8: {  	s25 =	sadd.s32 $0x320, s11;
	[sflag:s23] =	ssyncset.done $0x0  }
0xa9: {  	s5 =	sadd.s32 $0xFFFFFE70, s25;
	[sflag:s23] =	ssyncadd.s32 $0xFFFFEC00  }
0xaa: {  	s22 =	smulhi.u32 $0x66666667, s5;
	s26 =	sshra.s32 s5, $0x1F;
	_ =	swait.ge [sflag:s23], $0x1400  }
0xab: {  	s31 =	sand.u32 $0x1FFFFF80, s24;
	s1 =	smul.u32 $0x66666667, s26;
	[sflag:s23] =	ssyncset.done $0x0  }
0xac: {  	s30 =	simm.s32 $0xFFFFFCE0;
	s10 =	sadd.s32 s18, s31;
	[sflag:s23] =	ssyncadd.s32 $0xFFFFEC00  }
0xad: {  	s0 =	sadd.s32 $0x320, s25;
	s28 =	sadd.s32 s1, s22;
	_ =	swait.ge [sflag:s23], $0x1400  }
0xae: {  	s1 =	simm.s32 $0xFFFFF9C0;
	s29 =	sshra.s32 s28, $0x5;
	[sflag:s23] =	ssyncset.done $0x0  }
.LBB2_2:
0xaf: {  	s11 =	smulhi.u32 $0x66666667, s25  }
0xb0: {  	[sflag:s23] =	ssyncadd.s32 $0xFFFFEC00;
	s12 =	sadd.s32 $0xFFFFFE70, s0;
	s18 =	sshra.s32 s25, $0x1F  }
0xb1: {  	s7 =	simm.s32 $0xCE40;
	s2 =	simm.s32 $0x0;
	_ =	swait.ge [sflag:s23], $0x1400  }
0xb2: {  	s22 =	sshrl.u32 s28, $0x1F;
	s20 =	smulhi.u32 $0x66666667, s12;
	[sflag:s23] =	ssyncset.done $0x0  }
0xb3: {  	s21 =	sshra.s32 s12, $0x1F;
	s18 =	smul.u32 $0x66666667, s18;
	[sflag:s23] =	ssyncadd.s32 $0xFFFFEC00  }
0xb4: {  	[hbm4b:s10+s2] =	stream.linear.scatter [tilespmem:s7], [sflag:$0x3], $0x6400, $0x38;
	[tilespmem:$0x19640] =	vst v63  }
0xb5: {  	s3 =	rddreg [dreg:$0x17];
	s8 =	smul.u32 $0x66666667, s21;
	_ =	swait.ge [sflag:s17], $0x6400  }
0xb6: {  	s13 =	sadd.s32 s3, s31;
	s11 =	sadd.s32 s18, s11;
	[sflag:s17] =	ssyncset.done $0x0  }
0xb7: {  	s10 =	sadd.s32 s8, s20;
	s8 =	simm.s32 $0x13240;
	[sflag:s17] =	ssyncadd.s32 $0xFFFF9C00  }
0xb8: {  	[hbm4b:s13+s2] =	stream.linear.scatter [tilespmem:s8], [sflag:$0x3], $0x6400, $0x38;
	[tilespmem:$0x19640] =	vst v63  }
0xb9: {  	s18 =	sshra.s32 s11, $0x5;
	s20 =	sadd.s32 s22, s29;
	_ =	swait.ge [sflag:s17], $0x6400  }
0xba: {  	s11 =	sshrl.u32 s11, $0x1F;
	s15 =	smul.u32 $0xFFFFFFB0, s20;
	s26 =	rddreg [dreg:$0x3]  }
0xbb: {  	p1 =	slt.s32 s5, $0x1;
	s11 =	sadd.s32 s11, s18;
	s6 =	sadd.s32 s30, s26  }
0xbc: {  	s14 =	sshra.s32 s10, $0x5;
	s18 =	smul.u32 $0xFFFFFFB0, s11;
	p2 =	sne.s32 s6, s15  }
0xbd: {  	s28 =	smov.u32 s10;
	s10 =	sadd.s32 $0xFFFFFE70, s6;
	p1 =	por !p1, !p2  }
0xbe: {  	p3 =	sne.s32 s10, s18;
	s10 =	simm.s32 $0x1;
	p1 =	por !p1, !p1  }
0xbf: {  	s10 =	simm.s32 @!p1 $0x0  }
0xc0: {  	s9 =	smov.u32 s1;
	s5 =	smov.u32 s12;
	s12 =	ssub.s32 s20, s10  }
0xc1: {  	s30 =	smov.u32 s9;
	s9 =	smul.u32 $0x50, s12;
	_ =	sdelay $0x1  }
0xc2: {  	[sflag:s17] =	ssyncset.done $0x0;
	s12 =	rddreg [dreg:$0x14];
	s9 =	sshrl.u32 s9, $0x3  }
0xc3: {  	[sflag:s17] =	ssyncadd.s32 $0xFFFF9C00;
	s13 =	sadd.s32 s12, s9  }
0xc4: {  	[tilespmem:s2], [sflag:$0x3] =	stream.linear.gather [hbm4b:s13+s2], $0x190, $0x38;
	[tilespmem:$0x19640] =	vst v63  }
0xc5: {  	_ =	swait.ge [sflag:s17], $0x190  }
0xc6: {  	s29 =	smov.u32 s14;
	s6 =	rddreg [dreg:$0x15];
	[sflag:s17] =	ssyncset.done $0x0  }
0xc7: {  	s14 =	simm.s32 $0x190;
	s9 =	sadd.s32 s6, s9;
	[sflag:s17] =	ssyncadd.s32 $0xFFFFFE70  }
0xc8: {  	[tilespmem:s14], [sflag:$0x3] =	stream.linear.gather [hbm4b:s9+s2], $0x190, $0x38;
	[tilespmem:$0x19640] =	vst v63  }
0xc9: {  	_ =	swait.ge [sflag:s17], $0x190  }
0xca: {  	[sflag:s17] =	ssyncset.done $0x0  }
0xcb: {  	[sflag:s17] =	ssyncadd.s32 $0xFFFFFE70  }
0xcc: {  	s22 =	simm.s32 $0x320;
	s26 =	rddreg [dreg:$0x0]  }
0xcd: {  	[tilespmem:s22], [sflag:$0x1] =	stream.indirect.gather [hbm4b:s26+s19], $0x40, s2, s19, $0xb8;
	[tilespmem:$0x19640] =	vst v63  }
0xce: {  	s15 =	simm.s32 $0x6720  }
0xcf: {  	[tilespmem:s15], [sflag:$0x1] =	stream.indirect.gather [hbm4b:s4+s19], $0x40, s14, s19, $0xb8;
	[tilespmem:$0x19640] =	vst v63  }
0xd0: {  	p6 =	slt.s32 s25, $0x1;
	s18 =	simm.s32 $0x1720  }
0xd1: {  	[tilespmem:s18], [sflag:$0x1] =	stream.indirect.gather [hbm4b:s26+s19], $0x40, s19, s19, $0xb8;
	[tilespmem:$0x19640] =	vst v63  }
0xd2: {  	s21 =	simm.s32 $0x7B20;
	p2 =	por !p6, !p3;
	s20 =	simm.s32 $0x1E0  }
0xd3: {  	[tilespmem:s21], [sflag:$0x1] =	stream.indirect.gather [hbm4b:s4+s19], $0x40, s20, s19, $0xb8;
	[tilespmem:$0x19640] =	vst v63  }
0xd4: {  	p1 =	por !p2, !p2;
	s13 =	simm.s32 $0xA0;
	s14 =	simm.s32 $0x2B20  }
0xd5: {  	[tilespmem:s14], [sflag:$0x1] =	stream.indirect.gather [hbm4b:s26+s19], $0x40, s13, s19, $0xb8;
	[tilespmem:$0x19640] =	vst v63  }
0xd6: {  	s10 =	simm.s32 $0x1;
	s15 =	simm.s32 $0x230;
	s18 =	simm.s32 $0x8F20  }
0xd7: {  	[tilespmem:s18], [sflag:$0x1] =	stream.indirect.gather [hbm4b:s4+s19], $0x40, s15, s19, $0xb8;
	[tilespmem:$0x19640] =	vst v63  }
0xd8: {  	s10 =	simm.s32 @!p1 $0x0;
	s20 =	simm.s32 $0xF0;
	s21 =	simm.s32 $0x3F20  }
0xd9: {  	[tilespmem:s21], [sflag:$0x1] =	stream.indirect.gather [hbm4b:s26+s19], $0x40, s20, s19, $0xb8;
	[tilespmem:$0x19640] =	vst v63  }
0xda: {  	s10 =	ssub.s32 s11, s10;
	s13 =	simm.s32 $0x280;
	s14 =	simm.s32 $0xA320  }
0xdb: {  	[tilespmem:s14], [sflag:$0x1] =	stream.indirect.gather [hbm4b:s4+s19], $0x40, s13, s19, $0xb8;
	[tilespmem:$0x19640] =	vst v63  }
0xdc: {  	s10 =	smul.u32 $0x50, s10;
	s15 =	simm.s32 $0x140;
	s18 =	simm.s32 $0x5320  }
0xdd: {  	[tilespmem:s18], [sflag:$0x1] =	stream.indirect.gather [hbm4b:s26+s19], $0x40, s15, s19, $0xb8;
	[tilespmem:$0x19640] =	vst v63  }
0xde: {  	s10 =	sshrl.u32 s10, $0x3;
	s20 =	simm.s32 $0x2D0;
	s21 =	simm.s32 $0xB720  }
0xdf: {  	[tilespmem:s21], [sflag:$0x1] =	stream.indirect.gather [hbm4b:s4+s19], $0x40, s20, s19, $0xb8;
	[tilespmem:$0x19640] =	vst v63  }
0xe0: {  	s12 =	sadd.s32 s12, s10;
	s14 =	simm.s32 $0xCB20  }
0xe1: {  	[tilespmem:s14], [sflag:$0x3] =	stream.linear.gather [hbm4b:s12+s2], $0x190, $0x38;
	[tilespmem:$0x19640] =	vst v63  }
0xe2: {  	_ =	swait.ge [sflag:s17], $0x190  }
0xe3: {  	[sflag:s17] =	ssyncset.done $0x0  }
0xe4: {  	s13 =	sadd.s32 s6, s10;
	s15 =	simm.s32 $0xCCB0;
	[sflag:s17] =	ssyncadd.s32 $0xFFFFFE70  }
0xe5: {  	[tilespmem:s15], [sflag:$0x3] =	stream.linear.gather [hbm4b:s13+s2], $0x190, $0x38;
	[tilespmem:$0x19640] =	vst v63  }
0xe6: {  	_ =	swait.ge [sflag:s17], $0x190  }
0xe7: {  	s9 =	rddreg [dreg:$0x8]  }
0xe8: {  	s10 =	rddreg [dreg:$0xd]  }
0xe9: {  	s11 =	rddreg [dreg:$0x6]  }
0xea: {  	s12 =	rddreg [dreg:$0xf]  }
0xeb: {  	s13 =	rddreg [dreg:$0x9]  }
0xec: {  	s18 =	rddreg [dreg:$0x4];
	[sflag:s17] =	ssyncset.done $0x0  }
0xed: {  	s20 =	rddreg [dreg:$0x5];
	[sflag:s17] =	ssyncadd.s32 $0xFFFFFE70  }
0xee: {  	[tilespmem:s7], [sflag:$0x2] =	stream.indirect.gather [hbm4b:s26+s19], $0x40, s14, s19, $0xb8;
	[tilespmem:$0x19640] =	vst v63  }
0xef: {  	s21 =	rddreg [dreg:$0x7]  }
0xf0: {  	[tilespmem:s8], [sflag:$0x2] =	stream.indirect.gather [hbm4b:s4+s19], $0x40, s15, s19, $0xb8;
	[tilespmem:$0x19640] =	vst v63  }
0xf1: {  	s6 =	rddreg [dreg:$0xe]  }
0xf2: {  	[tilespmem:s20], [sflag:$0x2] =	stream.indirect.gather [hbm4b:s26+s19], $0x40, s18, s19, $0xb8;
	[tilespmem:$0x19640] =	vst v63  }
0xf3: {  	s14 =	rddreg [dreg:$0xb]  }
0xf4: {  	[tilespmem:s21], [sflag:$0x2] =	stream.indirect.gather [hbm4b:s4+s19], $0x40, s11, s19, $0xb8;
	[tilespmem:$0x19640] =	vst v63  }
0xf5: {  	s7 =	rddreg [dreg:$0x11]  }
0xf6: {  	[tilespmem:s13], [sflag:$0x2] =	stream.indirect.gather [hbm4b:s26+s19], $0x40, s9, s19, $0xb8;
	[tilespmem:$0x19640] =	vst v63  }
0xf7: {  	s8 =	rddreg [dreg:$0xa]  }
0xf8: {  	[tilespmem:s14], [sflag:$0x2] =	stream.indirect.gather [hbm4b:s4+s19], $0x40, s8, s19, $0xb8;
	[tilespmem:$0x19640] =	vst v63  }
0xf9: {  	s18 =	rddreg [dreg:$0xc]  }
0xfa: {  	[tilespmem:s10], [sflag:$0x2] =	stream.indirect.gather [hbm4b:s26+s19], $0x40, s18, s19, $0xb8;
	[tilespmem:$0x19640] =	vst v63  }
0xfb: {  	s15 =	rddreg [dreg:$0x13]  }
0xfc: {  	[tilespmem:s12], [sflag:$0x2] =	stream.indirect.gather [hbm4b:s4+s19], $0x40, s6, s19, $0xb8;
	[tilespmem:$0x19640] =	vst v63  }
0xfd: {  	s8 =	rddreg [dreg:$0x10]  }
0xfe: {  	[tilespmem:s7], [sflag:$0x2] =	stream.indirect.gather [hbm4b:s26+s19], $0x40, s8, s19, $0xb8;
	[tilespmem:$0x19640] =	vst v63  }
0xff: {  	s14 =	rddreg [dreg:$0x12]  }
0x100: {  	[tilespmem:s15], [sflag:$0x2] =	stream.indirect.gather [hbm4b:s4+s19], $0x40, s14, s19, $0xb8;
	[tilespmem:$0x19640] =	vst v63  }
0x101: {  	_ =	swait.ge [sflag:s16], $0x1400  }
0x102: {  	[sflag:s16] =	ssyncset.done $0x0  }
0x103: {  	[sflag:s16] =	ssyncadd.s32 $0xFFFFEC00  }
0x104: {  	_ =	swait.ge [sflag:s16], $0x1400  }
0x105: {  	[sflag:s16] =	ssyncset.done $0x0  }
0x106: {  	[sflag:s16] =	ssyncadd.s32 $0xFFFFEC00  }
0x107: {  	_ =	swait.ge [sflag:s16], $0x1400  }
0x108: {  	[sflag:s16] =	ssyncset.done $0x0  }
0x109: {  	[sflag:s16] =	ssyncadd.s32 $0xFFFFEC00  }
0x10a: {  	_ =	swait.ge [sflag:s16], $0x1400  }
0x10b: {  	[sflag:s16] =	ssyncset.done $0x0  }
0x10c: {  	[sflag:s16] =	ssyncadd.s32 $0xFFFFEC00  }
0x10d: {  	_ =	swait.ge [sflag:s16], $0x1400  }
0x10e: {  	[sflag:s16] =	ssyncset.done $0x0  }
0x10f: {  	[sflag:s16] =	ssyncadd.s32 $0xFFFFEC00  }
0x110: {  	_ =	swait.ge [sflag:s16], $0x1400  }
0x111: {  	[sflag:s16] =	ssyncset.done $0x0  }
0x112: {  	[sflag:s16] =	ssyncadd.s32 $0xFFFFEC00  }
0x113: {  	_ =	swait.ge [sflag:s16], $0x1400  }
0x114: {  	[sflag:s16] =	ssyncset.done $0x0  }
0x115: {  	[sflag:s16] =	ssyncadd.s32 $0xFFFFEC00  }
0x116: {  	_ =	swait.ge [sflag:s16], $0x1400  }
0x117: {  	[sflag:s16] =	ssyncset.done $0x0  }
0x118: {  	[sflag:s16] =	ssyncadd.s32 $0xFFFFEC00  }
0x119: {  	_ =	swait.ge [sflag:s16], $0x1400  }
0x11a: {  	[sflag:s16] =	ssyncset.done $0x0  }
0x11b: {  	s24 =	sadd.s32 $0x1900, s24;
	[sflag:s16] =	ssyncadd.s32 $0xFFFFEC00  }
0x11c: {  	s18 =	sadd.s32 $0xFFFFF380, s24;
	_ =	swait.ge [sflag:s16], $0x1400  }
0x11d: {  	s9 =	sand.u32 $0x1FFFFF80, s18;
	[sflag:s16] =	ssyncset.done $0x0;
	s20 =	rddreg [dreg:$0x16]  }
0x11e: {  	s21 =	sadd.s32 s20, s9;
	[sflag:s16] =	ssyncadd.s32 $0xFFFFEC00  }
0x11f: {  	[hbm4b:s21+s2] =	stream.linear.scatter [tilespmem:s22], [sflag:$0x3], $0x6400, $0x38;
	[tilespmem:$0x19640] =	vst v63  }
0x120: {  	_ =	swait.ge [sflag:s17], $0x6400  }
0x121: {  	[sflag:s17] =	ssyncset.done $0x0  }
0x122: {  	s26 =	simm.s32 $0x6720;
	s9 =	sadd.s32 s3, s9;
	[sflag:s17] =	ssyncadd.s32 $0xFFFF9C00  }
0x123: {  	[hbm4b:s9+s2] =	stream.linear.scatter [tilespmem:s26], [sflag:$0x3], $0x6400, $0x38;
	[tilespmem:$0x19640] =	vst v63  }
0x124: {  	_ =	swait.ge [sflag:s17], $0x6400  }
0x125: {  	[sflag:s17] =	ssyncset.done $0x0  }
0x126: {  	[sflag:s17] =	ssyncadd.s32 $0xFFFF9C00  }
0x127: {  	_ =	swait.ge [sflag:s23], $0x1400  }
0x128: {  	[sflag:s23] =	ssyncset.done $0x0  }
0x129: {  	[sflag:s23] =	ssyncadd.s32 $0xFFFFEC00  }
0x12a: {  	_ =	swait.ge [sflag:s23], $0x1400  }
0x12b: {  	[sflag:s23] =	ssyncset.done $0x0  }
0x12c: {  	[sflag:s23] =	ssyncadd.s32 $0xFFFFEC00  }
0x12d: {  	_ =	swait.ge [sflag:s23], $0x1400  }
0x12e: {  	[sflag:s23] =	ssyncset.done $0x0  }
0x12f: {  	[sflag:s23] =	ssyncadd.s32 $0xFFFFEC00  }
0x130: {  	_ =	swait.ge [sflag:s23], $0x1400  }
0x131: {  	[sflag:s23] =	ssyncset.done $0x0  }
0x132: {  	[sflag:s23] =	ssyncadd.s32 $0xFFFFEC00  }
0x133: {  	_ =	swait.ge [sflag:s23], $0x1400  }
0x134: {  	[sflag:s23] =	ssyncset.done $0x0  }
0x135: {  	[sflag:s23] =	ssyncadd.s32 $0xFFFFEC00  }
0x136: {  	_ =	swait.ge [sflag:s23], $0x1400  }
0x137: {  	[sflag:s23] =	ssyncset.done $0x0  }
0x138: {  	[sflag:s23] =	ssyncadd.s32 $0xFFFFEC00  }
0x139: {  	_ =	swait.ge [sflag:s23], $0x1400  }
0x13a: {  	[sflag:s23] =	ssyncset.done $0x0  }
0x13b: {  	p0 =	sne.s32 s1, $0xFFFFDDA0;
	[sflag:s23] =	ssyncadd.s32 $0xFFFFEC00  }
.Ltmp0:
0x13c: {  	_ =	swait.ge [sflag:s23], $0x1400;
	(pc) =	sbr.rel @p0 .LBB2_2-.Ltmp0, $4  }
0x13d: {  	[sflag:s23] =	ssyncset.done $0x0  }
0x13e: {  	s1 =	sadd.s32 $0xFFFFFCE0, s1;
	[sflag:s23] =	ssyncadd.s32 $0xFFFFEC00  }
0x13f: {  	s25 =	smov.u32 s0;
	s31 =	sand.u32 $0x1FFFFF80, s24;
	_ =	swait.ge [sflag:s23], $0x1400  }
0x140: {  	s0 =	sadd.s32 $0x320, s0;
	s10 =	sadd.s32 s20, s31;
	[sflag:s23] =	ssyncset.done $0x0  }
0x141: {  	[sflag:s23] =	ssyncadd.s32 $0xFFFFEC00  }
0x142: {  	_ =	swait.ge [sflag:s23], $0x1400  }
0x143: {  	[sflag:s23] =	ssyncset.done $0x0  }
0x144: {  	s14 =	simm.s32 $0xCE40;
	s2 =	simm.s32 $0x0;
	[sflag:s23] =	ssyncadd.s32 $0xFFFFEC00  }
0x145: {  	[hbm4b:s10+s2] =	stream.linear.scatter [tilespmem:s14], [sflag:$0x3], $0x6400, $0x38;
	[tilespmem:$0x19640] =	vst v63  }
0x146: {  	_ =	swait.ge [sflag:s17], $0x6400  }
0x147: {  	s7 =	simm.s32 $0x13240;
	[sflag:s17] =	ssyncset.done $0x0;
	s3 =	rddreg [dreg:$0x17]  }
0x148: {  	s15 =	sshrl.u32 s28, $0x1F;
	s0 =	sadd.s32 s3, s31;
	[sflag:s17] =	ssyncadd.s32 $0xFFFF9C00  }
0x149: {  	[hbm4b:s0+s2] =	stream.linear.scatter [tilespmem:s7], [sflag:$0x3], $0x6400, $0x38;
	[tilespmem:$0x19640] =	vst v63  }
0x14a: {  	s0 =	sadd.s32 s15, s29;
	_ =	swait.ge [sflag:s17], $0x6400  }
0x14b: {  	s9 =	smul.u32 $0xFFFFFFB0, s0;
	s1 =	rddreg [dreg:$0x3]  }
0x14c: {  	s1 =	sadd.s32 s30, s1  }
0x14d: {  	p0 =	slt.s32 s5, $0x1;
	p1 =	sne.s32 s1, s9  }
0x14e: {  	p0 =	por !p0, !p1  }
0x14f: {  	s9 =	simm.s32 $0x1;
	p0 =	por !p0, !p0  }
0x150: {  	s9 =	simm.s32 @!p0 $0x0  }
0x151: {  	s0 =	ssub.s32 s0, s9  }
0x152: {  	s0 =	smul.u32 $0x50, s0;
	_ =	sdelay $0x1  }
0x153: {  	[sflag:s17] =	ssyncset.done $0x0;
	s5 =	rddreg [dreg:$0x14];
	s0 =	sshrl.u32 s0, $0x3  }
0x154: {  	[sflag:s17] =	ssyncadd.s32 $0xFFFF9C00;
	s18 =	sadd.s32 s5, s0  }
0x155: {  	[tilespmem:s2], [sflag:$0x3] =	stream.linear.gather [hbm4b:s18+s2], $0x190, $0x38;
	[tilespmem:$0x19640] =	vst v63  }
0x156: {  	s11 =	simm.s32 $0x190;
	_ =	swait.ge [sflag:s17], $0x190  }
0x157: {  	s20 =	smulhi.u32 $0x66666667, s25;
	[sflag:s17] =	ssyncset.done $0x0;
	s6 =	rddreg [dreg:$0x15]  }
0x158: {  	s21 =	sshra.s32 s25, $0x1F;
	s0 =	sadd.s32 s6, s0;
	[sflag:s17] =	ssyncadd.s32 $0xFFFFFE70  }
0x159: {  	[tilespmem:s11], [sflag:$0x3] =	stream.linear.gather [hbm4b:s0+s2], $0x190, $0x38;
	[tilespmem:$0x19640] =	vst v63  }
0x15a: {  	s9 =	smul.u32 $0x66666667, s21;
	_ =	swait.ge [sflag:s17], $0x190  }
0x15b: {  	s12 =	simm.s32 $0x320;
	[sflag:s17] =	ssyncset.done $0x0  }
0x15c: {  	s13 =	simm.s32 $0x6720;
	s0 =	sadd.s32 s9, s20;
	[sflag:s17] =	ssyncadd.s32 $0xFFFFFE70  }
0x15d: {  	s9 =	sshra.s32 s0, $0x5;
	s0 =	sshrl.u32 s0, $0x1F;
	s8 =	rddreg [dreg:$0x0]  }
0x15e: {  	[tilespmem:s12], [sflag:$0x1] =	stream.indirect.gather [hbm4b:s8+s19], $0x40, s2, s19, $0xb8;
	[tilespmem:$0x19640] =	vst v63  }
0x15f: {  	s22 =	simm.s32 $0x1720;
	p5 =	slt.s32 s25, $0x1;
	s0 =	sadd.s32 s0, s9  }
0x160: {  	[tilespmem:s13], [sflag:$0x1] =	stream.indirect.gather [hbm4b:s4+s19], $0x40, s11, s19, $0xb8;
	[tilespmem:$0x19640] =	vst v63  }
0x161: {  	s26 =	simm.s32 $0x1E0;
	s1 =	sadd.s32 $0xFFFFFE70, s1;
	s9 =	smul.u32 $0xFFFFFFB0, s0  }
0x162: {  	[tilespmem:s22], [sflag:$0x1] =	stream.indirect.gather [hbm4b:s8+s19], $0x40, s19, s19, $0xb8;
	[tilespmem:$0x19640] =	vst v63  }
0x163: {  	s28 =	simm.s32 $0x7B20;
	s25 =	simm.s32 $0x8F20;
	p6 =	sne.s32 s1, s9  }
0x164: {  	[tilespmem:s28], [sflag:$0x1] =	stream.indirect.gather [hbm4b:s4+s19], $0x40, s26, s19, $0xb8;
	[tilespmem:$0x19640] =	vst v63  }
0x165: {  	s29 =	simm.s32 $0xA0;
	s30 =	simm.s32 $0x2B20;
	p0 =	por !p5, !p6  }
0x166: {  	[tilespmem:s30], [sflag:$0x1] =	stream.indirect.gather [hbm4b:s8+s19], $0x40, s29, s19, $0xb8;
	[tilespmem:$0x19640] =	vst v63  }
0x167: {  	s31 =	simm.s32 $0x230;
	s1 =	simm.s32 $0x1;
	p0 =	por !p0, !p0  }
0x168: {  	[tilespmem:s25], [sflag:$0x1] =	stream.indirect.gather [hbm4b:s4+s19], $0x40, s31, s19, $0xb8;
	[tilespmem:$0x19640] =	vst v63  }
0x169: {  	s1 =	simm.s32 @!p0 $0x0;
	s26 =	simm.s32 $0xF0;
	s28 =	simm.s32 $0x3F20  }
0x16a: {  	[tilespmem:s28], [sflag:$0x1] =	stream.indirect.gather [hbm4b:s8+s19], $0x40, s26, s19, $0xb8;
	[tilespmem:$0x19640] =	vst v63  }
0x16b: {  	s0 =	ssub.s32 s0, s1;
	s29 =	simm.s32 $0x280;
	s30 =	simm.s32 $0xA320  }
0x16c: {  	[tilespmem:s30], [sflag:$0x1] =	stream.indirect.gather [hbm4b:s4+s19], $0x40, s29, s19, $0xb8;
	[tilespmem:$0x19640] =	vst v63  }
0x16d: {  	s21 =	simm.s32 $0x5320;
	s0 =	smul.u32 $0x50, s0;
	s31 =	simm.s32 $0x140  }
0x16e: {  	[tilespmem:s21], [sflag:$0x1] =	stream.indirect.gather [hbm4b:s8+s19], $0x40, s31, s19, $0xb8;
	[tilespmem:$0x19640] =	vst v63  }
0x16f: {  	s15 =	simm.s32 $0xB720;
	s18 =	simm.s32 $0x2D0;
	s0 =	sshrl.u32 s0, $0x3  }
0x170: {  	[tilespmem:s15], [sflag:$0x1] =	stream.indirect.gather [hbm4b:s4+s19], $0x40, s18, s19, $0xb8;
	[tilespmem:$0x19640] =	vst v63  }
0x171: {  	s20 =	simm.s32 $0xCB20;
	s10 =	sadd.s32 s5, s0  }
0x172: {  	[tilespmem:s20], [sflag:$0x3] =	stream.linear.gather [hbm4b:s10+s2], $0x190, $0x38;
	[tilespmem:$0x19640] =	vst v63  }
0x173: {  	_ =	swait.ge [sflag:s17], $0x190  }
0x174: {  	[sflag:s17] =	ssyncset.done $0x0  }
0x175: {  	s9 =	simm.s32 $0xCCB0;
	s0 =	sadd.s32 s6, s0;
	[sflag:s17] =	ssyncadd.s32 $0xFFFFFE70  }
0x176: {  	[tilespmem:s9], [sflag:$0x3] =	stream.linear.gather [hbm4b:s0+s2], $0x190, $0x38;
	[tilespmem:$0x19640] =	vst v63  }
0x177: {  	_ =	swait.ge [sflag:s17], $0x190  }
0x178: {  	s10 =	rddreg [dreg:$0x6]  }
0x179: {  	s22 =	rddreg [dreg:$0x4]  }
0x17a: {  	[sflag:s17] =	ssyncset.done $0x0;
	s5 =	rddreg [dreg:$0x5]  }
0x17b: {  	s6 =	rddreg [dreg:$0x7];
	[sflag:s17] =	ssyncadd.s32 $0xFFFFFE70  }
0x17c: {  	[tilespmem:s14], [sflag:$0x2] =	stream.indirect.gather [hbm4b:s8+s19], $0x40, s20, s19, $0xb8;
	[tilespmem:$0x19640] =	vst v63  }
0x17d: {  	s20 =	rddreg [dreg:$0x8]  }
0x17e: {  	[tilespmem:s7], [sflag:$0x2] =	stream.indirect.gather [hbm4b:s4+s19], $0x40, s9, s19, $0xb8;
	[tilespmem:$0x19640] =	vst v63  }
0x17f: {  	s9 =	rddreg [dreg:$0x11]  }
0x180: {  	[tilespmem:s5], [sflag:$0x2] =	stream.indirect.gather [hbm4b:s8+s19], $0x40, s22, s19, $0xb8;
	[tilespmem:$0x19640] =	vst v63  }
0x181: {  	s22 =	rddreg [dreg:$0x9]  }
0x182: {  	s5 =	rddreg [dreg:$0xb]  }
0x183: {  	[tilespmem:s6], [sflag:$0x2] =	stream.indirect.gather [hbm4b:s4+s19], $0x40, s10, s19, $0xb8;
	[tilespmem:$0x19640] =	vst v63  }
0x184: {  	s6 =	rddreg [dreg:$0xa]  }
0x185: {  	[tilespmem:s22], [sflag:$0x2] =	stream.indirect.gather [hbm4b:s8+s19], $0x40, s20, s19, $0xb8;
	[tilespmem:$0x19640] =	vst v63  }
0x186: {  	s20 =	rddreg [dreg:$0xd]  }
0x187: {  	s22 =	rddreg [dreg:$0xc]  }
0x188: {  	[tilespmem:s5], [sflag:$0x2] =	stream.indirect.gather [hbm4b:s4+s19], $0x40, s6, s19, $0xb8;
	[tilespmem:$0x19640] =	vst v63  }
0x189: {  	s5 =	rddreg [dreg:$0xf]  }
0x18a: {  	s6 =	rddreg [dreg:$0xe]  }
0x18b: {  	[tilespmem:s20], [sflag:$0x2] =	stream.indirect.gather [hbm4b:s8+s19], $0x40, s22, s19, $0xb8;
	[tilespmem:$0x19640] =	vst v63  }
0x18c: {  	s20 =	rddreg [dreg:$0x10]  }
0x18d: {  	[tilespmem:s5], [sflag:$0x2] =	stream.indirect.gather [hbm4b:s4+s19], $0x40, s6, s19, $0xb8;
	[tilespmem:$0x19640] =	vst v63  }
0x18e: {  	s22 =	rddreg [dreg:$0x12]  }
0x18f: {  	[tilespmem:s9], [sflag:$0x2] =	stream.indirect.gather [hbm4b:s8+s19], $0x40, s20, s19, $0xb8;
	[tilespmem:$0x19640] =	vst v63  }
0x190: {  	s5 =	rddreg [dreg:$0x13]  }
0x191: {  	[tilespmem:s5], [sflag:$0x2] =	stream.indirect.gather [hbm4b:s4+s19], $0x40, s22, s19, $0xb8;
	[tilespmem:$0x19640] =	vst v63  }
0x192: {  	_ =	swait.ge [sflag:s16], $0x1400  }
0x193: {  	[sflag:s16] =	ssyncset.done $0x0  }
0x194: {  	[sflag:s16] =	ssyncadd.s32 $0xFFFFEC00  }
0x195: {  	_ =	swait.ge [sflag:s16], $0x1400  }
0x196: {  	[sflag:s16] =	ssyncset.done $0x0  }
0x197: {  	[sflag:s16] =	ssyncadd.s32 $0xFFFFEC00  }
0x198: {  	_ =	swait.ge [sflag:s16], $0x1400  }
0x199: {  	[sflag:s16] =	ssyncset.done $0x0  }
0x19a: {  	[sflag:s16] =	ssyncadd.s32 $0xFFFFEC00  }
0x19b: {  	_ =	swait.ge [sflag:s16], $0x1400  }
0x19c: {  	[sflag:s16] =	ssyncset.done $0x0  }
0x19d: {  	[sflag:s16] =	ssyncadd.s32 $0xFFFFEC00  }
0x19e: {  	_ =	swait.ge [sflag:s16], $0x1400  }
0x19f: {  	[sflag:s16] =	ssyncset.done $0x0  }
0x1a0: {  	[sflag:s16] =	ssyncadd.s32 $0xFFFFEC00  }
0x1a1: {  	_ =	swait.ge [sflag:s16], $0x1400  }
0x1a2: {  	[sflag:s16] =	ssyncset.done $0x0  }
0x1a3: {  	[sflag:s16] =	ssyncadd.s32 $0xFFFFEC00  }
0x1a4: {  	_ =	swait.ge [sflag:s16], $0x1400  }
0x1a5: {  	[sflag:s16] =	ssyncset.done $0x0  }
0x1a6: {  	[sflag:s16] =	ssyncadd.s32 $0xFFFFEC00  }
0x1a7: {  	_ =	swait.ge [sflag:s16], $0x1400  }
0x1a8: {  	[sflag:s16] =	ssyncset.done $0x0  }
0x1a9: {  	[sflag:s16] =	ssyncadd.s32 $0xFFFFEC00  }
0x1aa: {  	_ =	swait.ge [sflag:s16], $0x1400  }
0x1ab: {  	[sflag:s16] =	ssyncset.done $0x0  }
0x1ac: {  	s6 =	sadd.s32 $0x1900, s24;
	[sflag:s16] =	ssyncadd.s32 $0xFFFFEC00  }
0x1ad: {  	s10 =	sadd.s32 $0xFFFFF380, s6;
	_ =	swait.ge [sflag:s16], $0x1400  }
0x1ae: {  	s1 =	sand.u32 $0x1FFFFF80, s10;
	[sflag:s16] =	ssyncset.done $0x0;
	s20 =	rddreg [dreg:$0x16]  }
0x1af: {  	s22 =	sadd.s32 s20, s1;
	[sflag:s16] =	ssyncadd.s32 $0xFFFFEC00  }
0x1b0: {  	[hbm4b:s22+s2] =	stream.linear.scatter [tilespmem:s12], [sflag:$0x3], $0x6400, $0x38;
	[tilespmem:$0x19640] =	vst v63  }
0x1b1: {  	_ =	swait.ge [sflag:s17], $0x6400  }
0x1b2: {  	[sflag:s17] =	ssyncset.done $0x0  }
0x1b3: {  	s1 =	sadd.s32 s3, s1;
	[sflag:s17] =	ssyncadd.s32 $0xFFFF9C00  }
0x1b4: {  	[hbm4b:s1+s2] =	stream.linear.scatter [tilespmem:s13], [sflag:$0x3], $0x6400, $0x38;
	[tilespmem:$0x19640] =	vst v63  }
0x1b5: {  	_ =	swait.ge [sflag:s17], $0x6400  }
0x1b6: {  	[sflag:s17] =	ssyncset.done $0x0  }
0x1b7: {  	[sflag:s17] =	ssyncadd.s32 $0xFFFF9C00  }
0x1b8: {  	_ =	swait.ge [sflag:s23], $0x1400  }
0x1b9: {  	[sflag:s23] =	ssyncset.done $0x0  }
0x1ba: {  	[sflag:s23] =	ssyncadd.s32 $0xFFFFEC00  }
0x1bb: {  	_ =	swait.ge [sflag:s23], $0x1400  }
0x1bc: {  	[sflag:s23] =	ssyncset.done $0x0  }
0x1bd: {  	[sflag:s23] =	ssyncadd.s32 $0xFFFFEC00  }
0x1be: {  	_ =	swait.ge [sflag:s23], $0x1400  }
0x1bf: {  	[sflag:s23] =	ssyncset.done $0x0  }
0x1c0: {  	[sflag:s23] =	ssyncadd.s32 $0xFFFFEC00  }
0x1c1: {  	_ =	swait.ge [sflag:s23], $0x1400  }
0x1c2: {  	[sflag:s23] =	ssyncset.done $0x0  }
0x1c3: {  	[sflag:s23] =	ssyncadd.s32 $0xFFFFEC00  }
0x1c4: {  	_ =	swait.ge [sflag:s23], $0x1400  }
0x1c5: {  	[sflag:s23] =	ssyncset.done $0x0  }
0x1c6: {  	[sflag:s23] =	ssyncadd.s32 $0xFFFFEC00  }
0x1c7: {  	_ =	swait.ge [sflag:s23], $0x1400  }
0x1c8: {  	[sflag:s23] =	ssyncset.done $0x0  }
0x1c9: {  	[sflag:s23] =	ssyncadd.s32 $0xFFFFEC00  }
0x1ca: {  	_ =	swait.ge [sflag:s23], $0x1400  }
0x1cb: {  	[sflag:s23] =	ssyncset.done $0x0  }
0x1cc: {  	[sflag:s23] =	ssyncadd.s32 $0xFFFFEC00  }
0x1cd: {  	_ =	swait.ge [sflag:s23], $0x1400  }
0x1ce: {  	[sflag:s23] =	ssyncset.done $0x0  }
0x1cf: {  	[sflag:s23] =	ssyncadd.s32 $0xFFFFEC00  }
0x1d0: {  	_ =	swait.ge [sflag:s23], $0x1400  }
0x1d1: {  	[sflag:s23] =	ssyncset.done $0x0  }
0x1d2: {  	[sflag:s23] =	ssyncadd.s32 $0xFFFFEC00  }
0x1d3: {  	_ =	swait.ge [sflag:s23], $0x1400  }
0x1d4: {  	s0 =	sand.u32 $0x1FFFFF80, s6;
	[sflag:s23] =	ssyncset.done $0x0  }
0x1d5: {  	s24 =	sadd.s32 s20, s0;
	[sflag:s23] =	ssyncadd.s32 $0xFFFFEC00  }
0x1d6: {  	[hbm4b:s24+s2] =	stream.linear.scatter [tilespmem:s14], [sflag:$0x3], $0x6400, $0x38;
	[tilespmem:$0x19640] =	vst v63  }
0x1d7: {  	_ =	swait.ge [sflag:s17], $0x6400  }
0x1d8: {  	[sflag:s17] =	ssyncset.done $0x0  }
0x1d9: {  	s0 =	sadd.s32 s3, s0;
	[sflag:s17] =	ssyncadd.s32 $0xFFFF9C00  }
0x1da: {  	[hbm4b:s0+s2] =	stream.linear.scatter [tilespmem:s7], [sflag:$0x3], $0x6400, $0x38;
	[tilespmem:$0x19640] =	vst v63  }
0x1db: {  	_ =	swait.ge [sflag:s17], $0x6400  }
0x1dc: {  	[sflag:s17] =	ssyncset.done $0x0  }
0x1dd: {  	s5 =	rddreg [dreg:$0x18];
	[sflag:s17] =	ssyncadd.s32 $0xFFFF9C00  }
0x1de: {  	[tilespmem:s2], [sflag:$0x3] =	stream.linear.gather [hbm4b:s5+s2], $0x190, $0x38;
	[tilespmem:$0x19640] =	vst v63  }
0x1df: {  	_ =	swait.ge [sflag:s17], $0x190  }
0x1e0: {  	[sflag:s17] =	ssyncset.done $0x0  }
0x1e1: {  	s6 =	rddreg [dreg:$0x19];
	[sflag:s17] =	ssyncadd.s32 $0xFFFFFE70  }
0x1e2: {  	[tilespmem:s11], [sflag:$0x3] =	stream.linear.gather [hbm4b:s6+s2], $0x190, $0x38;
	[tilespmem:$0x19640] =	vst v63  }
0x1e3: {  	_ =	swait.ge [sflag:s17], $0x190  }
0x1e4: {  	[sflag:s17] =	ssyncset.done $0x0  }
0x1e5: {  	[sflag:s17] =	ssyncadd.s32 $0xFFFFFE70  }
0x1e6: {  	[tilespmem:s12], [sflag:$0x1] =	stream.indirect.gather [hbm4b:s8+s19], $0x40, s2, s19, $0xb8;
	[tilespmem:$0x19640] =	vst v63  }
0x1e7: {  	_ = 	snop  }
0x1e8: {  	[tilespmem:s13], [sflag:$0x1] =	stream.indirect.gather [hbm4b:s4+s19], $0x40, s11, s19, $0xb8;
	[tilespmem:$0x19640] =	vst v63  }
0x1e9: {  	s7 =	simm.s32 $0x1720  }
0x1ea: {  	[tilespmem:s7], [sflag:$0x1] =	stream.indirect.gather [hbm4b:s8+s19], $0x40, s19, s19, $0xb8;
	[tilespmem:$0x19640] =	vst v63  }
0x1eb: {  	s9 =	simm.s32 $0x7B20;
	s10 =	simm.s32 $0x1E0  }
0x1ec: {  	[tilespmem:s9], [sflag:$0x1] =	stream.indirect.gather [hbm4b:s4+s19], $0x40, s10, s19, $0xb8;
	[tilespmem:$0x19640] =	vst v63  }
0x1ed: {  	s14 =	simm.s32 $0x2B20;
	s11 =	simm.s32 $0xA0  }
0x1ee: {  	[tilespmem:s14], [sflag:$0x1] =	stream.indirect.gather [hbm4b:s8+s19], $0x40, s11, s19, $0xb8;
	[tilespmem:$0x19640] =	vst v63  }
0x1ef: {  	s24 =	simm.s32 $0x230  }
0x1f0: {  	[tilespmem:s25], [sflag:$0x1] =	stream.indirect.gather [hbm4b:s4+s19], $0x40, s24, s19, $0xb8;
	[tilespmem:$0x19640] =	vst v63  }
0x1f1: {  	_ = 	snop  }
0x1f2: {  	[tilespmem:s28], [sflag:$0x1] =	stream.indirect.gather [hbm4b:s8+s19], $0x40, s26, s19, $0xb8;
	[tilespmem:$0x19640] =	vst v63  }
0x1f3: {  	_ = 	snop  }
0x1f4: {  	[tilespmem:s30], [sflag:$0x1] =	stream.indirect.gather [hbm4b:s4+s19], $0x40, s29, s19, $0xb8;
	[tilespmem:$0x19640] =	vst v63  }
0x1f5: {  	_ = 	snop  }
0x1f6: {  	[tilespmem:s21], [sflag:$0x1] =	stream.indirect.gather [hbm4b:s8+s19], $0x40, s31, s19, $0xb8;
	[tilespmem:$0x19640] =	vst v63  }
0x1f7: {  	_ = 	snop  }
0x1f8: {  	[tilespmem:s15], [sflag:$0x1] =	stream.indirect.gather [hbm4b:s4+s19], $0x40, s18, s19, $0xb8;
	[tilespmem:$0x19640] =	vst v63  }
0x1f9: {  	_ =	swait.ge [sflag:s16], $0x1400  }
0x1fa: {  	[sflag:s16] =	ssyncset.done $0x0  }
0x1fb: {  	[sflag:s16] =	ssyncadd.s32 $0xFFFFEC00  }
0x1fc: {  	_ =	swait.ge [sflag:s16], $0x1400  }
0x1fd: {  	[sflag:s16] =	ssyncset.done $0x0  }
0x1fe: {  	[sflag:s16] =	ssyncadd.s32 $0xFFFFEC00  }
0x1ff: {  	_ =	swait.ge [sflag:s16], $0x1400  }
0x200: {  	[sflag:s16] =	ssyncset.done $0x0  }
0x201: {  	[sflag:s16] =	ssyncadd.s32 $0xFFFFEC00  }
0x202: {  	_ =	swait.ge [sflag:s16], $0x1400  }
0x203: {  	[sflag:s16] =	ssyncset.done $0x0  }
0x204: {  	[sflag:s16] =	ssyncadd.s32 $0xFFFFEC00  }
0x205: {  	_ =	swait.ge [sflag:s16], $0x1400  }
0x206: {  	[sflag:s16] =	ssyncset.done $0x0  }
0x207: {  	[sflag:s16] =	ssyncadd.s32 $0xFFFFEC00  }
0x208: {  	_ =	swait.ge [sflag:s16], $0x1400  }
0x209: {  	[sflag:s16] =	ssyncset.done $0x0  }
0x20a: {  	[sflag:s16] =	ssyncadd.s32 $0xFFFFEC00  }
0x20b: {  	_ =	swait.ge [sflag:s16], $0x1400  }
0x20c: {  	[sflag:s16] =	ssyncset.done $0x0  }
0x20d: {  	[sflag:s16] =	ssyncadd.s32 $0xFFFFEC00  }
0x20e: {  	_ =	swait.ge [sflag:s16], $0x1400  }
0x20f: {  	[sflag:s16] =	ssyncset.done $0x0  }
0x210: {  	[sflag:s16] =	ssyncadd.s32 $0xFFFFEC00  }
0x211: {  	_ =	swait.ge [sflag:s16], $0x1400  }
0x212: {  	[sflag:s16] =	ssyncset.done $0x0  }
0x213: {  	[sflag:s16] =	ssyncadd.s32 $0xFFFFEC00  }
0x214: {  	_ =	swait.ge [sflag:s16], $0x1400  }
0x215: {  	[sflag:s16] =	ssyncset.done $0x0  }
0x216: {  	s28 =	rddreg [dreg:$0x1a];
	[sflag:s16] =	ssyncadd.s32 $0xFFFFEC00  }
0x217: {  	[hbm4b:s28+s2] =	stream.linear.scatter [tilespmem:s12], [sflag:$0x3], $0x6400, $0x38;
	[tilespmem:$0x19640] =	vst v63  }
0x218: {  	_ =	swait.ge [sflag:s17], $0x6400  }
0x219: {  	[sflag:s17] =	ssyncset.done $0x0  }
0x21a: {  	s29 =	rddreg [dreg:$0x1b];
	[sflag:s17] =	ssyncadd.s32 $0xFFFF9C00  }
0x21b: {  	[hbm4b:s29+s2] =	stream.linear.scatter [tilespmem:s13], [sflag:$0x3], $0x6400, $0x38;
	[tilespmem:$0x19640] =	vst v63  }
0x21c: {  	_ =	swait.ge [sflag:s17], $0x6400  }
0x21d: {  	s30 =	rddreg [dreg:$0x1f]  }
0x21e: {  	s31 =	rddreg [dreg:$0x1c];
	s1 =	sadd.s32 $0x1, s30  }
0x21f: {  	p0 =	sne.s32 s1, s31  }
.Ltmp1:
0x220: {  	_ = 	snop;
	(pc) =	sbr.rel @p0 .LBB2_1-.Ltmp1, $3  }
0x221: {  	_ =	sdelay $0x1  }
0x222: {  	[sflag:s17] =	ssyncset.done $0x0  }
0x223: {  	s20 =	simm.s32 $0xCE40;
	s22 =	simm.s32 $0x13240;
	[sflag:s17] =	ssyncadd.s32 $0xFFFF9C00  }
0x224: {  	_ =	sfence.sel $0x180000  }
0x225: {  	[bflag:$0x0] =	sbarrier.arrive $0xFFFF  }
0x226: {  	_ =	strace $0x90000047  }
0x227: {  	s0 =	stileid.u32;
	[bflag:$0x2] =	sbarrier.arrive $0xFFFF  }
0x228: {  	p0 =	sne.s32 s0, $0x0;
	s0 =	rddreg [dreg:$0x2]  }
0x229: {  	s0 =	sadd.s32 @!p0 $0x100000, s0  }
0x22a: {  	[sflag:s0] =	ssyncadd.tile.s32 @!p0 $0x1;
	_ =	shalt  }
.Lfunc_end2:
_tile_overlayer_lowered:
.L_overlay_start_2:
0x22b: {  	(tag) =	ssettag $0x2  }
0x22c: {  	s0 =	rddreg [dreg:$0x0];
	s2 =	stileid.u32  }
0x22d: {  	s1 =	rddreg [dreg:$0x1];
	p0 =	sne.s32 s2, $0x0  }
0x22e: {  	s3 =	rddreg [dreg:$0x2];
	[bflag:$0x3] =	sbarrier.arrive $0xFFFF;
	s2 =	simm.s32 @!p0 $0x1C03  }
0x22f: {  	[timem:s3], [sflag:s2] =	dma.local @!p0 [hbm:s0], s1  }
0x230: {  	s0 =	simm.s32 @!p0 $0x3  }
0x231: {  	_ =	swait.ge @!p0 [sflag:s0], s1  }
0x232: {  	s1 =	ssub.s32 @!p0 $0x0, s1;
	[sflag:s0] =	ssyncset.done @!p0 $0x0  }
0x233: {  	[sflag:s0] =	ssyncadd.s32 @!p0 s1  }
0x234: {  	[bflag:$0x3] =	sbarrier.arrive $0xFFFF  }
0x235: {  	_ =	shalt  }

</sc_bundles>
